<compile_context>
chip_gen: v7x
topology: tpu7x:2x2x1
jax: 0.10.2.dev20260603
libtpu: 0.0.44.dev20260713+nightly
codegen_flags: <defaults>
</compile_context>

<pallas_src>
import functools

import jax
import jax.numpy as jnp
from jax import lax
from jax.experimental import pallas as pl
from jax.experimental.pallas import tpu as pltpu
from jax.experimental.pallas import tpu_sc as plsc

N, E, D = 10000, 320000, 128
NP = 10240
NCORES, NSUB, NW = 2, 16, 32
C = 128
EPW = 10240
NCH = EPW // C
NB = 8
NBLK = NCH // NB
EPAD = NW * EPW - E
ACC_N = 10112
RT = ACC_N // NSUB
BN = 1024
GRID = NP // BN

_sc_mesh = plsc.VectorSubcoreMesh(core_axis_name="c", subcore_axis_name="s")
_sc_params = pltpu.CompilerParams(needs_layout_passes=False)


@functools.partial(
    pl.kernel,
    out_type=jax.ShapeDtypeStruct((2 * NW, NP // 128, 128), jnp.float32),
    mesh=_sc_mesh,
    compiler_params=_sc_params,
    scratch_types=[
        pltpu.VMEM((NCH, C), jnp.int32),
        pltpu.VMEM((NCH, C), jnp.int32),
        pltpu.VMEM((NP // 128, 128), jnp.float32),
        pltpu.VMEM((NP // 128, 128), jnp.float32),
    ],
)
def _deg_kernel(src_hbm, dst_hbm, out_hbm, srcb, dstb, dsrc, ddst):
    cid = lax.axis_index("c")
    sid = lax.axis_index("s")
    wid = cid * NSUB + sid
    zeros16 = jnp.zeros((16,), jnp.float32)
    ones16 = jnp.ones((16,), jnp.float32)

    def zbody(j, carry):
        for cc in range(8):
            dsrc[j, pl.ds(cc * 16, 16)] = zeros16
            ddst[j, pl.ds(cc * 16, 16)] = zeros16
        return carry

    lax.fori_loop(0, NP // 128, zbody, 0)

    pltpu.sync_copy(src_hbm.at[wid], srcb)
    pltpu.sync_copy(dst_hbm.at[wid], dstb)

    def sbody(j, carry):
        for k in range(8):
            idx = srcb[j, pl.ds(k * 16, 16)]
            r = jax.lax.shift_right_logical(idx, 7)
            c = jax.lax.bitwise_and(idx, 127)
            plsc.addupdate_scatter(dsrc, [r, c], ones16)
            idx2 = dstb[j, pl.ds(k * 16, 16)]
            r2 = jax.lax.shift_right_logical(idx2, 7)
            c2 = jax.lax.bitwise_and(idx2, 127)
            plsc.addupdate_scatter(ddst, [r2, c2], ones16)
        return carry

    lax.fori_loop(0, NCH, sbody, 0)

    pltpu.sync_copy(dsrc, out_hbm.at[wid])
    pltpu.sync_copy(ddst, out_hbm.at[NW + wid])


@functools.partial(
    pl.kernel,
    out_type=jax.ShapeDtypeStruct((2 * NP, D), jnp.float32),
    mesh=_sc_mesh,
    compiler_params=_sc_params,
    scratch_types=[
        pltpu.VMEM((2, NB, C), jnp.int32),
        pltpu.VMEM((2, NB, C), jnp.int32),
        pltpu.VMEM((2, C, D), jnp.float32),
        pltpu.VMEM_SHARED((ACC_N, D), jnp.float32),
        pltpu.SemaphoreType.DMA,
        pltpu.SemaphoreType.DMA,
        pltpu.SemaphoreType.DMA,
        pltpu.SemaphoreType.DMA,
        pltpu.SemaphoreType.DMA,
    ],
)
def _scat_kernel(h_hbm, src_hbm, dst_hbm, zrows_hbm, out_hbm,
                 srcb, dstb, rowsb, acc, gsem0, gsem1, ssem0, ssem1, isem):
    cid = lax.axis_index("c")
    sid = lax.axis_index("s")
    wid = cid * NSUB + sid
    gsems = (gsem0, gsem1)
    ssems = (ssem0, ssem1)

    pltpu.sync_copy(zrows_hbm, acc.at[pl.ds(sid * RT, RT)])
    pltpu.sync_copy(src_hbm.at[wid, pl.ds(0, NB)], srcb.at[0])
    pltpu.sync_copy(dst_hbm.at[wid, pl.ds(0, NB)], dstb.at[0])
    plsc.subcore_barrier()

    def group(g, carry):
        s = lax.rem(g, 2)
        nxt = 1 - s

        @pl.when(g < NBLK - 1)
        def _stage():
            off = pl.multiple_of((g + 1) * NB, NB)
            pltpu.async_copy(src_hbm.at[wid, pl.ds(off, NB)],
                             srcb.at[nxt], isem)
            pltpu.async_copy(dst_hbm.at[wid, pl.ds(off, NB)],
                             dstb.at[nxt], isem)

        pltpu.async_copy(h_hbm.at[srcb.at[s, 0]], rowsb.at[0], gsems[0])
        for k in range(NB):
            b = k % 2
            pltpu.make_async_copy(h_hbm.at[srcb.at[s, k]], rowsb.at[b],
                                  gsems[b]).wait()
            if k + 1 < NB:
                pltpu.async_copy(h_hbm.at[srcb.at[s, k + 1]],
                                 rowsb.at[1 - b], gsems[1 - b])
            pltpu.sync_copy(rowsb.at[b], acc.at[dstb.at[s, k]], add=True)

        @pl.when(g < NBLK - 1)
        def _join():
            off = pl.multiple_of((g + 1) * NB, NB)
            pltpu.make_async_copy(src_hbm.at[wid, pl.ds(off, NB)],
                                  srcb.at[nxt], isem).wait()
            pltpu.make_async_copy(dst_hbm.at[wid, pl.ds(off, NB)],
                                  dstb.at[nxt], isem).wait()
        return carry

    lax.fori_loop(0, NBLK, group, 0)

    plsc.subcore_barrier()
    pltpu.sync_copy(acc.at[pl.ds(sid * RT, RT)],
                    out_hbm.at[pl.ds(cid * NP + sid * RT, RT)])


def _norms_body(degp_ref, ns_ref, nd_ref):
    m = degp_ref[...]
    s = jnp.sum(m[0:NW], axis=0, keepdims=True)
    d = jnp.sum(m[NW:2 * NW], axis=0, keepdims=True)
    ns = jnp.where(s > 0, lax.rsqrt(s), 0.0)
    nd = jnp.where(d > 0, lax.rsqrt(d), 0.0)
    nsT = jnp.transpose(ns, (1, 0))
    ndT = jnp.transpose(nd, (1, 0))
    ns_ref[...] = jnp.broadcast_to(nsT, (BN, D))
    nd_ref[...] = jnp.broadcast_to(ndT, (BN, D))


_norms_call = pl.pallas_call(
    _norms_body,
    grid=(GRID,),
    in_specs=[pl.BlockSpec((2 * NW, BN), lambda i: (0, i))],
    out_specs=[
        pl.BlockSpec((BN, D), lambda i: (i, 0)),
        pl.BlockSpec((BN, D), lambda i: (i, 0)),
    ],
    out_shape=[
        jax.ShapeDtypeStruct((NP, D), jnp.float32),
        jax.ShapeDtypeStruct((NP, D), jnp.float32),
    ],
)


def _mm1_body(x_ref, w_ref, ns_ref, o_ref):
    h = jnp.dot(x_ref[...], w_ref[...], preferred_element_type=jnp.float32)
    o_ref[...] = h * ns_ref[...]


_mm1_call = pl.pallas_call(
    _mm1_body,
    grid=(GRID,),
    in_specs=[
        pl.BlockSpec((BN, D), lambda i: (i, 0)),
        pl.BlockSpec((D, D), lambda i: (0, 0)),
        pl.BlockSpec((BN, D), lambda i: (i, 0)),
    ],
    out_specs=pl.BlockSpec((BN, D), lambda i: (i, 0)),
    out_shape=jax.ShapeDtypeStruct((NP, D), jnp.float32),
)


def _mid_body(p0_ref, p1_ref, nd_ref, ns_ref, sc_ref, sh_ref, w_ref, o_ref):
    p = p0_ref[...] + p1_ref[...]
    y = jnp.maximum(p * nd_ref[...] * sc_ref[...] + sh_ref[...], 0.0)
    h = jnp.dot(y, w_ref[...], preferred_element_type=jnp.float32)
    o_ref[...] = h * ns_ref[...]


_mid_call = pl.pallas_call(
    _mid_body,
    grid=(GRID,),
    in_specs=[
        pl.BlockSpec((BN, D), lambda i: (i, 0)),
        pl.BlockSpec((BN, D), lambda i: (i + GRID, 0)),
        pl.BlockSpec((BN, D), lambda i: (i, 0)),
        pl.BlockSpec((BN, D), lambda i: (i, 0)),
        pl.BlockSpec((1, D), lambda i: (0, 0)),
        pl.BlockSpec((1, D), lambda i: (0, 0)),
        pl.BlockSpec((D, D), lambda i: (0, 0)),
    ],
    out_specs=pl.BlockSpec((BN, D), lambda i: (i, 0)),
    out_shape=jax.ShapeDtypeStruct((NP, D), jnp.float32),
)


def _fin_body(parts_ref, nd_ref, sc_ref, sh_ref,
              wf1_ref, bf1_ref, wf2_ref, bf2_ref, o_ref):
    p = parts_ref[0:NP] + parts_ref[NP:2 * NP]
    y = jnp.maximum(p * nd_ref[...] * sc_ref[...] + sh_ref[...], 0.0)
    rows = lax.broadcasted_iota(jnp.int32, (NP, 1), 0)
    y = jnp.where(rows < N, y, -jnp.inf)
    pooled = jnp.max(y, axis=0, keepdims=True)
    p8 = jnp.broadcast_to(pooled, (8, D))
    h1 = jnp.maximum(
        jnp.dot(p8, wf1_ref[...], preferred_element_type=jnp.float32)
        + bf1_ref[...], 0.0)
    o = jnp.dot(h1, wf2_ref[...], preferred_element_type=jnp.float32) \
        + bf2_ref[...]
    o_ref[...] = o[0:1]


_fin_call = pl.pallas_call(
    _fin_body,
    out_shape=jax.ShapeDtypeStruct((1, 256), jnp.float32),
)


def kernel(x, edge_index, W1, b1, g1, be1, W2, b2, g2, be2, Wf1, bf1, Wf2, bf2):
    src = edge_index[0]
    dst = edge_index[1]
    src3 = jnp.concatenate(
        [src, jnp.full((EPAD,), N, jnp.int32)]).reshape(NW, NCH, C)
    dump = N + jnp.arange(EPAD, dtype=jnp.int32) % (ACC_N - N)
    dst3 = jnp.concatenate([dst, dump]).reshape(NW, NCH, C)
    zrows = jnp.zeros((RT, D), jnp.float32)

    degp = _deg_kernel(src3, dst3).reshape(2 * NW, NP)
    ns_b, nd_b = _norms_call(degp)

    xp = jnp.pad(x, ((0, NP - N), (0, 0)))
    h1s = _mm1_call(xp, W1, ns_b)
    parts1 = _scat_kernel(h1s, src3, dst3, zrows)

    sc1 = g1.reshape(1, D)
    sh1 = (b1 * g1 + be1).reshape(1, D)
    h2s = _mid_call(parts1, parts1, nd_b, ns_b, sc1, sh1, W2)
    parts2 = _scat_kernel(h2s, src3, dst3, zrows)

    sc2 = g2.reshape(1, D)
    sh2 = (b2 * g2 + be2).reshape(1, D)
    out = _fin_call(parts2, nd_b, sc2, sh2,
                    Wf1, bf1.reshape(1, -1), Wf2, bf2.reshape(1, -1))
    return out

# --- scband reference (transcript-rebuilt; emitter-appended) ---
"""Pipeline reference for scband-mol-enc-36369783062796 (READ-ONLY COPY).

The authoritative reference and input builder live on the scoring server;
editing this copy changes nothing except your own understanding.
"""

import jax, jax.numpy as jnp
import numpy as np

N, E, D = 10000, 320000, 128
H1, H2 = 128, 128
FC1, OUT = 512, 256

def setup_inputs(seed: int = 0) -> dict:
    key = jax.random.key(seed)
    ks = jax.random.split(key, 16)
    x = jax.random.normal(ks[0], (N, D), dtype=jnp.float32)
    edge_index = jax.random.randint(ks[1], (2, E), 0, N, dtype=jnp.int32)
    W1 = jax.random.normal(ks[2], (D, H1), dtype=jnp.float32) * (1.0 / np.sqrt(D))
    b1 = jnp.zeros((H1,), dtype=jnp.float32)
    g1 = jnp.ones((H1,), dtype=jnp.float32)
    be1 = jnp.zeros((H1,), dtype=jnp.float32)
    W2 = jax.random.normal(ks[3], (H1, H2), dtype=jnp.float32) * (1.0 / np.sqrt(H1))
    b2 = jnp.zeros((H2,), dtype=jnp.float32)
    g2 = jnp.ones((H2,), dtype=jnp.float32)
    be2 = jnp.zeros((H2,), dtype=jnp.float32)
    Wf1 = jax.random.normal(ks[4], (H2, FC1), dtype=jnp.float32) * (1.0 / np.sqrt(H2))
    bf1 = jnp.zeros((FC1,), dtype=jnp.float32)
    Wf2 = jax.random.normal(ks[5], (FC1, OUT), dtype=jnp.float32) * (1.0 / np.sqrt(FC1))
    bf2 = jnp.zeros((OUT,), dtype=jnp.float32)
    return {"x": x, "edge_index": edge_index, "W1": W1, "b1": b1, "g1": g1, "be1": be1, "W2": W2, "b2": b2, "g2": g2, "be2": be2, "Wf1": Wf1, "bf1": bf1, "Wf2": Wf2, "bf2": bf2}

def _gcn_layer(x, W, b, gamma, beta, src, dst, relu=True):
    h = x @ W
    deg_out = jnp.zeros((N,), dtype=jnp.float32).at[src].add(1.0)
    deg_in = jnp.zeros((N,), dtype=jnp.float32).at[dst].add(1.0)
    norm_src = jnp.where(deg_out > 0, deg_out ** -0.5, 0.0)
    norm_dst = jnp.where(deg_in > 0, deg_in ** -0.5, 0.0)
    msg = h[src] * norm_src[src][:, None]
    agg = jnp.zeros_like(h).at[dst].add(msg)
    agg = agg * norm_dst[:, None] + b
    # batchnorm in eval mode (running mean 0, var 1): affine transform
    agg = agg * gamma + beta
    if relu:
        agg = jax.nn.relu(agg)
    return agg

def reference(x, edge_index, W1, b1, g1, be1, W2, b2, g2, be2, Wf1, bf1, Wf2, bf2):
    src = edge_index[0]
    dst = edge_index[1]
    h = _gcn_layer(x, W1, b1, g1, be1, src, dst, relu=True)
    h = _gcn_layer(h, W2, b2, g2, be2, src, dst, relu=True)
    # DGL MaxPooling over the (single) graph's nodes
    pooled = jnp.max(h, axis=0, keepdims=True)
    h1 = jax.nn.relu(pooled @ Wf1 + bf1)
    h1 = h1 @ Wf2 + bf2
    return h1

if __name__ == "__main__":
    import jax
    _d = setup_inputs()
    print(jax.jit(kernel)(*tuple(_d.values())))

</pallas_src>

<mosaic_0001>
#map = affine_map<(d0, d1) -> (0, 0)>
#map1 = affine_map<(d0, d1) -> (0, 0, 0)>
module attributes {stable_mosaic.version = 14 : i64} {
  func.func @_scat_kernel(%arg0: i32, %arg1: i32, %arg2: memref<10240x128xf32, #tpu.memory_space<hbm>>, %arg3: memref<32x80x128xi32, #tpu.memory_space<hbm>>, %arg4: memref<32x80x128xi32, #tpu.memory_space<hbm>>, %arg5: memref<632x128xf32, #tpu.memory_space<hbm>>, %arg6: memref<20480x128xf32, #tpu.memory_space<hbm>>, %arg7: memref<2x8x128xi32, #tpu.memory_space<vmem>>, %arg8: memref<2x8x128xi32, #tpu.memory_space<vmem>>, %arg9: memref<2x128x128xf32, #tpu.memory_space<vmem>>, %arg10: memref<10112x128xf32, #tpu.memory_space<vmem_shared>>, %arg11: memref<!tpu.dma_semaphore, #tpu.memory_space<semaphore_mem>>, %arg12: memref<!tpu.dma_semaphore, #tpu.memory_space<semaphore_mem>>, %arg13: memref<!tpu.dma_semaphore, #tpu.memory_space<semaphore_mem>>, %arg14: memref<!tpu.dma_semaphore, #tpu.memory_space<semaphore_mem>>, %arg15: memref<!tpu.dma_semaphore, #tpu.memory_space<semaphore_mem>>) attributes {dimension_semantics = [#tpu.dimension_semantics<core_parallel>, #tpu.dimension_semantics<subcore_parallel>], iteration_bounds = array<i64: 2, 16>, scalar_prefetch = 0 : i64, scratch_operands = 9 : i64, tpu.core_type = #tpu.core_type<sc_vector_subcore>, window_params = [{transform_indices = #map}, {transform_indices = #map1}, {transform_indices = #map1}, {transform_indices = #map}, {transform_indices = #map}]} {
    %mul3A = arith.constant 16 : i32
    %mul3A_0 = arith.muli %arg0, %mul3A : i32
    %add3A = arith.addi %mul3A_0, %arg1 : i32
    %mul3A_1 = arith.constant 632 : i32
    %mul3A_2 = arith.muli %arg1, %mul3A_1 : i32
    "tpu.region"() ({
      %run_scoped3A_17 = tpu.sem_alloc : memref<!tpu.dma_semaphore, #tpu.memory_space<semaphore_mem>>
      %dma_start3A = arith.constant 0 : i32
      %dma_start3A_18 = tpu.memref_slice %arg10[%mul3A_2, %dma_start3A] : memref<10112x128xf32, #tpu.memory_space<vmem_shared>> -> memref<632x128xf32, #tpu.memory_space<vmem_shared>>
      tpu.enqueue_dma source(%arg5 : memref<632x128xf32, #tpu.memory_space<hbm>>) target(%dma_start3A_18 : memref<632x128xf32, #tpu.memory_space<vmem_shared>>) target_semaphore(%run_scoped3A_17 : memref<!tpu.dma_semaphore, #tpu.memory_space<semaphore_mem>>)
      %dma_wait3A = arith.constant 0 : i32
      %dma_wait3A_19 = tpu.memref_slice %arg10[%mul3A_2, %dma_wait3A] : memref<10112x128xf32, #tpu.memory_space<vmem_shared>> -> memref<632x128xf32, #tpu.memory_space<vmem_shared>>
      tpu.wait_dma2 semaphore(%run_scoped3A_17 : memref<!tpu.dma_semaphore, #tpu.memory_space<semaphore_mem>>) src(%arg5 : memref<632x128xf32, #tpu.memory_space<hbm>>) dst(%dma_wait3A_19 : memref<632x128xf32, #tpu.memory_space<vmem_shared>>)
      tpu.yield
    }) : () -> ()
    %run_scoped3A = arith.constant 0 : i32
    "tpu.region"() ({
      %run_scoped3A_17 = tpu.sem_alloc : memref<!tpu.dma_semaphore, #tpu.memory_space<semaphore_mem>>
      %dma_start3A = arith.constant 0 : i32
      %dma_start3A_18 = arith.constant 0 : i32
      %dma_start3A_19 = tpu.memref_slice %arg7[%run_scoped3A, %dma_start3A, %dma_start3A_18] : memref<2x8x128xi32, #tpu.memory_space<vmem>> -> memref<1x8x128xi32, #tpu.memory_space<vmem>>
      %dma_start3A_20 = tpu.memref_squeeze %dma_start3A_19 : memref<1x8x128xi32, #tpu.memory_space<vmem>> -> memref<8x128xi32, #tpu.memory_space<vmem>>
      %dma_start3A_21 = arith.constant 0 : i32
      %dma_start3A_22 = arith.constant 0 : i32
      %dma_start3A_23 = tpu.memref_slice %arg3[%add3A, %dma_start3A_21, %dma_start3A_22] : memref<32x80x128xi32, #tpu.memory_space<hbm>> -> memref<1x8x128xi32, #tpu.memory_space<hbm>>
      %dma_start3A_24 = tpu.memref_squeeze %dma_start3A_23 : memref<1x8x128xi32, #tpu.memory_space<hbm>> -> memref<8x128xi32, #tpu.memory_space<hbm>>
      %dma_start3A_25 = arith.constant 0 : i32
      %dma_start3A_26 = arith.constant 0 : i32
      %dma_start3A_27 = tpu.memref_slice %arg7[%run_scoped3A, %dma_start3A_25, %dma_start3A_26] : memref<2x8x128xi32, #tpu.memory_space<vmem>> -> memref<1x8x128xi32, #tpu.memory_space<vmem>>
      %dma_start3A_28 = tpu.memref_squeeze %dma_start3A_27 : memref<1x8x128xi32, #tpu.memory_space<vmem>> -> memref<8x128xi32, #tpu.memory_space<vmem>>
      %dma_start3A_29 = arith.constant 0 : i32
      %dma_start3A_30 = arith.constant 0 : i32
      %dma_start3A_31 = tpu.memref_slice %arg3[%add3A, %dma_start3A_29, %dma_start3A_30] : memref<32x80x128xi32, #tpu.memory_space<hbm>> -> memref<1x8x128xi32, #tpu.memory_space<hbm>>
      %dma_start3A_32 = tpu.memref_squeeze %dma_start3A_31 : memref<1x8x128xi32, #tpu.memory_space<hbm>> -> memref<8x128xi32, #tpu.memory_space<hbm>>
      tpu.enqueue_dma source(%dma_start3A_32 : memref<8x128xi32, #tpu.memory_space<hbm>>) target(%dma_start3A_28 : memref<8x128xi32, #tpu.memory_space<vmem>>) target_semaphore(%run_scoped3A_17 : memref<!tpu.dma_semaphore, #tpu.memory_space<semaphore_mem>>)
      %dma_wait3A = arith.constant 0 : i32
      %dma_wait3A_33 = arith.constant 0 : i32
      %dma_wait3A_34 = tpu.memref_slice %arg7[%run_scoped3A, %dma_wait3A, %dma_wait3A_33] : memref<2x8x128xi32, #tpu.memory_space<vmem>> -> memref<1x8x128xi32, #tpu.memory_space<vmem>>
      %dma_wait3A_35 = tpu.memref_squeeze %dma_wait3A_34 : memref<1x8x128xi32, #tpu.memory_space<vmem>> -> memref<8x128xi32, #tpu.memory_space<vmem>>
      %dma_wait3A_36 = arith.constant 0 : i32
      %dma_wait3A_37 = arith.constant 0 : i32
      %dma_wait3A_38 = tpu.memref_slice %arg3[%add3A, %dma_wait3A_36, %dma_wait3A_37] : memref<32x80x128xi32, #tpu.memory_space<hbm>> -> memref<1x8x128xi32, #tpu.memory_space<hbm>>
      %dma_wait3A_39 = tpu.memref_squeeze %dma_wait3A_38 : memref<1x8x128xi32, #tpu.memory_space<hbm>> -> memref<8x128xi32, #tpu.memory_space<hbm>>
      %dma_wait3A_40 = arith.constant 0 : i32
      %dma_wait3A_41 = arith.constant 0 : i32
      %dma_wait3A_42 = tpu.memref_slice %arg7[%run_scoped3A, %dma_wait3A_40, %dma_wait3A_41] : memref<2x8x128xi32, #tpu.memory_space<vmem>> -> memref<1x8x128xi32, #tpu.memory_space<vmem>>
      %dma_wait3A_43 = tpu.memref_squeeze %dma_wait3A_42 : memref<1x8x128xi32, #tpu.memory_space<vmem>> -> memref<8x128xi32, #tpu.memory_space<vmem>>
      %dma_wait3A_44 = arith.constant 0 : i32
      %dma_wait3A_45 = arith.constant 0 : i32
      %dma_wait3A_46 = tpu.memref_slice %arg3[%add3A, %dma_wait3A_44, %dma_wait3A_45] : memref<32x80x128xi32, #tpu.memory_space<hbm>> -> memref<1x8x128xi32, #tpu.memory_space<hbm>>
      %dma_wait3A_47 = tpu.memref_squeeze %dma_wait3A_46 : memref<1x8x128xi32, #tpu.memory_space<hbm>> -> memref<8x128xi32, #tpu.memory_space<hbm>>
      tpu.wait_dma2 semaphore(%run_scoped3A_17 : memref<!tpu.dma_semaphore, #tpu.memory_space<semaphore_mem>>) src(%dma_wait3A_47 : memref<8x128xi32, #tpu.memory_space<hbm>>) dst(%dma_wait3A_43 : memref<8x128xi32, #tpu.memory_space<vmem>>)
      tpu.yield
    }) : () -> ()
    %run_scoped3A_3 = arith.constant 0 : i32
    "tpu.region"() ({
      %run_scoped3A_17 = tpu.sem_alloc : memref<!tpu.dma_semaphore, #tpu.memory_space<semaphore_mem>>
      %dma_start3A = arith.constant 0 : i32
      %dma_start3A_18 = arith.constant 0 : i32
      %dma_start3A_19 = tpu.memref_slice %arg8[%run_scoped3A_3, %dma_start3A, %dma_start3A_18] : memref<2x8x128xi32, #tpu.memory_space<vmem>> -> memref<1x8x128xi32, #tpu.memory_space<vmem>>
      %dma_start3A_20 = tpu.memref_squeeze %dma_start3A_19 : memref<1x8x128xi32, #tpu.memory_space<vmem>> -> memref<8x128xi32, #tpu.memory_space<vmem>>
      %dma_start3A_21 = arith.constant 0 : i32
      %dma_start3A_22 = arith.constant 0 : i32
      %dma_start3A_23 = tpu.memref_slice %arg4[%add3A, %dma_start3A_21, %dma_start3A_22] : memref<32x80x128xi32, #tpu.memory_space<hbm>> -> memref<1x8x128xi32, #tpu.memory_space<hbm>>
      %dma_start3A_24 = tpu.memref_squeeze %dma_start3A_23 : memref<1x8x128xi32, #tpu.memory_space<hbm>> -> memref<8x128xi32, #tpu.memory_space<hbm>>
      %dma_start3A_25 = arith.constant 0 : i32
      %dma_start3A_26 = arith.constant 0 : i32
      %dma_start3A_27 = tpu.memref_slice %arg8[%run_scoped3A_3, %dma_start3A_25, %dma_start3A_26] : memref<2x8x128xi32, #tpu.memory_space<vmem>> -> memref<1x8x128xi32, #tpu.memory_space<vmem>>
      %dma_start3A_28 = tpu.memref_squeeze %dma_start3A_27 : memref<1x8x128xi32, #tpu.memory_space<vmem>> -> memref<8x128xi32, #tpu.memory_space<vmem>>
      %dma_start3A_29 = arith.constant 0 : i32
      %dma_start3A_30 = arith.constant 0 : i32
      %dma_start3A_31 = tpu.memref_slice %arg4[%add3A, %dma_start3A_29, %dma_start3A_30] : memref<32x80x128xi32, #tpu.memory_space<hbm>> -> memref<1x8x128xi32, #tpu.memory_space<hbm>>
      %dma_start3A_32 = tpu.memref_squeeze %dma_start3A_31 : memref<1x8x128xi32, #tpu.memory_space<hbm>> -> memref<8x128xi32, #tpu.memory_space<hbm>>
      tpu.enqueue_dma source(%dma_start3A_32 : memref<8x128xi32, #tpu.memory_space<hbm>>) target(%dma_start3A_28 : memref<8x128xi32, #tpu.memory_space<vmem>>) target_semaphore(%run_scoped3A_17 : memref<!tpu.dma_semaphore, #tpu.memory_space<semaphore_mem>>)
      %dma_wait3A = arith.constant 0 : i32
      %dma_wait3A_33 = arith.constant 0 : i32
      %dma_wait3A_34 = tpu.memref_slice %arg8[%run_scoped3A_3, %dma_wait3A, %dma_wait3A_33] : memref<2x8x128xi32, #tpu.memory_space<vmem>> -> memref<1x8x128xi32, #tpu.memory_space<vmem>>
      %dma_wait3A_35 = tpu.memref_squeeze %dma_wait3A_34 : memref<1x8x128xi32, #tpu.memory_space<vmem>> -> memref<8x128xi32, #tpu.memory_space<vmem>>
      %dma_wait3A_36 = arith.constant 0 : i32
      %dma_wait3A_37 = arith.constant 0 : i32
      %dma_wait3A_38 = tpu.memref_slice %arg4[%add3A, %dma_wait3A_36, %dma_wait3A_37] : memref<32x80x128xi32, #tpu.memory_space<hbm>> -> memref<1x8x128xi32, #tpu.memory_space<hbm>>
      %dma_wait3A_39 = tpu.memref_squeeze %dma_wait3A_38 : memref<1x8x128xi32, #tpu.memory_space<hbm>> -> memref<8x128xi32, #tpu.memory_space<hbm>>
      %dma_wait3A_40 = arith.constant 0 : i32
      %dma_wait3A_41 = arith.constant 0 : i32
      %dma_wait3A_42 = tpu.memref_slice %arg8[%run_scoped3A_3, %dma_wait3A_40, %dma_wait3A_41] : memref<2x8x128xi32, #tpu.memory_space<vmem>> -> memref<1x8x128xi32, #tpu.memory_space<vmem>>
      %dma_wait3A_43 = tpu.memref_squeeze %dma_wait3A_42 : memref<1x8x128xi32, #tpu.memory_space<vmem>> -> memref<8x128xi32, #tpu.memory_space<vmem>>
      %dma_wait3A_44 = arith.constant 0 : i32
      %dma_wait3A_45 = arith.constant 0 : i32
      %dma_wait3A_46 = tpu.memref_slice %arg4[%add3A, %dma_wait3A_44, %dma_wait3A_45] : memref<32x80x128xi32, #tpu.memory_space<hbm>> -> memref<1x8x128xi32, #tpu.memory_space<hbm>>
      %dma_wait3A_47 = tpu.memref_squeeze %dma_wait3A_46 : memref<1x8x128xi32, #tpu.memory_space<hbm>> -> memref<8x128xi32, #tpu.memory_space<hbm>>
      tpu.wait_dma2 semaphore(%run_scoped3A_17 : memref<!tpu.dma_semaphore, #tpu.memory_space<semaphore_mem>>) src(%dma_wait3A_47 : memref<8x128xi32, #tpu.memory_space<hbm>>) dst(%dma_wait3A_43 : memref<8x128xi32, #tpu.memory_space<vmem>>)
      tpu.yield
    }) : () -> ()
    %barrier3A = arith.constant 0 : index
    tpu.barrier barrier_id(%barrier3A)
    %scan3A = arith.constant 0 : i32
    %scan3A_4 = arith.constant 0 : i32
    %scan3A_5 = arith.constant 10 : i32
    %scan3A_6 = arith.addi %scan3A_4, %scan3A_5 : i32
    %scan3A_7 = arith.constant 1 : i32
    scf.for %scan3A_17 = %scan3A_4 to %scan3A_6 step %scan3A_7  : i32 {
      %rem3A = arith.constant 2 : i32
      %rem3A_18 = arith.remsi %scan3A_17, %rem3A : i32
      %sub3A = arith.constant 1 : i32
      %sub3A_19 = arith.subi %sub3A, %rem3A_18 : i32
      %lt3A = arith.constant 9 : i32
      %lt3A_20 = arith.cmpi slt, %scan3A_17, %lt3A : i32
      %convert_element_type3A = arith.extui %lt3A_20 : i1 to i32
      %cond3A = arith.constant 0 : i32
      %cond3A_21 = arith.cmpi ne, %convert_element_type3A, %cond3A : i32
      scf.if %cond3A_21 {
        %add3A_233 = arith.constant 1 : i32
        %add3A_234 = arith.addi %scan3A_17, %add3A_233 : i32
        %mul3A_235 = arith.constant 8 : i32
        %mul3A_236 = arith.muli %add3A_234, %mul3A_235 : i32
        %multiple_of3A = tpu.assume_multiple %mul3A_236, 8 : i32
        %dma_start3A_237 = arith.constant 0 : i32
        %dma_start3A_238 = arith.constant 0 : i32
        %dma_start3A_239 = tpu.memref_slice %arg7[%sub3A_19, %dma_start3A_237, %dma_start3A_238] : memref<2x8x128xi32, #tpu.memory_space<vmem>> -> memref<1x8x128xi32, #tpu.memory_space<vmem>>
        %dma_start3A_240 = tpu.memref_squeeze %dma_start3A_239 : memref<1x8x128xi32, #tpu.memory_space<vmem>> -> memref<8x128xi32, #tpu.memory_space<vmem>>
        %dma_start3A_241 = arith.constant 0 : i32
        %dma_start3A_242 = tpu.memref_slice %arg3[%add3A, %multiple_of3A, %dma_start3A_241] : memref<32x80x128xi32, #tpu.memory_space<hbm>> -> memref<1x8x128xi32, #tpu.memory_space<hbm>>
        %dma_start3A_243 = tpu.memref_squeeze %dma_start3A_242 : memref<1x8x128xi32, #tpu.memory_space<hbm>> -> memref<8x128xi32, #tpu.memory_space<hbm>>
        %dma_start3A_244 = arith.constant 0 : i32
        %dma_start3A_245 = arith.constant 0 : i32
        %dma_start3A_246 = tpu.memref_slice %arg7[%sub3A_19, %dma_start3A_244, %dma_start3A_245] : memref<2x8x128xi32, #tpu.memory_space<vmem>> -> memref<1x8x128xi32, #tpu.memory_space<vmem>>
        %dma_start3A_247 = tpu.memref_squeeze %dma_start3A_246 : memref<1x8x128xi32, #tpu.memory_space<vmem>> -> memref<8x128xi32, #tpu.memory_space<vmem>>
        %dma_start3A_248 = arith.constant 0 : i32
        %dma_start3A_249 = tpu.memref_slice %arg3[%add3A, %multiple_of3A, %dma_start3A_248] : memref<32x80x128xi32, #tpu.memory_space<hbm>> -> memref<1x8x128xi32, #tpu.memory_space<hbm>>
        %dma_start3A_250 = tpu.memref_squeeze %dma_start3A_249 : memref<1x8x128xi32, #tpu.memory_space<hbm>> -> memref<8x128xi32, #tpu.memory_space<hbm>>
        tpu.enqueue_dma source(%dma_start3A_250 : memref<8x128xi32, #tpu.memory_space<hbm>>) target(%dma_start3A_247 : memref<8x128xi32, #tpu.memory_space<vmem>>) target_semaphore(%arg15 : memref<!tpu.dma_semaphore, #tpu.memory_space<semaphore_mem>>)
        %dma_start3A_251 = arith.constant 0 : i32
        %dma_start3A_252 = arith.constant 0 : i32
        %dma_start3A_253 = tpu.memref_slice %arg8[%sub3A_19, %dma_start3A_251, %dma_start3A_252] : memref<2x8x128xi32, #tpu.memory_space<vmem>> -> memref<1x8x128xi32, #tpu.memory_space<vmem>>
        %dma_start3A_254 = tpu.memref_squeeze %dma_start3A_253 : memref<1x8x128xi32, #tpu.memory_space<vmem>> -> memref<8x128xi32, #tpu.memory_space<vmem>>
        %dma_start3A_255 = arith.constant 0 : i32
        %dma_start3A_256 = tpu.memref_slice %arg4[%add3A, %multiple_of3A, %dma_start3A_255] : memref<32x80x128xi32, #tpu.memory_space<hbm>> -> memref<1x8x128xi32, #tpu.memory_space<hbm>>
        %dma_start3A_257 = tpu.memref_squeeze %dma_start3A_256 : memref<1x8x128xi32, #tpu.memory_space<hbm>> -> memref<8x128xi32, #tpu.memory_space<hbm>>
        %dma_start3A_258 = arith.constant 0 : i32
        %dma_start3A_259 = arith.constant 0 : i32
        %dma_start3A_260 = tpu.memref_slice %arg8[%sub3A_19, %dma_start3A_258, %dma_start3A_259] : memref<2x8x128xi32, #tpu.memory_space<vmem>> -> memref<1x8x128xi32, #tpu.memory_space<vmem>>
        %dma_start3A_261 = tpu.memref_squeeze %dma_start3A_260 : memref<1x8x128xi32, #tpu.memory_space<vmem>> -> memref<8x128xi32, #tpu.memory_space<vmem>>
        %dma_start3A_262 = arith.constant 0 : i32
        %dma_start3A_263 = tpu.memref_slice %arg4[%add3A, %multiple_of3A, %dma_start3A_262] : memref<32x80x128xi32, #tpu.memory_space<hbm>> -> memref<1x8x128xi32, #tpu.memory_space<hbm>>
        %dma_start3A_264 = tpu.memref_squeeze %dma_start3A_263 : memref<1x8x128xi32, #tpu.memory_space<hbm>> -> memref<8x128xi32, #tpu.memory_space<hbm>>
        tpu.enqueue_dma source(%dma_start3A_264 : memref<8x128xi32, #tpu.memory_space<hbm>>) target(%dma_start3A_261 : memref<8x128xi32, #tpu.memory_space<vmem>>) target_semaphore(%arg15 : memref<!tpu.dma_semaphore, #tpu.memory_space<semaphore_mem>>)
      } else {
      }
      %dma_start3A = arith.constant 0 : i32
      %dma_start3A_22 = arith.constant 0 : i32
      %dma_start3A_23 = arith.constant 0 : i32
      %dma_start3A_24 = arith.constant 0 : i32
      %dma_start3A_25 = tpu.memref_slice %arg9[%dma_start3A_22, %dma_start3A_23, %dma_start3A_24] : memref<2x128x128xf32, #tpu.memory_space<vmem>> -> memref<1x128x128xf32, #tpu.memory_space<vmem>>
      %dma_start3A_26 = tpu.memref_squeeze %dma_start3A_25 : memref<1x128x128xf32, #tpu.memory_space<vmem>> -> memref<128x128xf32, #tpu.memory_space<vmem>>
      %dma_start3A_27 = arith.constant 0 : i32
      %dma_start3A_28 = tpu.memref_slice %arg7[%rem3A_18, %dma_start3A, %dma_start3A_27] : memref<2x8x128xi32, #tpu.memory_space<vmem>> -> memref<1x1x128xi32, #tpu.memory_space<vmem>>
      %dma_start3A_29 = tpu.memref_squeeze %dma_start3A_28 : memref<1x1x128xi32, #tpu.memory_space<vmem>> -> memref<128xi32, #tpu.memory_space<vmem>>
      %dma_start3A_30 = arith.constant 0 : i32
      %dma_start3A_31 = arith.constant 0 : i32
      %dma_start3A_32 = tpu.memref_slice %arg2[%dma_start3A_30, %dma_start3A_31] : memref<10240x128xf32, #tpu.memory_space<hbm>> -> memref<10240x128xf32, #tpu.memory_space<hbm>>
      tpu.enqueue_indirect_dma source(%dma_start3A_32 : memref<10240x128xf32, #tpu.memory_space<hbm>>) target(%dma_start3A_26 : memref<128x128xf32, #tpu.memory_space<vmem>>) offsets(%dma_start3A_29 : memref<128xi32, #tpu.memory_space<vmem>>) semaphore(%arg11 : memref<!tpu.dma_semaphore, #tpu.memory_space<semaphore_mem>>)
      %dma_wait3A = arith.constant 0 : i32
      %dma_wait3A_33 = arith.constant 0 : i32
      %dma_wait3A_34 = arith.constant 0 : i32
      %dma_wait3A_35 = arith.constant 0 : i32
      %dma_wait3A_36 = tpu.memref_slice %arg9[%dma_wait3A_33, %dma_wait3A_34, %dma_wait3A_35] : memref<2x128x128xf32, #tpu.memory_space<vmem>> -> memref<1x128x128xf32, #tpu.memory_space<vmem>>
      %dma_wait3A_37 = tpu.memref_squeeze %dma_wait3A_36 : memref<1x128x128xf32, #tpu.memory_space<vmem>> -> memref<128x128xf32, #tpu.memory_space<vmem>>
      %dma_wait3A_38 = arith.constant 0 : i32
      %dma_wait3A_39 = tpu.memref_slice %arg7[%rem3A_18, %dma_wait3A, %dma_wait3A_38] : memref<2x8x128xi32, #tpu.memory_space<vmem>> -> memref<1x1x128xi32, #tpu.memory_space<vmem>>
      %dma_wait3A_40 = tpu.memref_squeeze %dma_wait3A_39 : memref<1x1x128xi32, #tpu.memory_space<vmem>> -> memref<128xi32, #tpu.memory_space<vmem>>
      %dma_wait3A_41 = arith.constant 0 : i32
      %dma_wait3A_42 = arith.constant 0 : i32
      %dma_wait3A_43 = tpu.memref_slice %arg2[%dma_wait3A_41, %dma_wait3A_42] : memref<10240x128xf32, #tpu.memory_space<hbm>> -> memref<10240x128xf32, #tpu.memory_space<hbm>>
      tpu.wait_indirect_dma semaphore(%arg11 : memref<!tpu.dma_semaphore, #tpu.memory_space<semaphore_mem>>) src(%dma_wait3A_43 : memref<10240x128xf32, #tpu.memory_space<hbm>>) dst(%dma_wait3A_37 : memref<128x128xf32, #tpu.memory_space<vmem>>)
      %dma_start3A_44 = arith.constant 1 : i32
      %dma_start3A_45 = arith.constant 1 : i32
      %dma_start3A_46 = arith.constant 0 : i32
      %dma_start3A_47 = arith.constant 0 : i32
      %dma_start3A_48 = tpu.memref_slice %arg9[%dma_start3A_45, %dma_start3A_46, %dma_start3A_47] : memref<2x128x128xf32, #tpu.memory_space<vmem>> -> memref<1x128x128xf32, #tpu.memory_space<vmem>>
      %dma_start3A_49 = tpu.memref_squeeze %dma_start3A_48 : memref<1x128x128xf32, #tpu.memory_space<vmem>> -> memref<128x128xf32, #tpu.memory_space<vmem>>
      %dma_start3A_50 = arith.constant 0 : i32
      %dma_start3A_51 = tpu.memref_slice %arg7[%rem3A_18, %dma_start3A_44, %dma_start3A_50] : memref<2x8x128xi32, #tpu.memory_space<vmem>> -> memref<1x1x128xi32, #tpu.memory_space<vmem>>
      %dma_start3A_52 = tpu.memref_squeeze %dma_start3A_51 : memref<1x1x128xi32, #tpu.memory_space<vmem>> -> memref<128xi32, #tpu.memory_space<vmem>>
      %dma_start3A_53 = arith.constant 0 : i32
      %dma_start3A_54 = arith.constant 0 : i32
      %dma_start3A_55 = tpu.memref_slice %arg2[%dma_start3A_53, %dma_start3A_54] : memref<10240x128xf32, #tpu.memory_space<hbm>> -> memref<10240x128xf32, #tpu.memory_space<hbm>>
      tpu.enqueue_indirect_dma source(%dma_start3A_55 : memref<10240x128xf32, #tpu.memory_space<hbm>>) target(%dma_start3A_49 : memref<128x128xf32, #tpu.memory_space<vmem>>) offsets(%dma_start3A_52 : memref<128xi32, #tpu.memory_space<vmem>>) semaphore(%arg12 : memref<!tpu.dma_semaphore, #tpu.memory_space<semaphore_mem>>)
      %run_scoped3A_56 = arith.constant 0 : i32
      %run_scoped3A_57 = arith.constant 0 : i32
      "tpu.region"() ({
        %run_scoped3A_233 = tpu.sem_alloc : memref<!tpu.dma_semaphore, #tpu.memory_space<semaphore_mem>>
        %dma_start3A_234 = arith.constant 0 : i32
        %dma_start3A_235 = arith.constant 0 : i32
        %dma_start3A_236 = tpu.memref_slice %arg9[%run_scoped3A_56, %dma_start3A_234, %dma_start3A_235] : memref<2x128x128xf32, #tpu.memory_space<vmem>> -> memref<1x128x128xf32, #tpu.memory_space<vmem>>
        %dma_start3A_237 = tpu.memref_squeeze %dma_start3A_236 : memref<1x128x128xf32, #tpu.memory_space<vmem>> -> memref<128x128xf32, #tpu.memory_space<vmem>>
        %dma_start3A_238 = arith.constant 0 : i32
        %dma_start3A_239 = tpu.memref_slice %arg8[%rem3A_18, %run_scoped3A_57, %dma_start3A_238] : memref<2x8x128xi32, #tpu.memory_space<vmem>> -> memref<1x1x128xi32, #tpu.memory_space<vmem>>
        %dma_start3A_240 = tpu.memref_squeeze %dma_start3A_239 : memref<1x1x128xi32, #tpu.memory_space<vmem>> -> memref<128xi32, #tpu.memory_space<vmem>>
        %dma_start3A_241 = arith.constant 0 : i32
        %dma_start3A_242 = arith.constant 0 : i32
        %dma_start3A_243 = tpu.memref_slice %arg10[%dma_start3A_241, %dma_start3A_242] : memref<10112x128xf32, #tpu.memory_space<vmem_shared>> -> memref<10112x128xf32, #tpu.memory_space<vmem_shared>>
        tpu.enqueue_indirect_dma source(%dma_start3A_237 : memref<128x128xf32, #tpu.memory_space<vmem>>) target(%dma_start3A_243 : memref<10112x128xf32, #tpu.memory_space<vmem_shared>>) offsets(%dma_start3A_240 : memref<128xi32, #tpu.memory_space<vmem>>) semaphore(%run_scoped3A_233 : memref<!tpu.dma_semaphore, #tpu.memory_space<semaphore_mem>>) {add = true}
        %dma_wait3A_244 = arith.constant 0 : i32
        %dma_wait3A_245 = arith.constant 0 : i32
        %dma_wait3A_246 = tpu.memref_slice %arg9[%run_scoped3A_56, %dma_wait3A_244, %dma_wait3A_245] : memref<2x128x128xf32, #tpu.memory_space<vmem>> -> memref<1x128x128xf32, #tpu.memory_space<vmem>>
        %dma_wait3A_247 = tpu.memref_squeeze %dma_wait3A_246 : memref<1x128x128xf32, #tpu.memory_space<vmem>> -> memref<128x128xf32, #tpu.memory_space<vmem>>
        %dma_wait3A_248 = arith.constant 0 : i32
        %dma_wait3A_249 = tpu.memref_slice %arg8[%rem3A_18, %run_scoped3A_57, %dma_wait3A_248] : memref<2x8x128xi32, #tpu.memory_space<vmem>> -> memref<1x1x128xi32, #tpu.memory_space<vmem>>
        %dma_wait3A_250 = tpu.memref_squeeze %dma_wait3A_249 : memref<1x1x128xi32, #tpu.memory_space<vmem>> -> memref<128xi32, #tpu.memory_space<vmem>>
        %dma_wait3A_251 = arith.constant 0 : i32
        %dma_wait3A_252 = arith.constant 0 : i32
        %dma_wait3A_253 = tpu.memref_slice %arg10[%dma_wait3A_251, %dma_wait3A_252] : memref<10112x128xf32, #tpu.memory_space<vmem_shared>> -> memref<10112x128xf32, #tpu.memory_space<vmem_shared>>
        tpu.wait_indirect_dma semaphore(%run_scoped3A_233 : memref<!tpu.dma_semaphore, #tpu.memory_space<semaphore_mem>>) src(%dma_wait3A_247 : memref<128x128xf32, #tpu.memory_space<vmem>>) dst(%dma_wait3A_253 : memref<10112x128xf32, #tpu.memory_space<vmem_shared>>)
        tpu.yield
      }) : () -> ()
      %dma_wait3A_58 = arith.constant 1 : i32
      %dma_wait3A_59 = arith.constant 1 : i32
      %dma_wait3A_60 = arith.constant 0 : i32
      %dma_wait3A_61 = arith.constant 0 : i32
      %dma_wait3A_62 = tpu.memref_slice %arg9[%dma_wait3A_59, %dma_wait3A_60, %dma_wait3A_61] : memref<2x128x128xf32, #tpu.memory_space<vmem>> -> memref<1x128x128xf32, #tpu.memory_space<vmem>>
      %dma_wait3A_63 = tpu.memref_squeeze %dma_wait3A_62 : memref<1x128x128xf32, #tpu.memory_space<vmem>> -> memref<128x128xf32, #tpu.memory_space<vmem>>
      %dma_wait3A_64 = arith.constant 0 : i32
      %dma_wait3A_65 = tpu.memref_slice %arg7[%rem3A_18, %dma_wait3A_58, %dma_wait3A_64] : memref<2x8x128xi32, #tpu.memory_space<vmem>> -> memref<1x1x128xi32, #tpu.memory_space<vmem>>
      %dma_wait3A_66 = tpu.memref_squeeze %dma_wait3A_65 : memref<1x1x128xi32, #tpu.memory_space<vmem>> -> memref<128xi32, #tpu.memory_space<vmem>>
      %dma_wait3A_67 = arith.constant 0 : i32
      %dma_wait3A_68 = arith.constant 0 : i32
      %dma_wait3A_69 = tpu.memref_slice %arg2[%dma_wait3A_67, %dma_wait3A_68] : memref<10240x128xf32, #tpu.memory_space<hbm>> -> memref<10240x128xf32, #tpu.memory_space<hbm>>
      tpu.wait_indirect_dma semaphore(%arg12 : memref<!tpu.dma_semaphore, #tpu.memory_space<semaphore_mem>>) src(%dma_wait3A_69 : memref<10240x128xf32, #tpu.memory_space<hbm>>) dst(%dma_wait3A_63 : memref<128x128xf32, #tpu.memory_space<vmem>>)
      %dma_start3A_70 = arith.constant 2 : i32
      %dma_start3A_71 = arith.constant 0 : i32
      %dma_start3A_72 = arith.constant 0 : i32
      %dma_start3A_73 = arith.constant 0 : i32
      %dma_start3A_74 = tpu.memref_slice %arg9[%dma_start3A_71, %dma_start3A_72, %dma_start3A_73] : memref<2x128x128xf32, #tpu.memory_space<vmem>> -> memref<1x128x128xf32, #tpu.memory_space<vmem>>
      %dma_start3A_75 = tpu.memref_squeeze %dma_start3A_74 : memref<1x128x128xf32, #tpu.memory_space<vmem>> -> memref<128x128xf32, #tpu.memory_space<vmem>>
      %dma_start3A_76 = arith.constant 0 : i32
      %dma_start3A_77 = tpu.memref_slice %arg7[%rem3A_18, %dma_start3A_70, %dma_start3A_76] : memref<2x8x128xi32, #tpu.memory_space<vmem>> -> memref<1x1x128xi32, #tpu.memory_space<vmem>>
      %dma_start3A_78 = tpu.memref_squeeze %dma_start3A_77 : memref<1x1x128xi32, #tpu.memory_space<vmem>> -> memref<128xi32, #tpu.memory_space<vmem>>
      %dma_start3A_79 = arith.constant 0 : i32
      %dma_start3A_80 = arith.constant 0 : i32
      %dma_start3A_81 = tpu.memref_slice %arg2[%dma_start3A_79, %dma_start3A_80] : memref<10240x128xf32, #tpu.memory_space<hbm>> -> memref<10240x128xf32, #tpu.memory_space<hbm>>
      tpu.enqueue_indirect_dma source(%dma_start3A_81 : memref<10240x128xf32, #tpu.memory_space<hbm>>) target(%dma_start3A_75 : memref<128x128xf32, #tpu.memory_space<vmem>>) offsets(%dma_start3A_78 : memref<128xi32, #tpu.memory_space<vmem>>) semaphore(%arg11 : memref<!tpu.dma_semaphore, #tpu.memory_space<semaphore_mem>>)
      %run_scoped3A_82 = arith.constant 1 : i32
      %run_scoped3A_83 = arith.constant 1 : i32
      "tpu.region"() ({
        %run_scoped3A_233 = tpu.sem_alloc : memref<!tpu.dma_semaphore, #tpu.memory_space<semaphore_mem>>
        %dma_start3A_234 = arith.constant 0 : i32
        %dma_start3A_235 = arith.constant 0 : i32
        %dma_start3A_236 = tpu.memref_slice %arg9[%run_scoped3A_82, %dma_start3A_234, %dma_start3A_235] : memref<2x128x128xf32, #tpu.memory_space<vmem>> -> memref<1x128x128xf32, #tpu.memory_space<vmem>>
        %dma_start3A_237 = tpu.memref_squeeze %dma_start3A_236 : memref<1x128x128xf32, #tpu.memory_space<vmem>> -> memref<128x128xf32, #tpu.memory_space<vmem>>
        %dma_start3A_238 = arith.constant 0 : i32
        %dma_start3A_239 = tpu.memref_slice %arg8[%rem3A_18, %run_scoped3A_83, %dma_start3A_238] : memref<2x8x128xi32, #tpu.memory_space<vmem>> -> memref<1x1x128xi32, #tpu.memory_space<vmem>>
        %dma_start3A_240 = tpu.memref_squeeze %dma_start3A_239 : memref<1x1x128xi32, #tpu.memory_space<vmem>> -> memref<128xi32, #tpu.memory_space<vmem>>
        %dma_start3A_241 = arith.constant 0 : i32
        %dma_start3A_242 = arith.constant 0 : i32
        %dma_start3A_243 = tpu.memref_slice %arg10[%dma_start3A_241, %dma_start3A_242] : memref<10112x128xf32, #tpu.memory_space<vmem_shared>> -> memref<10112x128xf32, #tpu.memory_space<vmem_shared>>
        tpu.enqueue_indirect_dma source(%dma_start3A_237 : memref<128x128xf32, #tpu.memory_space<vmem>>) target(%dma_start3A_243 : memref<10112x128xf32, #tpu.memory_space<vmem_shared>>) offsets(%dma_start3A_240 : memref<128xi32, #tpu.memory_space<vmem>>) semaphore(%run_scoped3A_233 : memref<!tpu.dma_semaphore, #tpu.memory_space<semaphore_mem>>) {add = true}
        %dma_wait3A_244 = arith.constant 0 : i32
        %dma_wait3A_245 = arith.constant 0 : i32
        %dma_wait3A_246 = tpu.memref_slice %arg9[%run_scoped3A_82, %dma_wait3A_244, %dma_wait3A_245] : memref<2x128x128xf32, #tpu.memory_space<vmem>> -> memref<1x128x128xf32, #tpu.memory_space<vmem>>
        %dma_wait3A_247 = tpu.memref_squeeze %dma_wait3A_246 : memref<1x128x128xf32, #tpu.memory_space<vmem>> -> memref<128x128xf32, #tpu.memory_space<vmem>>
        %dma_wait3A_248 = arith.constant 0 : i32
        %dma_wait3A_249 = tpu.memref_slice %arg8[%rem3A_18, %run_scoped3A_83, %dma_wait3A_248] : memref<2x8x128xi32, #tpu.memory_space<vmem>> -> memref<1x1x128xi32, #tpu.memory_space<vmem>>
        %dma_wait3A_250 = tpu.memref_squeeze %dma_wait3A_249 : memref<1x1x128xi32, #tpu.memory_space<vmem>> -> memref<128xi32, #tpu.memory_space<vmem>>
        %dma_wait3A_251 = arith.constant 0 : i32
        %dma_wait3A_252 = arith.constant 0 : i32
        %dma_wait3A_253 = tpu.memref_slice %arg10[%dma_wait3A_251, %dma_wait3A_252] : memref<10112x128xf32, #tpu.memory_space<vmem_shared>> -> memref<10112x128xf32, #tpu.memory_space<vmem_shared>>
        tpu.wait_indirect_dma semaphore(%run_scoped3A_233 : memref<!tpu.dma_semaphore, #tpu.memory_space<semaphore_mem>>) src(%dma_wait3A_247 : memref<128x128xf32, #tpu.memory_space<vmem>>) dst(%dma_wait3A_253 : memref<10112x128xf32, #tpu.memory_space<vmem_shared>>)
        tpu.yield
      }) : () -> ()
      %dma_wait3A_84 = arith.constant 2 : i32
      %dma_wait3A_85 = arith.constant 0 : i32
      %dma_wait3A_86 = arith.constant 0 : i32
      %dma_wait3A_87 = arith.constant 0 : i32
      %dma_wait3A_88 = tpu.memref_slice %arg9[%dma_wait3A_85, %dma_wait3A_86, %dma_wait3A_87] : memref<2x128x128xf32, #tpu.memory_space<vmem>> -> memref<1x128x128xf32, #tpu.memory_space<vmem>>
      %dma_wait3A_89 = tpu.memref_squeeze %dma_wait3A_88 : memref<1x128x128xf32, #tpu.memory_space<vmem>> -> memref<128x128xf32, #tpu.memory_space<vmem>>
      %dma_wait3A_90 = arith.constant 0 : i32
      %dma_wait3A_91 = tpu.memref_slice %arg7[%rem3A_18, %dma_wait3A_84, %dma_wait3A_90] : memref<2x8x128xi32, #tpu.memory_space<vmem>> -> memref<1x1x128xi32, #tpu.memory_space<vmem>>
      %dma_wait3A_92 = tpu.memref_squeeze %dma_wait3A_91 : memref<1x1x128xi32, #tpu.memory_space<vmem>> -> memref<128xi32, #tpu.memory_space<vmem>>
      %dma_wait3A_93 = arith.constant 0 : i32
      %dma_wait3A_94 = arith.constant 0 : i32
      %dma_wait3A_95 = tpu.memref_slice %arg2[%dma_wait3A_93, %dma_wait3A_94] : memref<10240x128xf32, #tpu.memory_space<hbm>> -> memref<10240x128xf32, #tpu.memory_space<hbm>>
      tpu.wait_indirect_dma semaphore(%arg11 : memref<!tpu.dma_semaphore, #tpu.memory_space<semaphore_mem>>) src(%dma_wait3A_95 : memref<10240x128xf32, #tpu.memory_space<hbm>>) dst(%dma_wait3A_89 : memref<128x128xf32, #tpu.memory_space<vmem>>)
      %dma_start3A_96 = arith.constant 3 : i32
      %dma_start3A_97 = arith.constant 1 : i32
      %dma_start3A_98 = arith.constant 0 : i32
      %dma_start3A_99 = arith.constant 0 : i32
      %dma_start3A_100 = tpu.memref_slice %arg9[%dma_start3A_97, %dma_start3A_98, %dma_start3A_99] : memref<2x128x128xf32, #tpu.memory_space<vmem>> -> memref<1x128x128xf32, #tpu.memory_space<vmem>>
      %dma_start3A_101 = tpu.memref_squeeze %dma_start3A_100 : memref<1x128x128xf32, #tpu.memory_space<vmem>> -> memref<128x128xf32, #tpu.memory_space<vmem>>
      %dma_start3A_102 = arith.constant 0 : i32
      %dma_start3A_103 = tpu.memref_slice %arg7[%rem3A_18, %dma_start3A_96, %dma_start3A_102] : memref<2x8x128xi32, #tpu.memory_space<vmem>> -> memref<1x1x128xi32, #tpu.memory_space<vmem>>
      %dma_start3A_104 = tpu.memref_squeeze %dma_start3A_103 : memref<1x1x128xi32, #tpu.memory_space<vmem>> -> memref<128xi32, #tpu.memory_space<vmem>>
      %dma_start3A_105 = arith.constant 0 : i32
      %dma_start3A_106 = arith.constant 0 : i32
      %dma_start3A_107 = tpu.memref_slice %arg2[%dma_start3A_105, %dma_start3A_106] : memref<10240x128xf32, #tpu.memory_space<hbm>> -> memref<10240x128xf32, #tpu.memory_space<hbm>>
      tpu.enqueue_indirect_dma source(%dma_start3A_107 : memref<10240x128xf32, #tpu.memory_space<hbm>>) target(%dma_start3A_101 : memref<128x128xf32, #tpu.memory_space<vmem>>) offsets(%dma_start3A_104 : memref<128xi32, #tpu.memory_space<vmem>>) semaphore(%arg12 : memref<!tpu.dma_semaphore, #tpu.memory_space<semaphore_mem>>)
      %run_scoped3A_108 = arith.constant 0 : i32
      %run_scoped3A_109 = arith.constant 2 : i32
      "tpu.region"() ({
        %run_scoped3A_233 = tpu.sem_alloc : memref<!tpu.dma_semaphore, #tpu.memory_space<semaphore_mem>>
        %dma_start3A_234 = arith.constant 0 : i32
        %dma_start3A_235 = arith.constant 0 : i32
        %dma_start3A_236 = tpu.memref_slice %arg9[%run_scoped3A_108, %dma_start3A_234, %dma_start3A_235] : memref<2x128x128xf32, #tpu.memory_space<vmem>> -> memref<1x128x128xf32, #tpu.memory_space<vmem>>
        %dma_start3A_237 = tpu.memref_squeeze %dma_start3A_236 : memref<1x128x128xf32, #tpu.memory_space<vmem>> -> memref<128x128xf32, #tpu.memory_space<vmem>>
        %dma_start3A_238 = arith.constant 0 : i32
        %dma_start3A_239 = tpu.memref_slice %arg8[%rem3A_18, %run_scoped3A_109, %dma_start3A_238] : memref<2x8x128xi32, #tpu.memory_space<vmem>> -> memref<1x1x128xi32, #tpu.memory_space<vmem>>
        %dma_start3A_240 = tpu.memref_squeeze %dma_start3A_239 : memref<1x1x128xi32, #tpu.memory_space<vmem>> -> memref<128xi32, #tpu.memory_space<vmem>>
        %dma_start3A_241 = arith.constant 0 : i32
        %dma_start3A_242 = arith.constant 0 : i32
        %dma_start3A_243 = tpu.memref_slice %arg10[%dma_start3A_241, %dma_start3A_242] : memref<10112x128xf32, #tpu.memory_space<vmem_shared>> -> memref<10112x128xf32, #tpu.memory_space<vmem_shared>>
        tpu.enqueue_indirect_dma source(%dma_start3A_237 : memref<128x128xf32, #tpu.memory_space<vmem>>) target(%dma_start3A_243 : memref<10112x128xf32, #tpu.memory_space<vmem_shared>>) offsets(%dma_start3A_240 : memref<128xi32, #tpu.memory_space<vmem>>) semaphore(%run_scoped3A_233 : memref<!tpu.dma_semaphore, #tpu.memory_space<semaphore_mem>>) {add = true}
        %dma_wait3A_244 = arith.constant 0 : i32
        %dma_wait3A_245 = arith.constant 0 : i32
        %dma_wait3A_246 = tpu.memref_slice %arg9[%run_scoped3A_108, %dma_wait3A_244, %dma_wait3A_245] : memref<2x128x128xf32, #tpu.memory_space<vmem>> -> memref<1x128x128xf32, #tpu.memory_space<vmem>>
        %dma_wait3A_247 = tpu.memref_squeeze %dma_wait3A_246 : memref<1x128x128xf32, #tpu.memory_space<vmem>> -> memref<128x128xf32, #tpu.memory_space<vmem>>
        %dma_wait3A_248 = arith.constant 0 : i32
        %dma_wait3A_249 = tpu.memref_slice %arg8[%rem3A_18, %run_scoped3A_109, %dma_wait3A_248] : memref<2x8x128xi32, #tpu.memory_space<vmem>> -> memref<1x1x128xi32, #tpu.memory_space<vmem>>
        %dma_wait3A_250 = tpu.memref_squeeze %dma_wait3A_249 : memref<1x1x128xi32, #tpu.memory_space<vmem>> -> memref<128xi32, #tpu.memory_space<vmem>>
        %dma_wait3A_251 = arith.constant 0 : i32
        %dma_wait3A_252 = arith.constant 0 : i32
        %dma_wait3A_253 = tpu.memref_slice %arg10[%dma_wait3A_251, %dma_wait3A_252] : memref<10112x128xf32, #tpu.memory_space<vmem_shared>> -> memref<10112x128xf32, #tpu.memory_space<vmem_shared>>
        tpu.wait_indirect_dma semaphore(%run_scoped3A_233 : memref<!tpu.dma_semaphore, #tpu.memory_space<semaphore_mem>>) src(%dma_wait3A_247 : memref<128x128xf32, #tpu.memory_space<vmem>>) dst(%dma_wait3A_253 : memref<10112x128xf32, #tpu.memory_space<vmem_shared>>)
        tpu.yield
      }) : () -> ()
      %dma_wait3A_110 = arith.constant 3 : i32
      %dma_wait3A_111 = arith.constant 1 : i32
      %dma_wait3A_112 = arith.constant 0 : i32
      %dma_wait3A_113 = arith.constant 0 : i32
      %dma_wait3A_114 = tpu.memref_slice %arg9[%dma_wait3A_111, %dma_wait3A_112, %dma_wait3A_113] : memref<2x128x128xf32, #tpu.memory_space<vmem>> -> memref<1x128x128xf32, #tpu.memory_space<vmem>>
      %dma_wait3A_115 = tpu.memref_squeeze %dma_wait3A_114 : memref<1x128x128xf32, #tpu.memory_space<vmem>> -> memref<128x128xf32, #tpu.memory_space<vmem>>
      %dma_wait3A_116 = arith.constant 0 : i32
      %dma_wait3A_117 = tpu.memref_slice %arg7[%rem3A_18, %dma_wait3A_110, %dma_wait3A_116] : memref<2x8x128xi32, #tpu.memory_space<vmem>> -> memref<1x1x128xi32, #tpu.memory_space<vmem>>
      %dma_wait3A_118 = tpu.memref_squeeze %dma_wait3A_117 : memref<1x1x128xi32, #tpu.memory_space<vmem>> -> memref<128xi32, #tpu.memory_space<vmem>>
      %dma_wait3A_119 = arith.constant 0 : i32
      %dma_wait3A_120 = arith.constant 0 : i32
      %dma_wait3A_121 = tpu.memref_slice %arg2[%dma_wait3A_119, %dma_wait3A_120] : memref<10240x128xf32, #tpu.memory_space<hbm>> -> memref<10240x128xf32, #tpu.memory_space<hbm>>
      tpu.wait_indirect_dma semaphore(%arg12 : memref<!tpu.dma_semaphore, #tpu.memory_space<semaphore_mem>>) src(%dma_wait3A_121 : memref<10240x128xf32, #tpu.memory_space<hbm>>) dst(%dma_wait3A_115 : memref<128x128xf32, #tpu.memory_space<vmem>>)
      %dma_start3A_122 = arith.constant 4 : i32
      %dma_start3A_123 = arith.constant 0 : i32
      %dma_start3A_124 = arith.constant 0 : i32
      %dma_start3A_125 = arith.constant 0 : i32
      %dma_start3A_126 = tpu.memref_slice %arg9[%dma_start3A_123, %dma_start3A_124, %dma_start3A_125] : memref<2x128x128xf32, #tpu.memory_space<vmem>> -> memref<1x128x128xf32, #tpu.memory_space<vmem>>
      %dma_start3A_127 = tpu.memref_squeeze %dma_start3A_126 : memref<1x128x128xf32, #tpu.memory_space<vmem>> -> memref<128x128xf32, #tpu.memory_space<vmem>>
      %dma_start3A_128 = arith.constant 0 : i32
      %dma_start3A_129 = tpu.memref_slice %arg7[%rem3A_18, %dma_start3A_122, %dma_start3A_128] : memref<2x8x128xi32, #tpu.memory_space<vmem>> -> memref<1x1x128xi32, #tpu.memory_space<vmem>>
      %dma_start3A_130 = tpu.memref_squeeze %dma_start3A_129 : memref<1x1x128xi32, #tpu.memory_space<vmem>> -> memref<128xi32, #tpu.memory_space<vmem>>
      %dma_start3A_131 = arith.constant 0 : i32
      %dma_start3A_132 = arith.constant 0 : i32
      %dma_start3A_133 = tpu.memref_slice %arg2[%dma_start3A_131, %dma_start3A_132] : memref<10240x128xf32, #tpu.memory_space<hbm>> -> memref<10240x128xf32, #tpu.memory_space<hbm>>
      tpu.enqueue_indirect_dma source(%dma_start3A_133 : memref<10240x128xf32, #tpu.memory_space<hbm>>) target(%dma_start3A_127 : memref<128x128xf32, #tpu.memory_space<vmem>>) offsets(%dma_start3A_130 : memref<128xi32, #tpu.memory_space<vmem>>) semaphore(%arg11 : memref<!tpu.dma_semaphore, #tpu.memory_space<semaphore_mem>>)
      %run_scoped3A_134 = arith.constant 1 : i32
      %run_scoped3A_135 = arith.constant 3 : i32
      "tpu.region"() ({
        %run_scoped3A_233 = tpu.sem_alloc : memref<!tpu.dma_semaphore, #tpu.memory_space<semaphore_mem>>
        %dma_start3A_234 = arith.constant 0 : i32
        %dma_start3A_235 = arith.constant 0 : i32
        %dma_start3A_236 = tpu.memref_slice %arg9[%run_scoped3A_134, %dma_start3A_234, %dma_start3A_235] : memref<2x128x128xf32, #tpu.memory_space<vmem>> -> memref<1x128x128xf32, #tpu.memory_space<vmem>>
        %dma_start3A_237 = tpu.memref_squeeze %dma_start3A_236 : memref<1x128x128xf32, #tpu.memory_space<vmem>> -> memref<128x128xf32, #tpu.memory_space<vmem>>
        %dma_start3A_238 = arith.constant 0 : i32
        %dma_start3A_239 = tpu.memref_slice %arg8[%rem3A_18, %run_scoped3A_135, %dma_start3A_238] : memref<2x8x128xi32, #tpu.memory_space<vmem>> -> memref<1x1x128xi32, #tpu.memory_space<vmem>>
        %dma_start3A_240 = tpu.memref_squeeze %dma_start3A_239 : memref<1x1x128xi32, #tpu.memory_space<vmem>> -> memref<128xi32, #tpu.memory_space<vmem>>
        %dma_start3A_241 = arith.constant 0 : i32
        %dma_start3A_242 = arith.constant 0 : i32
        %dma_start3A_243 = tpu.memref_slice %arg10[%dma_start3A_241, %dma_start3A_242] : memref<10112x128xf32, #tpu.memory_space<vmem_shared>> -> memref<10112x128xf32, #tpu.memory_space<vmem_shared>>
        tpu.enqueue_indirect_dma source(%dma_start3A_237 : memref<128x128xf32, #tpu.memory_space<vmem>>) target(%dma_start3A_243 : memref<10112x128xf32, #tpu.memory_space<vmem_shared>>) offsets(%dma_start3A_240 : memref<128xi32, #tpu.memory_space<vmem>>) semaphore(%run_scoped3A_233 : memref<!tpu.dma_semaphore, #tpu.memory_space<semaphore_mem>>) {add = true}
        %dma_wait3A_244 = arith.constant 0 : i32
        %dma_wait3A_245 = arith.constant 0 : i32
        %dma_wait3A_246 = tpu.memref_slice %arg9[%run_scoped3A_134, %dma_wait3A_244, %dma_wait3A_245] : memref<2x128x128xf32, #tpu.memory_space<vmem>> -> memref<1x128x128xf32, #tpu.memory_space<vmem>>
        %dma_wait3A_247 = tpu.memref_squeeze %dma_wait3A_246 : memref<1x128x128xf32, #tpu.memory_space<vmem>> -> memref<128x128xf32, #tpu.memory_space<vmem>>
        %dma_wait3A_248 = arith.constant 0 : i32
        %dma_wait3A_249 = tpu.memref_slice %arg8[%rem3A_18, %run_scoped3A_135, %dma_wait3A_248] : memref<2x8x128xi32, #tpu.memory_space<vmem>> -> memref<1x1x128xi32, #tpu.memory_space<vmem>>
        %dma_wait3A_250 = tpu.memref_squeeze %dma_wait3A_249 : memref<1x1x128xi32, #tpu.memory_space<vmem>> -> memref<128xi32, #tpu.memory_space<vmem>>
        %dma_wait3A_251 = arith.constant 0 : i32
        %dma_wait3A_252 = arith.constant 0 : i32
        %dma_wait3A_253 = tpu.memref_slice %arg10[%dma_wait3A_251, %dma_wait3A_252] : memref<10112x128xf32, #tpu.memory_space<vmem_shared>> -> memref<10112x128xf32, #tpu.memory_space<vmem_shared>>
        tpu.wait_indirect_dma semaphore(%run_scoped3A_233 : memref<!tpu.dma_semaphore, #tpu.memory_space<semaphore_mem>>) src(%dma_wait3A_247 : memref<128x128xf32, #tpu.memory_space<vmem>>) dst(%dma_wait3A_253 : memref<10112x128xf32, #tpu.memory_space<vmem_shared>>)
        tpu.yield
      }) : () -> ()
      %dma_wait3A_136 = arith.constant 4 : i32
      %dma_wait3A_137 = arith.constant 0 : i32
      %dma_wait3A_138 = arith.constant 0 : i32
      %dma_wait3A_139 = arith.constant 0 : i32
      %dma_wait3A_140 = tpu.memref_slice %arg9[%dma_wait3A_137, %dma_wait3A_138, %dma_wait3A_139] : memref<2x128x128xf32, #tpu.memory_space<vmem>> -> memref<1x128x128xf32, #tpu.memory_space<vmem>>
      %dma_wait3A_141 = tpu.memref_squeeze %dma_wait3A_140 : memref<1x128x128xf32, #tpu.memory_space<vmem>> -> memref<128x128xf32, #tpu.memory_space<vmem>>
      %dma_wait3A_142 = arith.constant 0 : i32
      %dma_wait3A_143 = tpu.memref_slice %arg7[%rem3A_18, %dma_wait3A_136, %dma_wait3A_142] : memref<2x8x128xi32, #tpu.memory_space<vmem>> -> memref<1x1x128xi32, #tpu.memory_space<vmem>>
      %dma_wait3A_144 = tpu.memref_squeeze %dma_wait3A_143 : memref<1x1x128xi32, #tpu.memory_space<vmem>> -> memref<128xi32, #tpu.memory_space<vmem>>
      %dma_wait3A_145 = arith.constant 0 : i32
      %dma_wait3A_146 = arith.constant 0 : i32
      %dma_wait3A_147 = tpu.memref_slice %arg2[%dma_wait3A_145, %dma_wait3A_146] : memref<10240x128xf32, #tpu.memory_space<hbm>> -> memref<10240x128xf32, #tpu.memory_space<hbm>>
      tpu.wait_indirect_dma semaphore(%arg11 : memref<!tpu.dma_semaphore, #tpu.memory_space<semaphore_mem>>) src(%dma_wait3A_147 : memref<10240x128xf32, #tpu.memory_space<hbm>>) dst(%dma_wait3A_141 : memref<128x128xf32, #tpu.memory_space<vmem>>)
      %dma_start3A_148 = arith.constant 5 : i32
      %dma_start3A_149 = arith.constant 1 : i32
      %dma_start3A_150 = arith.constant 0 : i32
      %dma_start3A_151 = arith.constant 0 : i32
      %dma_start3A_152 = tpu.memref_slice %arg9[%dma_start3A_149, %dma_start3A_150, %dma_start3A_151] : memref<2x128x128xf32, #tpu.memory_space<vmem>> -> memref<1x128x128xf32, #tpu.memory_space<vmem>>
      %dma_start3A_153 = tpu.memref_squeeze %dma_start3A_152 : memref<1x128x128xf32, #tpu.memory_space<vmem>> -> memref<128x128xf32, #tpu.memory_space<vmem>>
      %dma_start3A_154 = arith.constant 0 : i32
      %dma_start3A_155 = tpu.memref_slice %arg7[%rem3A_18, %dma_start3A_148, %dma_start3A_154] : memref<2x8x128xi32, #tpu.memory_space<vmem>> -> memref<1x1x128xi32, #tpu.memory_space<vmem>>
      %dma_start3A_156 = tpu.memref_squeeze %dma_start3A_155 : memref<1x1x128xi32, #tpu.memory_space<vmem>> -> memref<128xi32, #tpu.memory_space<vmem>>
      %dma_start3A_157 = arith.constant 0 : i32
      %dma_start3A_158 = arith.constant 0 : i32
      %dma_start3A_159 = tpu.memref_slice %arg2[%dma_start3A_157, %dma_start3A_158] : memref<10240x128xf32, #tpu.memory_space<hbm>> -> memref<10240x128xf32, #tpu.memory_space<hbm>>
      tpu.enqueue_indirect_dma source(%dma_start3A_159 : memref<10240x128xf32, #tpu.memory_space<hbm>>) target(%dma_start3A_153 : memref<128x128xf32, #tpu.memory_space<vmem>>) offsets(%dma_start3A_156 : memref<128xi32, #tpu.memory_space<vmem>>) semaphore(%arg12 : memref<!tpu.dma_semaphore, #tpu.memory_space<semaphore_mem>>)
      %run_scoped3A_160 = arith.constant 0 : i32
      %run_scoped3A_161 = arith.constant 4 : i32
      "tpu.region"() ({
        %run_scoped3A_233 = tpu.sem_alloc : memref<!tpu.dma_semaphore, #tpu.memory_space<semaphore_mem>>
        %dma_start3A_234 = arith.constant 0 : i32
        %dma_start3A_235 = arith.constant 0 : i32
        %dma_start3A_236 = tpu.memref_slice %arg9[%run_scoped3A_160, %dma_start3A_234, %dma_start3A_235] : memref<2x128x128xf32, #tpu.memory_space<vmem>> -> memref<1x128x128xf32, #tpu.memory_space<vmem>>
        %dma_start3A_237 = tpu.memref_squeeze %dma_start3A_236 : memref<1x128x128xf32, #tpu.memory_space<vmem>> -> memref<128x128xf32, #tpu.memory_space<vmem>>
        %dma_start3A_238 = arith.constant 0 : i32
        %dma_start3A_239 = tpu.memref_slice %arg8[%rem3A_18, %run_scoped3A_161, %dma_start3A_238] : memref<2x8x128xi32, #tpu.memory_space<vmem>> -> memref<1x1x128xi32, #tpu.memory_space<vmem>>
        %dma_start3A_240 = tpu.memref_squeeze %dma_start3A_239 : memref<1x1x128xi32, #tpu.memory_space<vmem>> -> memref<128xi32, #tpu.memory_space<vmem>>
        %dma_start3A_241 = arith.constant 0 : i32
        %dma_start3A_242 = arith.constant 0 : i32
        %dma_start3A_243 = tpu.memref_slice %arg10[%dma_start3A_241, %dma_start3A_242] : memref<10112x128xf32, #tpu.memory_space<vmem_shared>> -> memref<10112x128xf32, #tpu.memory_space<vmem_shared>>
        tpu.enqueue_indirect_dma source(%dma_start3A_237 : memref<128x128xf32, #tpu.memory_space<vmem>>) target(%dma_start3A_243 : memref<10112x128xf32, #tpu.memory_space<vmem_shared>>) offsets(%dma_start3A_240 : memref<128xi32, #tpu.memory_space<vmem>>) semaphore(%run_scoped3A_233 : memref<!tpu.dma_semaphore, #tpu.memory_space<semaphore_mem>>) {add = true}
        %dma_wait3A_244 = arith.constant 0 : i32
        %dma_wait3A_245 = arith.constant 0 : i32
        %dma_wait3A_246 = tpu.memref_slice %arg9[%run_scoped3A_160, %dma_wait3A_244, %dma_wait3A_245] : memref<2x128x128xf32, #tpu.memory_space<vmem>> -> memref<1x128x128xf32, #tpu.memory_space<vmem>>
        %dma_wait3A_247 = tpu.memref_squeeze %dma_wait3A_246 : memref<1x128x128xf32, #tpu.memory_space<vmem>> -> memref<128x128xf32, #tpu.memory_space<vmem>>
        %dma_wait3A_248 = arith.constant 0 : i32
        %dma_wait3A_249 = tpu.memref_slice %arg8[%rem3A_18, %run_scoped3A_161, %dma_wait3A_248] : memref<2x8x128xi32, #tpu.memory_space<vmem>> -> memref<1x1x128xi32, #tpu.memory_space<vmem>>
        %dma_wait3A_250 = tpu.memref_squeeze %dma_wait3A_249 : memref<1x1x128xi32, #tpu.memory_space<vmem>> -> memref<128xi32, #tpu.memory_space<vmem>>
        %dma_wait3A_251 = arith.constant 0 : i32
        %dma_wait3A_252 = arith.constant 0 : i32
        %dma_wait3A_253 = tpu.memref_slice %arg10[%dma_wait3A_251, %dma_wait3A_252] : memref<10112x128xf32, #tpu.memory_space<vmem_shared>> -> memref<10112x128xf32, #tpu.memory_space<vmem_shared>>
        tpu.wait_indirect_dma semaphore(%run_scoped3A_233 : memref<!tpu.dma_semaphore, #tpu.memory_space<semaphore_mem>>) src(%dma_wait3A_247 : memref<128x128xf32, #tpu.memory_space<vmem>>) dst(%dma_wait3A_253 : memref<10112x128xf32, #tpu.memory_space<vmem_shared>>)
        tpu.yield
      }) : () -> ()
      %dma_wait3A_162 = arith.constant 5 : i32
      %dma_wait3A_163 = arith.constant 1 : i32
      %dma_wait3A_164 = arith.constant 0 : i32
      %dma_wait3A_165 = arith.constant 0 : i32
      %dma_wait3A_166 = tpu.memref_slice %arg9[%dma_wait3A_163, %dma_wait3A_164, %dma_wait3A_165] : memref<2x128x128xf32, #tpu.memory_space<vmem>> -> memref<1x128x128xf32, #tpu.memory_space<vmem>>
      %dma_wait3A_167 = tpu.memref_squeeze %dma_wait3A_166 : memref<1x128x128xf32, #tpu.memory_space<vmem>> -> memref<128x128xf32, #tpu.memory_space<vmem>>
      %dma_wait3A_168 = arith.constant 0 : i32
      %dma_wait3A_169 = tpu.memref_slice %arg7[%rem3A_18, %dma_wait3A_162, %dma_wait3A_168] : memref<2x8x128xi32, #tpu.memory_space<vmem>> -> memref<1x1x128xi32, #tpu.memory_space<vmem>>
      %dma_wait3A_170 = tpu.memref_squeeze %dma_wait3A_169 : memref<1x1x128xi32, #tpu.memory_space<vmem>> -> memref<128xi32, #tpu.memory_space<vmem>>
      %dma_wait3A_171 = arith.constant 0 : i32
      %dma_wait3A_172 = arith.constant 0 : i32
      %dma_wait3A_173 = tpu.memref_slice %arg2[%dma_wait3A_171, %dma_wait3A_172] : memref<10240x128xf32, #tpu.memory_space<hbm>> -> memref<10240x128xf32, #tpu.memory_space<hbm>>
      tpu.wait_indirect_dma semaphore(%arg12 : memref<!tpu.dma_semaphore, #tpu.memory_space<semaphore_mem>>) src(%dma_wait3A_173 : memref<10240x128xf32, #tpu.memory_space<hbm>>) dst(%dma_wait3A_167 : memref<128x128xf32, #tpu.memory_space<vmem>>)
      %dma_start3A_174 = arith.constant 6 : i32
      %dma_start3A_175 = arith.constant 0 : i32
      %dma_start3A_176 = arith.constant 0 : i32
      %dma_start3A_177 = arith.constant 0 : i32
      %dma_start3A_178 = tpu.memref_slice %arg9[%dma_start3A_175, %dma_start3A_176, %dma_start3A_177] : memref<2x128x128xf32, #tpu.memory_space<vmem>> -> memref<1x128x128xf32, #tpu.memory_space<vmem>>
      %dma_start3A_179 = tpu.memref_squeeze %dma_start3A_178 : memref<1x128x128xf32, #tpu.memory_space<vmem>> -> memref<128x128xf32, #tpu.memory_space<vmem>>
      %dma_start3A_180 = arith.constant 0 : i32
      %dma_start3A_181 = tpu.memref_slice %arg7[%rem3A_18, %dma_start3A_174, %dma_start3A_180] : memref<2x8x128xi32, #tpu.memory_space<vmem>> -> memref<1x1x128xi32, #tpu.memory_space<vmem>>
      %dma_start3A_182 = tpu.memref_squeeze %dma_start3A_181 : memref<1x1x128xi32, #tpu.memory_space<vmem>> -> memref<128xi32, #tpu.memory_space<vmem>>
      %dma_start3A_183 = arith.constant 0 : i32
      %dma_start3A_184 = arith.constant 0 : i32
      %dma_start3A_185 = tpu.memref_slice %arg2[%dma_start3A_183, %dma_start3A_184] : memref<10240x128xf32, #tpu.memory_space<hbm>> -> memref<10240x128xf32, #tpu.memory_space<hbm>>
      tpu.enqueue_indirect_dma source(%dma_start3A_185 : memref<10240x128xf32, #tpu.memory_space<hbm>>) target(%dma_start3A_179 : memref<128x128xf32, #tpu.memory_space<vmem>>) offsets(%dma_start3A_182 : memref<128xi32, #tpu.memory_space<vmem>>) semaphore(%arg11 : memref<!tpu.dma_semaphore, #tpu.memory_space<semaphore_mem>>)
      %run_scoped3A_186 = arith.constant 1 : i32
      %run_scoped3A_187 = arith.constant 5 : i32
      "tpu.region"() ({
        %run_scoped3A_233 = tpu.sem_alloc : memref<!tpu.dma_semaphore, #tpu.memory_space<semaphore_mem>>
        %dma_start3A_234 = arith.constant 0 : i32
        %dma_start3A_235 = arith.constant 0 : i32
        %dma_start3A_236 = tpu.memref_slice %arg9[%run_scoped3A_186, %dma_start3A_234, %dma_start3A_235] : memref<2x128x128xf32, #tpu.memory_space<vmem>> -> memref<1x128x128xf32, #tpu.memory_space<vmem>>
        %dma_start3A_237 = tpu.memref_squeeze %dma_start3A_236 : memref<1x128x128xf32, #tpu.memory_space<vmem>> -> memref<128x128xf32, #tpu.memory_space<vmem>>
        %dma_start3A_238 = arith.constant 0 : i32
        %dma_start3A_239 = tpu.memref_slice %arg8[%rem3A_18, %run_scoped3A_187, %dma_start3A_238] : memref<2x8x128xi32, #tpu.memory_space<vmem>> -> memref<1x1x128xi32, #tpu.memory_space<vmem>>
        %dma_start3A_240 = tpu.memref_squeeze %dma_start3A_239 : memref<1x1x128xi32, #tpu.memory_space<vmem>> -> memref<128xi32, #tpu.memory_space<vmem>>
        %dma_start3A_241 = arith.constant 0 : i32
        %dma_start3A_242 = arith.constant 0 : i32
        %dma_start3A_243 = tpu.memref_slice %arg10[%dma_start3A_241, %dma_start3A_242] : memref<10112x128xf32, #tpu.memory_space<vmem_shared>> -> memref<10112x128xf32, #tpu.memory_space<vmem_shared>>
        tpu.enqueue_indirect_dma source(%dma_start3A_237 : memref<128x128xf32, #tpu.memory_space<vmem>>) target(%dma_start3A_243 : memref<10112x128xf32, #tpu.memory_space<vmem_shared>>) offsets(%dma_start3A_240 : memref<128xi32, #tpu.memory_space<vmem>>) semaphore(%run_scoped3A_233 : memref<!tpu.dma_semaphore, #tpu.memory_space<semaphore_mem>>) {add = true}
        %dma_wait3A_244 = arith.constant 0 : i32
        %dma_wait3A_245 = arith.constant 0 : i32
        %dma_wait3A_246 = tpu.memref_slice %arg9[%run_scoped3A_186, %dma_wait3A_244, %dma_wait3A_245] : memref<2x128x128xf32, #tpu.memory_space<vmem>> -> memref<1x128x128xf32, #tpu.memory_space<vmem>>
        %dma_wait3A_247 = tpu.memref_squeeze %dma_wait3A_246 : memref<1x128x128xf32, #tpu.memory_space<vmem>> -> memref<128x128xf32, #tpu.memory_space<vmem>>
        %dma_wait3A_248 = arith.constant 0 : i32
        %dma_wait3A_249 = tpu.memref_slice %arg8[%rem3A_18, %run_scoped3A_187, %dma_wait3A_248] : memref<2x8x128xi32, #tpu.memory_space<vmem>> -> memref<1x1x128xi32, #tpu.memory_space<vmem>>
        %dma_wait3A_250 = tpu.memref_squeeze %dma_wait3A_249 : memref<1x1x128xi32, #tpu.memory_space<vmem>> -> memref<128xi32, #tpu.memory_space<vmem>>
        %dma_wait3A_251 = arith.constant 0 : i32
        %dma_wait3A_252 = arith.constant 0 : i32
        %dma_wait3A_253 = tpu.memref_slice %arg10[%dma_wait3A_251, %dma_wait3A_252] : memref<10112x128xf32, #tpu.memory_space<vmem_shared>> -> memref<10112x128xf32, #tpu.memory_space<vmem_shared>>
        tpu.wait_indirect_dma semaphore(%run_scoped3A_233 : memref<!tpu.dma_semaphore, #tpu.memory_space<semaphore_mem>>) src(%dma_wait3A_247 : memref<128x128xf32, #tpu.memory_space<vmem>>) dst(%dma_wait3A_253 : memref<10112x128xf32, #tpu.memory_space<vmem_shared>>)
        tpu.yield
      }) : () -> ()
      %dma_wait3A_188 = arith.constant 6 : i32
      %dma_wait3A_189 = arith.constant 0 : i32
      %dma_wait3A_190 = arith.constant 0 : i32
      %dma_wait3A_191 = arith.constant 0 : i32
      %dma_wait3A_192 = tpu.memref_slice %arg9[%dma_wait3A_189, %dma_wait3A_190, %dma_wait3A_191] : memref<2x128x128xf32, #tpu.memory_space<vmem>> -> memref<1x128x128xf32, #tpu.memory_space<vmem>>
      %dma_wait3A_193 = tpu.memref_squeeze %dma_wait3A_192 : memref<1x128x128xf32, #tpu.memory_space<vmem>> -> memref<128x128xf32, #tpu.memory_space<vmem>>
      %dma_wait3A_194 = arith.constant 0 : i32
      %dma_wait3A_195 = tpu.memref_slice %arg7[%rem3A_18, %dma_wait3A_188, %dma_wait3A_194] : memref<2x8x128xi32, #tpu.memory_space<vmem>> -> memref<1x1x128xi32, #tpu.memory_space<vmem>>
      %dma_wait3A_196 = tpu.memref_squeeze %dma_wait3A_195 : memref<1x1x128xi32, #tpu.memory_space<vmem>> -> memref<128xi32, #tpu.memory_space<vmem>>
      %dma_wait3A_197 = arith.constant 0 : i32
      %dma_wait3A_198 = arith.constant 0 : i32
      %dma_wait3A_199 = tpu.memref_slice %arg2[%dma_wait3A_197, %dma_wait3A_198] : memref<10240x128xf32, #tpu.memory_space<hbm>> -> memref<10240x128xf32, #tpu.memory_space<hbm>>
      tpu.wait_indirect_dma semaphore(%arg11 : memref<!tpu.dma_semaphore, #tpu.memory_space<semaphore_mem>>) src(%dma_wait3A_199 : memref<10240x128xf32, #tpu.memory_space<hbm>>) dst(%dma_wait3A_193 : memref<128x128xf32, #tpu.memory_space<vmem>>)
      %dma_start3A_200 = arith.constant 7 : i32
      %dma_start3A_201 = arith.constant 1 : i32
      %dma_start3A_202 = arith.constant 0 : i32
      %dma_start3A_203 = arith.constant 0 : i32
      %dma_start3A_204 = tpu.memref_slice %arg9[%dma_start3A_201, %dma_start3A_202, %dma_start3A_203] : memref<2x128x128xf32, #tpu.memory_space<vmem>> -> memref<1x128x128xf32, #tpu.memory_space<vmem>>
      %dma_start3A_205 = tpu.memref_squeeze %dma_start3A_204 : memref<1x128x128xf32, #tpu.memory_space<vmem>> -> memref<128x128xf32, #tpu.memory_space<vmem>>
      %dma_start3A_206 = arith.constant 0 : i32
      %dma_start3A_207 = tpu.memref_slice %arg7[%rem3A_18, %dma_start3A_200, %dma_start3A_206] : memref<2x8x128xi32, #tpu.memory_space<vmem>> -> memref<1x1x128xi32, #tpu.memory_space<vmem>>
      %dma_start3A_208 = tpu.memref_squeeze %dma_start3A_207 : memref<1x1x128xi32, #tpu.memory_space<vmem>> -> memref<128xi32, #tpu.memory_space<vmem>>
      %dma_start3A_209 = arith.constant 0 : i32
      %dma_start3A_210 = arith.constant 0 : i32
      %dma_start3A_211 = tpu.memref_slice %arg2[%dma_start3A_209, %dma_start3A_210] : memref<10240x128xf32, #tpu.memory_space<hbm>> -> memref<10240x128xf32, #tpu.memory_space<hbm>>
      tpu.enqueue_indirect_dma source(%dma_start3A_211 : memref<10240x128xf32, #tpu.memory_space<hbm>>) target(%dma_start3A_205 : memref<128x128xf32, #tpu.memory_space<vmem>>) offsets(%dma_start3A_208 : memref<128xi32, #tpu.memory_space<vmem>>) semaphore(%arg12 : memref<!tpu.dma_semaphore, #tpu.memory_space<semaphore_mem>>)
      %run_scoped3A_212 = arith.constant 0 : i32
      %run_scoped3A_213 = arith.constant 6 : i32
      "tpu.region"() ({
        %run_scoped3A_233 = tpu.sem_alloc : memref<!tpu.dma_semaphore, #tpu.memory_space<semaphore_mem>>
        %dma_start3A_234 = arith.constant 0 : i32
        %dma_start3A_235 = arith.constant 0 : i32
        %dma_start3A_236 = tpu.memref_slice %arg9[%run_scoped3A_212, %dma_start3A_234, %dma_start3A_235] : memref<2x128x128xf32, #tpu.memory_space<vmem>> -> memref<1x128x128xf32, #tpu.memory_space<vmem>>
        %dma_start3A_237 = tpu.memref_squeeze %dma_start3A_236 : memref<1x128x128xf32, #tpu.memory_space<vmem>> -> memref<128x128xf32, #tpu.memory_space<vmem>>
        %dma_start3A_238 = arith.constant 0 : i32
        %dma_start3A_239 = tpu.memref_slice %arg8[%rem3A_18, %run_scoped3A_213, %dma_start3A_238] : memref<2x8x128xi32, #tpu.memory_space<vmem>> -> memref<1x1x128xi32, #tpu.memory_space<vmem>>
        %dma_start3A_240 = tpu.memref_squeeze %dma_start3A_239 : memref<1x1x128xi32, #tpu.memory_space<vmem>> -> memref<128xi32, #tpu.memory_space<vmem>>
        %dma_start3A_241 = arith.constant 0 : i32
        %dma_start3A_242 = arith.constant 0 : i32
        %dma_start3A_243 = tpu.memref_slice %arg10[%dma_start3A_241, %dma_start3A_242] : memref<10112x128xf32, #tpu.memory_space<vmem_shared>> -> memref<10112x128xf32, #tpu.memory_space<vmem_shared>>
        tpu.enqueue_indirect_dma source(%dma_start3A_237 : memref<128x128xf32, #tpu.memory_space<vmem>>) target(%dma_start3A_243 : memref<10112x128xf32, #tpu.memory_space<vmem_shared>>) offsets(%dma_start3A_240 : memref<128xi32, #tpu.memory_space<vmem>>) semaphore(%run_scoped3A_233 : memref<!tpu.dma_semaphore, #tpu.memory_space<semaphore_mem>>) {add = true}
        %dma_wait3A_244 = arith.constant 0 : i32
        %dma_wait3A_245 = arith.constant 0 : i32
        %dma_wait3A_246 = tpu.memref_slice %arg9[%run_scoped3A_212, %dma_wait3A_244, %dma_wait3A_245] : memref<2x128x128xf32, #tpu.memory_space<vmem>> -> memref<1x128x128xf32, #tpu.memory_space<vmem>>
        %dma_wait3A_247 = tpu.memref_squeeze %dma_wait3A_246 : memref<1x128x128xf32, #tpu.memory_space<vmem>> -> memref<128x128xf32, #tpu.memory_space<vmem>>
        %dma_wait3A_248 = arith.constant 0 : i32
        %dma_wait3A_249 = tpu.memref_slice %arg8[%rem3A_18, %run_scoped3A_213, %dma_wait3A_248] : memref<2x8x128xi32, #tpu.memory_space<vmem>> -> memref<1x1x128xi32, #tpu.memory_space<vmem>>
        %dma_wait3A_250 = tpu.memref_squeeze %dma_wait3A_249 : memref<1x1x128xi32, #tpu.memory_space<vmem>> -> memref<128xi32, #tpu.memory_space<vmem>>
        %dma_wait3A_251 = arith.constant 0 : i32
        %dma_wait3A_252 = arith.constant 0 : i32
        %dma_wait3A_253 = tpu.memref_slice %arg10[%dma_wait3A_251, %dma_wait3A_252] : memref<10112x128xf32, #tpu.memory_space<vmem_shared>> -> memref<10112x128xf32, #tpu.memory_space<vmem_shared>>
        tpu.wait_indirect_dma semaphore(%run_scoped3A_233 : memref<!tpu.dma_semaphore, #tpu.memory_space<semaphore_mem>>) src(%dma_wait3A_247 : memref<128x128xf32, #tpu.memory_space<vmem>>) dst(%dma_wait3A_253 : memref<10112x128xf32, #tpu.memory_space<vmem_shared>>)
        tpu.yield
      }) : () -> ()
      %dma_wait3A_214 = arith.constant 7 : i32
      %dma_wait3A_215 = arith.constant 1 : i32
      %dma_wait3A_216 = arith.constant 0 : i32
      %dma_wait3A_217 = arith.constant 0 : i32
      %dma_wait3A_218 = tpu.memref_slice %arg9[%dma_wait3A_215, %dma_wait3A_216, %dma_wait3A_217] : memref<2x128x128xf32, #tpu.memory_space<vmem>> -> memref<1x128x128xf32, #tpu.memory_space<vmem>>
      %dma_wait3A_219 = tpu.memref_squeeze %dma_wait3A_218 : memref<1x128x128xf32, #tpu.memory_space<vmem>> -> memref<128x128xf32, #tpu.memory_space<vmem>>
      %dma_wait3A_220 = arith.constant 0 : i32
      %dma_wait3A_221 = tpu.memref_slice %arg7[%rem3A_18, %dma_wait3A_214, %dma_wait3A_220] : memref<2x8x128xi32, #tpu.memory_space<vmem>> -> memref<1x1x128xi32, #tpu.memory_space<vmem>>
      %dma_wait3A_222 = tpu.memref_squeeze %dma_wait3A_221 : memref<1x1x128xi32, #tpu.memory_space<vmem>> -> memref<128xi32, #tpu.memory_space<vmem>>
      %dma_wait3A_223 = arith.constant 0 : i32
      %dma_wait3A_224 = arith.constant 0 : i32
      %dma_wait3A_225 = tpu.memref_slice %arg2[%dma_wait3A_223, %dma_wait3A_224] : memref<10240x128xf32, #tpu.memory_space<hbm>> -> memref<10240x128xf32, #tpu.memory_space<hbm>>
      tpu.wait_indirect_dma semaphore(%arg12 : memref<!tpu.dma_semaphore, #tpu.memory_space<semaphore_mem>>) src(%dma_wait3A_225 : memref<10240x128xf32, #tpu.memory_space<hbm>>) dst(%dma_wait3A_219 : memref<128x128xf32, #tpu.memory_space<vmem>>)
      %run_scoped3A_226 = arith.constant 1 : i32
      %run_scoped3A_227 = arith.constant 7 : i32
      "tpu.region"() ({
        %run_scoped3A_233 = tpu.sem_alloc : memref<!tpu.dma_semaphore, #tpu.memory_space<semaphore_mem>>
        %dma_start3A_234 = arith.constant 0 : i32
        %dma_start3A_235 = arith.constant 0 : i32
        %dma_start3A_236 = tpu.memref_slice %arg9[%run_scoped3A_226, %dma_start3A_234, %dma_start3A_235] : memref<2x128x128xf32, #tpu.memory_space<vmem>> -> memref<1x128x128xf32, #tpu.memory_space<vmem>>
        %dma_start3A_237 = tpu.memref_squeeze %dma_start3A_236 : memref<1x128x128xf32, #tpu.memory_space<vmem>> -> memref<128x128xf32, #tpu.memory_space<vmem>>
        %dma_start3A_238 = arith.constant 0 : i32
        %dma_start3A_239 = tpu.memref_slice %arg8[%rem3A_18, %run_scoped3A_227, %dma_start3A_238] : memref<2x8x128xi32, #tpu.memory_space<vmem>> -> memref<1x1x128xi32, #tpu.memory_space<vmem>>
        %dma_start3A_240 = tpu.memref_squeeze %dma_start3A_239 : memref<1x1x128xi32, #tpu.memory_space<vmem>> -> memref<128xi32, #tpu.memory_space<vmem>>
        %dma_start3A_241 = arith.constant 0 : i32
        %dma_start3A_242 = arith.constant 0 : i32
        %dma_start3A_243 = tpu.memref_slice %arg10[%dma_start3A_241, %dma_start3A_242] : memref<10112x128xf32, #tpu.memory_space<vmem_shared>> -> memref<10112x128xf32, #tpu.memory_space<vmem_shared>>
        tpu.enqueue_indirect_dma source(%dma_start3A_237 : memref<128x128xf32, #tpu.memory_space<vmem>>) target(%dma_start3A_243 : memref<10112x128xf32, #tpu.memory_space<vmem_shared>>) offsets(%dma_start3A_240 : memref<128xi32, #tpu.memory_space<vmem>>) semaphore(%run_scoped3A_233 : memref<!tpu.dma_semaphore, #tpu.memory_space<semaphore_mem>>) {add = true}
        %dma_wait3A_244 = arith.constant 0 : i32
        %dma_wait3A_245 = arith.constant 0 : i32
        %dma_wait3A_246 = tpu.memref_slice %arg9[%run_scoped3A_226, %dma_wait3A_244, %dma_wait3A_245] : memref<2x128x128xf32, #tpu.memory_space<vmem>> -> memref<1x128x128xf32, #tpu.memory_space<vmem>>
        %dma_wait3A_247 = tpu.memref_squeeze %dma_wait3A_246 : memref<1x128x128xf32, #tpu.memory_space<vmem>> -> memref<128x128xf32, #tpu.memory_space<vmem>>
        %dma_wait3A_248 = arith.constant 0 : i32
        %dma_wait3A_249 = tpu.memref_slice %arg8[%rem3A_18, %run_scoped3A_227, %dma_wait3A_248] : memref<2x8x128xi32, #tpu.memory_space<vmem>> -> memref<1x1x128xi32, #tpu.memory_space<vmem>>
        %dma_wait3A_250 = tpu.memref_squeeze %dma_wait3A_249 : memref<1x1x128xi32, #tpu.memory_space<vmem>> -> memref<128xi32, #tpu.memory_space<vmem>>
        %dma_wait3A_251 = arith.constant 0 : i32
        %dma_wait3A_252 = arith.constant 0 : i32
        %dma_wait3A_253 = tpu.memref_slice %arg10[%dma_wait3A_251, %dma_wait3A_252] : memref<10112x128xf32, #tpu.memory_space<vmem_shared>> -> memref<10112x128xf32, #tpu.memory_space<vmem_shared>>
        tpu.wait_indirect_dma semaphore(%run_scoped3A_233 : memref<!tpu.dma_semaphore, #tpu.memory_space<semaphore_mem>>) src(%dma_wait3A_247 : memref<128x128xf32, #tpu.memory_space<vmem>>) dst(%dma_wait3A_253 : memref<10112x128xf32, #tpu.memory_space<vmem_shared>>)
        tpu.yield
      }) : () -> ()
      %lt3A_228 = arith.constant 9 : i32
      %lt3A_229 = arith.cmpi slt, %scan3A_17, %lt3A_228 : i32
      %convert_element_type3A_230 = arith.extui %lt3A_229 : i1 to i32
      %cond3A_231 = arith.constant 0 : i32
      %cond3A_232 = arith.cmpi ne, %convert_element_type3A_230, %cond3A_231 : i32
      scf.if %cond3A_232 {
        %add3A_233 = arith.constant 1 : i32
        %add3A_234 = arith.addi %scan3A_17, %add3A_233 : i32
        %mul3A_235 = arith.constant 8 : i32
        %mul3A_236 = arith.muli %add3A_234, %mul3A_235 : i32
        %multiple_of3A = tpu.assume_multiple %mul3A_236, 8 : i32
        %dma_wait3A_237 = arith.constant 0 : i32
        %dma_wait3A_238 = arith.constant 0 : i32
        %dma_wait3A_239 = tpu.memref_slice %arg7[%sub3A_19, %dma_wait3A_237, %dma_wait3A_238] : memref<2x8x128xi32, #tpu.memory_space<vmem>> -> memref<1x8x128xi32, #tpu.memory_space<vmem>>
        %dma_wait3A_240 = tpu.memref_squeeze %dma_wait3A_239 : memref<1x8x128xi32, #tpu.memory_space<vmem>> -> memref<8x128xi32, #tpu.memory_space<vmem>>
        %dma_wait3A_241 = arith.constant 0 : i32
        %dma_wait3A_242 = tpu.memref_slice %arg3[%add3A, %multiple_of3A, %dma_wait3A_241] : memref<32x80x128xi32, #tpu.memory_space<hbm>> -> memref<1x8x128xi32, #tpu.memory_space<hbm>>
        %dma_wait3A_243 = tpu.memref_squeeze %dma_wait3A_242 : memref<1x8x128xi32, #tpu.memory_space<hbm>> -> memref<8x128xi32, #tpu.memory_space<hbm>>
        %dma_wait3A_244 = arith.constant 0 : i32
        %dma_wait3A_245 = arith.constant 0 : i32
        %dma_wait3A_246 = tpu.memref_slice %arg7[%sub3A_19, %dma_wait3A_244, %dma_wait3A_245] : memref<2x8x128xi32, #tpu.memory_space<vmem>> -> memref<1x8x128xi32, #tpu.memory_space<vmem>>
        %dma_wait3A_247 = tpu.memref_squeeze %dma_wait3A_246 : memref<1x8x128xi32, #tpu.memory_space<vmem>> -> memref<8x128xi32, #tpu.memory_space<vmem>>
        %dma_wait3A_248 = arith.constant 0 : i32
        %dma_wait3A_249 = tpu.memref_slice %arg3[%add3A, %multiple_of3A, %dma_wait3A_248] : memref<32x80x128xi32, #tpu.memory_space<hbm>> -> memref<1x8x128xi32, #tpu.memory_space<hbm>>
        %dma_wait3A_250 = tpu.memref_squeeze %dma_wait3A_249 : memref<1x8x128xi32, #tpu.memory_space<hbm>> -> memref<8x128xi32, #tpu.memory_space<hbm>>
        tpu.wait_dma2 semaphore(%arg15 : memref<!tpu.dma_semaphore, #tpu.memory_space<semaphore_mem>>) src(%dma_wait3A_250 : memref<8x128xi32, #tpu.memory_space<hbm>>) dst(%dma_wait3A_247 : memref<8x128xi32, #tpu.memory_space<vmem>>)
        %dma_wait3A_251 = arith.constant 0 : i32
        %dma_wait3A_252 = arith.constant 0 : i32
        %dma_wait3A_253 = tpu.memref_slice %arg8[%sub3A_19, %dma_wait3A_251, %dma_wait3A_252] : memref<2x8x128xi32, #tpu.memory_space<vmem>> -> memref<1x8x128xi32, #tpu.memory_space<vmem>>
        %dma_wait3A_254 = tpu.memref_squeeze %dma_wait3A_253 : memref<1x8x128xi32, #tpu.memory_space<vmem>> -> memref<8x128xi32, #tpu.memory_space<vmem>>
        %dma_wait3A_255 = arith.constant 0 : i32
        %dma_wait3A_256 = tpu.memref_slice %arg4[%add3A, %multiple_of3A, %dma_wait3A_255] : memref<32x80x128xi32, #tpu.memory_space<hbm>> -> memref<1x8x128xi32, #tpu.memory_space<hbm>>
        %dma_wait3A_257 = tpu.memref_squeeze %dma_wait3A_256 : memref<1x8x128xi32, #tpu.memory_space<hbm>> -> memref<8x128xi32, #tpu.memory_space<hbm>>
        %dma_wait3A_258 = arith.constant 0 : i32
        %dma_wait3A_259 = arith.constant 0 : i32
        %dma_wait3A_260 = tpu.memref_slice %arg8[%sub3A_19, %dma_wait3A_258, %dma_wait3A_259] : memref<2x8x128xi32, #tpu.memory_space<vmem>> -> memref<1x8x128xi32, #tpu.memory_space<vmem>>
        %dma_wait3A_261 = tpu.memref_squeeze %dma_wait3A_260 : memref<1x8x128xi32, #tpu.memory_space<vmem>> -> memref<8x128xi32, #tpu.memory_space<vmem>>
        %dma_wait3A_262 = arith.constant 0 : i32
        %dma_wait3A_263 = tpu.memref_slice %arg4[%add3A, %multiple_of3A, %dma_wait3A_262] : memref<32x80x128xi32, #tpu.memory_space<hbm>> -> memref<1x8x128xi32, #tpu.memory_space<hbm>>
        %dma_wait3A_264 = tpu.memref_squeeze %dma_wait3A_263 : memref<1x8x128xi32, #tpu.memory_space<hbm>> -> memref<8x128xi32, #tpu.memory_space<hbm>>
        tpu.wait_dma2 semaphore(%arg15 : memref<!tpu.dma_semaphore, #tpu.memory_space<semaphore_mem>>) src(%dma_wait3A_264 : memref<8x128xi32, #tpu.memory_space<hbm>>) dst(%dma_wait3A_261 : memref<8x128xi32, #tpu.memory_space<vmem>>)
      } else {
      }
    }
    %scan3A_8 = arith.constant 10 : i32
    %barrier3A_9 = arith.constant 0 : index
    tpu.barrier barrier_id(%barrier3A_9)
    %mul3A_10 = arith.constant 632 : i32
    %mul3A_11 = arith.muli %arg1, %mul3A_10 : i32
    %mul3A_12 = arith.constant 10240 : i32
    %mul3A_13 = arith.muli %arg0, %mul3A_12 : i32
    %mul3A_14 = arith.constant 632 : i32
    %mul3A_15 = arith.muli %arg1, %mul3A_14 : i32
    %add3A_16 = arith.addi %mul3A_13, %mul3A_15 : i32
    "tpu.region"() ({
      %run_scoped3A_17 = tpu.sem_alloc : memref<!tpu.dma_semaphore, #tpu.memory_space<semaphore_mem>>
      %dma_start3A = arith.constant 0 : i32
      %dma_start3A_18 = tpu.memref_slice %arg6[%add3A_16, %dma_start3A] : memref<20480x128xf32, #tpu.memory_space<hbm>> -> memref<632x128xf32, #tpu.memory_space<hbm>>
      %dma_start3A_19 = arith.constant 0 : i32
      %dma_start3A_20 = tpu.memref_slice %arg10[%mul3A_11, %dma_start3A_19] : memref<10112x128xf32, #tpu.memory_space<vmem_shared>> -> memref<632x128xf32, #tpu.memory_space<vmem_shared>>
      tpu.enqueue_dma source(%dma_start3A_20 : memref<632x128xf32, #tpu.memory_space<vmem_shared>>) target(%dma_start3A_18 : memref<632x128xf32, #tpu.memory_space<hbm>>) target_semaphore(%run_scoped3A_17 : memref<!tpu.dma_semaphore, #tpu.memory_space<semaphore_mem>>)
      %dma_wait3A = arith.constant 0 : i32
      %dma_wait3A_21 = tpu.memref_slice %arg6[%add3A_16, %dma_wait3A] : memref<20480x128xf32, #tpu.memory_space<hbm>> -> memref<632x128xf32, #tpu.memory_space<hbm>>
      %dma_wait3A_22 = arith.constant 0 : i32
      %dma_wait3A_23 = tpu.memref_slice %arg10[%mul3A_11, %dma_wait3A_22] : memref<10112x128xf32, #tpu.memory_space<vmem_shared>> -> memref<632x128xf32, #tpu.memory_space<vmem_shared>>
      tpu.wait_dma2 semaphore(%run_scoped3A_17 : memref<!tpu.dma_semaphore, #tpu.memory_space<semaphore_mem>>) src(%dma_wait3A_23 : memref<632x128xf32, #tpu.memory_space<vmem_shared>>) dst(%dma_wait3A_21 : memref<632x128xf32, #tpu.memory_space<hbm>>)
      tpu.yield
    }) : () -> ()
    return
  }
}

#map = affine_map<(d0, d1) -> (0, 0, 0)>
module attributes {stable_mosaic.version = 14 : i64} {
  func.func @_deg_kernel(%arg0: i32, %arg1: i32, %arg2: memref<32x80x128xi32, #tpu.memory_space<hbm>>, %arg3: memref<32x80x128xi32, #tpu.memory_space<hbm>>, %arg4: memref<64x80x128xf32, #tpu.memory_space<hbm>>, %arg5: memref<80x128xi32, #tpu.memory_space<vmem>>, %arg6: memref<80x128xi32, #tpu.memory_space<vmem>>, %arg7: memref<80x128xf32, #tpu.memory_space<vmem>>, %arg8: memref<80x128xf32, #tpu.memory_space<vmem>>) attributes {dimension_semantics = [#tpu.dimension_semantics<core_parallel>, #tpu.dimension_semantics<subcore_parallel>], iteration_bounds = array<i64: 2, 16>, scalar_prefetch = 0 : i64, scratch_operands = 4 : i64, tpu.core_type = #tpu.core_type<sc_vector_subcore>, window_params = [{transform_indices = #map}, {transform_indices = #map}, {transform_indices = #map}]} {
    %mul3A = arith.constant 16 : i32
    %mul3A_0 = arith.muli %arg0, %mul3A : i32
    %add3A = arith.addi %mul3A_0, %arg1 : i32
    %broadcast_in_dim3A = arith.constant 0.000000e+00 : f32
    %broadcast_in_dim3A_1 = vector.broadcast %broadcast_in_dim3A : f32 to vector<16xf32>
    %broadcast_in_dim3A_2 = arith.constant 1.000000e+00 : f32
    %broadcast_in_dim3A_3 = vector.broadcast %broadcast_in_dim3A_2 : f32 to vector<16xf32>
    %scan3A = arith.constant 0 : i32
    %scan3A_4 = arith.constant 0 : i32
    %scan3A_5 = arith.constant 80 : i32
    %scan3A_6 = arith.addi %scan3A_4, %scan3A_5 : i32
    %scan3A_7 = arith.constant 1 : i32
    scf.for %scan3A_17 = %scan3A_4 to %scan3A_6 step %scan3A_7  : i32 {
      %swap3A = arith.index_cast %scan3A_17 : i32 to index
      %swap3A_18 = arith.constant 0 : index
      %swap3A_19 = tpu.vector_load %arg7[%swap3A, %swap3A_18] {strides = array<i32>} : memref<80x128xf32, #tpu.memory_space<vmem>>, vector<16xf32>,
      tpu.vector_store %arg7[%swap3A, %swap3A_18], %broadcast_in_dim3A_1 {strides = array<i32>} : memref<80x128xf32, #tpu.memory_space<vmem>>, vector<16xf32>,
      %swap3A_20 = arith.index_cast %scan3A_17 : i32 to index
      %swap3A_21 = arith.constant 0 : index
      %swap3A_22 = tpu.vector_load %arg8[%swap3A_20, %swap3A_21] {strides = array<i32>} : memref<80x128xf32, #tpu.memory_space<vmem>>, vector<16xf32>,
      tpu.vector_store %arg8[%swap3A_20, %swap3A_21], %broadcast_in_dim3A_1 {strides = array<i32>} : memref<80x128xf32, #tpu.memory_space<vmem>>, vector<16xf32>,
      %swap3A_23 = arith.index_cast %scan3A_17 : i32 to index
      %swap3A_24 = arith.constant 16 : index
      %swap3A_25 = tpu.vector_load %arg7[%swap3A_23, %swap3A_24] {strides = array<i32>} : memref<80x128xf32, #tpu.memory_space<vmem>>, vector<16xf32>,
      tpu.vector_store %arg7[%swap3A_23, %swap3A_24], %broadcast_in_dim3A_1 {strides = array<i32>} : memref<80x128xf32, #tpu.memory_space<vmem>>, vector<16xf32>,
      %swap3A_26 = arith.index_cast %scan3A_17 : i32 to index
      %swap3A_27 = arith.constant 16 : index
      %swap3A_28 = tpu.vector_load %arg8[%swap3A_26, %swap3A_27] {strides = array<i32>} : memref<80x128xf32, #tpu.memory_space<vmem>>, vector<16xf32>,
      tpu.vector_store %arg8[%swap3A_26, %swap3A_27], %broadcast_in_dim3A_1 {strides = array<i32>} : memref<80x128xf32, #tpu.memory_space<vmem>>, vector<16xf32>,
      %swap3A_29 = arith.index_cast %scan3A_17 : i32 to index
      %swap3A_30 = arith.constant 32 : index
      %swap3A_31 = tpu.vector_load %arg7[%swap3A_29, %swap3A_30] {strides = array<i32>} : memref<80x128xf32, #tpu.memory_space<vmem>>, vector<16xf32>,
      tpu.vector_store %arg7[%swap3A_29, %swap3A_30], %broadcast_in_dim3A_1 {strides = array<i32>} : memref<80x128xf32, #tpu.memory_space<vmem>>, vector<16xf32>,
      %swap3A_32 = arith.index_cast %scan3A_17 : i32 to index
      %swap3A_33 = arith.constant 32 : index
      %swap3A_34 = tpu.vector_load %arg8[%swap3A_32, %swap3A_33] {strides = array<i32>} : memref<80x128xf32, #tpu.memory_space<vmem>>, vector<16xf32>,
      tpu.vector_store %arg8[%swap3A_32, %swap3A_33], %broadcast_in_dim3A_1 {strides = array<i32>} : memref<80x128xf32, #tpu.memory_space<vmem>>, vector<16xf32>,
      %swap3A_35 = arith.index_cast %scan3A_17 : i32 to index
      %swap3A_36 = arith.constant 48 : index
      %swap3A_37 = tpu.vector_load %arg7[%swap3A_35, %swap3A_36] {strides = array<i32>} : memref<80x128xf32, #tpu.memory_space<vmem>>, vector<16xf32>,
      tpu.vector_store %arg7[%swap3A_35, %swap3A_36], %broadcast_in_dim3A_1 {strides = array<i32>} : memref<80x128xf32, #tpu.memory_space<vmem>>, vector<16xf32>,
      %swap3A_38 = arith.index_cast %scan3A_17 : i32 to index
      %swap3A_39 = arith.constant 48 : index
      %swap3A_40 = tpu.vector_load %arg8[%swap3A_38, %swap3A_39] {strides = array<i32>} : memref<80x128xf32, #tpu.memory_space<vmem>>, vector<16xf32>,
      tpu.vector_store %arg8[%swap3A_38, %swap3A_39], %broadcast_in_dim3A_1 {strides = array<i32>} : memref<80x128xf32, #tpu.memory_space<vmem>>, vector<16xf32>,
      %swap3A_41 = arith.index_cast %scan3A_17 : i32 to index
      %swap3A_42 = arith.constant 64 : index
      %swap3A_43 = tpu.vector_load %arg7[%swap3A_41, %swap3A_42] {strides = array<i32>} : memref<80x128xf32, #tpu.memory_space<vmem>>, vector<16xf32>,
      tpu.vector_store %arg7[%swap3A_41, %swap3A_42], %broadcast_in_dim3A_1 {strides = array<i32>} : memref<80x128xf32, #tpu.memory_space<vmem>>, vector<16xf32>,
      %swap3A_44 = arith.index_cast %scan3A_17 : i32 to index
      %swap3A_45 = arith.constant 64 : index
      %swap3A_46 = tpu.vector_load %arg8[%swap3A_44, %swap3A_45] {strides = array<i32>} : memref<80x128xf32, #tpu.memory_space<vmem>>, vector<16xf32>,
      tpu.vector_store %arg8[%swap3A_44, %swap3A_45], %broadcast_in_dim3A_1 {strides = array<i32>} : memref<80x128xf32, #tpu.memory_space<vmem>>, vector<16xf32>,
      %swap3A_47 = arith.index_cast %scan3A_17 : i32 to index
      %swap3A_48 = arith.constant 80 : index
      %swap3A_49 = tpu.vector_load %arg7[%swap3A_47, %swap3A_48] {strides = array<i32>} : memref<80x128xf32, #tpu.memory_space<vmem>>, vector<16xf32>,
      tpu.vector_store %arg7[%swap3A_47, %swap3A_48], %broadcast_in_dim3A_1 {strides = array<i32>} : memref<80x128xf32, #tpu.memory_space<vmem>>, vector<16xf32>,
      %swap3A_50 = arith.index_cast %scan3A_17 : i32 to index
      %swap3A_51 = arith.constant 80 : index
      %swap3A_52 = tpu.vector_load %arg8[%swap3A_50, %swap3A_51] {strides = array<i32>} : memref<80x128xf32, #tpu.memory_space<vmem>>, vector<16xf32>,
      tpu.vector_store %arg8[%swap3A_50, %swap3A_51], %broadcast_in_dim3A_1 {strides = array<i32>} : memref<80x128xf32, #tpu.memory_space<vmem>>, vector<16xf32>,
      %swap3A_53 = arith.index_cast %scan3A_17 : i32 to index
      %swap3A_54 = arith.constant 96 : index
      %swap3A_55 = tpu.vector_load %arg7[%swap3A_53, %swap3A_54] {strides = array<i32>} : memref<80x128xf32, #tpu.memory_space<vmem>>, vector<16xf32>,
      tpu.vector_store %arg7[%swap3A_53, %swap3A_54], %broadcast_in_dim3A_1 {strides = array<i32>} : memref<80x128xf32, #tpu.memory_space<vmem>>, vector<16xf32>,
      %swap3A_56 = arith.index_cast %scan3A_17 : i32 to index
      %swap3A_57 = arith.constant 96 : index
      %swap3A_58 = tpu.vector_load %arg8[%swap3A_56, %swap3A_57] {strides = array<i32>} : memref<80x128xf32, #tpu.memory_space<vmem>>, vector<16xf32>,
      tpu.vector_store %arg8[%swap3A_56, %swap3A_57], %broadcast_in_dim3A_1 {strides = array<i32>} : memref<80x128xf32, #tpu.memory_space<vmem>>, vector<16xf32>,
      %swap3A_59 = arith.index_cast %scan3A_17 : i32 to index
      %swap3A_60 = arith.constant 112 : index
      %swap3A_61 = tpu.vector_load %arg7[%swap3A_59, %swap3A_60] {strides = array<i32>} : memref<80x128xf32, #tpu.memory_space<vmem>>, vector<16xf32>,
      tpu.vector_store %arg7[%swap3A_59, %swap3A_60], %broadcast_in_dim3A_1 {strides = array<i32>} : memref<80x128xf32, #tpu.memory_space<vmem>>, vector<16xf32>,
      %swap3A_62 = arith.index_cast %scan3A_17 : i32 to index
      %swap3A_63 = arith.constant 112 : index
      %swap3A_64 = tpu.vector_load %arg8[%swap3A_62, %swap3A_63] {strides = array<i32>} : memref<80x128xf32, #tpu.memory_space<vmem>>, vector<16xf32>,
      tpu.vector_store %arg8[%swap3A_62, %swap3A_63], %broadcast_in_dim3A_1 {strides = array<i32>} : memref<80x128xf32, #tpu.memory_space<vmem>>, vector<16xf32>,
    }
    %scan3A_8 = arith.constant 80 : i32
    "tpu.region"() ({
      %run_scoped3A = tpu.sem_alloc : memref<!tpu.dma_semaphore, #tpu.memory_space<semaphore_mem>>
      %dma_start3A = arith.constant 0 : i32
      %dma_start3A_17 = arith.constant 0 : i32
      %dma_start3A_18 = tpu.memref_slice %arg2[%add3A, %dma_start3A, %dma_start3A_17] : memref<32x80x128xi32, #tpu.memory_space<hbm>> -> memref<1x80x128xi32, #tpu.memory_space<hbm>>
      %dma_start3A_19 = tpu.memref_squeeze %dma_start3A_18 : memref<1x80x128xi32, #tpu.memory_space<hbm>> -> memref<80x128xi32, #tpu.memory_space<hbm>>
      %dma_start3A_20 = arith.constant 0 : i32
      %dma_start3A_21 = arith.constant 0 : i32
      %dma_start3A_22 = tpu.memref_slice %arg2[%add3A, %dma_start3A_20, %dma_start3A_21] : memref<32x80x128xi32, #tpu.memory_space<hbm>> -> memref<1x80x128xi32, #tpu.memory_space<hbm>>
      %dma_start3A_23 = tpu.memref_squeeze %dma_start3A_22 : memref<1x80x128xi32, #tpu.memory_space<hbm>> -> memref<80x128xi32, #tpu.memory_space<hbm>>
      tpu.enqueue_dma source(%dma_start3A_23 : memref<80x128xi32, #tpu.memory_space<hbm>>) target(%arg5 : memref<80x128xi32, #tpu.memory_space<vmem>>) target_semaphore(%run_scoped3A : memref<!tpu.dma_semaphore, #tpu.memory_space<semaphore_mem>>)
      %dma_wait3A = arith.constant 0 : i32
      %dma_wait3A_24 = arith.constant 0 : i32
      %dma_wait3A_25 = tpu.memref_slice %arg2[%add3A, %dma_wait3A, %dma_wait3A_24] : memref<32x80x128xi32, #tpu.memory_space<hbm>> -> memref<1x80x128xi32, #tpu.memory_space<hbm>>
      %dma_wait3A_26 = tpu.memref_squeeze %dma_wait3A_25 : memref<1x80x128xi32, #tpu.memory_space<hbm>> -> memref<80x128xi32, #tpu.memory_space<hbm>>
      %dma_wait3A_27 = arith.constant 0 : i32
      %dma_wait3A_28 = arith.constant 0 : i32
      %dma_wait3A_29 = tpu.memref_slice %arg2[%add3A, %dma_wait3A_27, %dma_wait3A_28] : memref<32x80x128xi32, #tpu.memory_space<hbm>> -> memref<1x80x128xi32, #tpu.memory_space<hbm>>
      %dma_wait3A_30 = tpu.memref_squeeze %dma_wait3A_29 : memref<1x80x128xi32, #tpu.memory_space<hbm>> -> memref<80x128xi32, #tpu.memory_space<hbm>>
      tpu.wait_dma2 semaphore(%run_scoped3A : memref<!tpu.dma_semaphore, #tpu.memory_space<semaphore_mem>>) src(%dma_wait3A_30 : memref<80x128xi32, #tpu.memory_space<hbm>>) dst(%arg5 : memref<80x128xi32, #tpu.memory_space<vmem>>)
      tpu.yield
    }) : () -> ()
    "tpu.region"() ({
      %run_scoped3A = tpu.sem_alloc : memref<!tpu.dma_semaphore, #tpu.memory_space<semaphore_mem>>
      %dma_start3A = arith.constant 0 : i32
      %dma_start3A_17 = arith.constant 0 : i32
      %dma_start3A_18 = tpu.memref_slice %arg3[%add3A, %dma_start3A, %dma_start3A_17] : memref<32x80x128xi32, #tpu.memory_space<hbm>> -> memref<1x80x128xi32, #tpu.memory_space<hbm>>
      %dma_start3A_19 = tpu.memref_squeeze %dma_start3A_18 : memref<1x80x128xi32, #tpu.memory_space<hbm>> -> memref<80x128xi32, #tpu.memory_space<hbm>>
      %dma_start3A_20 = arith.constant 0 : i32
      %dma_start3A_21 = arith.constant 0 : i32
      %dma_start3A_22 = tpu.memref_slice %arg3[%add3A, %dma_start3A_20, %dma_start3A_21] : memref<32x80x128xi32, #tpu.memory_space<hbm>> -> memref<1x80x128xi32, #tpu.memory_space<hbm>>
      %dma_start3A_23 = tpu.memref_squeeze %dma_start3A_22 : memref<1x80x128xi32, #tpu.memory_space<hbm>> -> memref<80x128xi32, #tpu.memory_space<hbm>>
      tpu.enqueue_dma source(%dma_start3A_23 : memref<80x128xi32, #tpu.memory_space<hbm>>) target(%arg6 : memref<80x128xi32, #tpu.memory_space<vmem>>) target_semaphore(%run_scoped3A : memref<!tpu.dma_semaphore, #tpu.memory_space<semaphore_mem>>)
      %dma_wait3A = arith.constant 0 : i32
      %dma_wait3A_24 = arith.constant 0 : i32
      %dma_wait3A_25 = tpu.memref_slice %arg3[%add3A, %dma_wait3A, %dma_wait3A_24] : memref<32x80x128xi32, #tpu.memory_space<hbm>> -> memref<1x80x128xi32, #tpu.memory_space<hbm>>
      %dma_wait3A_26 = tpu.memref_squeeze %dma_wait3A_25 : memref<1x80x128xi32, #tpu.memory_space<hbm>> -> memref<80x128xi32, #tpu.memory_space<hbm>>
      %dma_wait3A_27 = arith.constant 0 : i32
      %dma_wait3A_28 = arith.constant 0 : i32
      %dma_wait3A_29 = tpu.memref_slice %arg3[%add3A, %dma_wait3A_27, %dma_wait3A_28] : memref<32x80x128xi32, #tpu.memory_space<hbm>> -> memref<1x80x128xi32, #tpu.memory_space<hbm>>
      %dma_wait3A_30 = tpu.memref_squeeze %dma_wait3A_29 : memref<1x80x128xi32, #tpu.memory_space<hbm>> -> memref<80x128xi32, #tpu.memory_space<hbm>>
      tpu.wait_dma2 semaphore(%run_scoped3A : memref<!tpu.dma_semaphore, #tpu.memory_space<semaphore_mem>>) src(%dma_wait3A_30 : memref<80x128xi32, #tpu.memory_space<hbm>>) dst(%arg6 : memref<80x128xi32, #tpu.memory_space<vmem>>)
      tpu.yield
    }) : () -> ()
    %scan3A_9 = arith.constant 0 : i32
    %scan3A_10 = arith.constant 0 : i32
    %scan3A_11 = arith.constant 80 : i32
    %scan3A_12 = arith.addi %scan3A_10, %scan3A_11 : i32
    %scan3A_13 = arith.constant 1 : i32
    scf.for %scan3A_17 = %scan3A_10 to %scan3A_12 step %scan3A_13  : i32 {
      %get3A = arith.index_cast %scan3A_17 : i32 to index
      %get3A_18 = arith.constant 0 : index
      %get3A_19 = tpu.vector_load %arg5[%get3A, %get3A_18] {strides = array<i32>} : memref<80x128xi32, #tpu.memory_space<vmem>>, vector<16xi32>,
      %shift_right_logical3A = arith.constant 7 : i32
      %shift_right_logical3A_20 = vector.broadcast %shift_right_logical3A : i32 to vector<16xi32>
      %shift_right_logical3A_21 = arith.shrui %get3A_19, %shift_right_logical3A_20 : vector<16xi32>
      %and3A = arith.constant 127 : i32
      %and3A_22 = vector.broadcast %and3A : i32 to vector<16xi32>
      %and3A_23 = arith.andi %get3A_19, %and3A_22 : vector<16xi32>
      tpu.vector_store_idx %arg7[%shift_right_logical3A_21, %and3A_23], %broadcast_in_dim3A_3 {add = true} : memref<80x128xf32, #tpu.memory_space<vmem>>[vector<16xi32>, vector<16xi32>], vector<16xf32>,
      %get3A_24 = arith.index_cast %scan3A_17 : i32 to index
      %get3A_25 = arith.constant 0 : index
      %get3A_26 = tpu.vector_load %arg6[%get3A_24, %get3A_25] {strides = array<i32>} : memref<80x128xi32, #tpu.memory_space<vmem>>, vector<16xi32>,
      %shift_right_logical3A_27 = arith.constant 7 : i32
      %shift_right_logical3A_28 = vector.broadcast %shift_right_logical3A_27 : i32 to vector<16xi32>
      %shift_right_logical3A_29 = arith.shrui %get3A_26, %shift_right_logical3A_28 : vector<16xi32>
      %and3A_30 = arith.constant 127 : i32
      %and3A_31 = vector.broadcast %and3A_30 : i32 to vector<16xi32>
      %and3A_32 = arith.andi %get3A_26, %and3A_31 : vector<16xi32>
      tpu.vector_store_idx %arg8[%shift_right_logical3A_29, %and3A_32], %broadcast_in_dim3A_3 {add = true} : memref<80x128xf32, #tpu.memory_space<vmem>>[vector<16xi32>, vector<16xi32>], vector<16xf32>,
      %get3A_33 = arith.index_cast %scan3A_17 : i32 to index
      %get3A_34 = arith.constant 16 : index
      %get3A_35 = tpu.vector_load %arg5[%get3A_33, %get3A_34] {strides = array<i32>} : memref<80x128xi32, #tpu.memory_space<vmem>>, vector<16xi32>,
      %shift_right_logical3A_36 = arith.constant 7 : i32
      %shift_right_logical3A_37 = vector.broadcast %shift_right_logical3A_36 : i32 to vector<16xi32>
      %shift_right_logical3A_38 = arith.shrui %get3A_35, %shift_right_logical3A_37 : vector<16xi32>
      %and3A_39 = arith.constant 127 : i32
      %and3A_40 = vector.broadcast %and3A_39 : i32 to vector<16xi32>
      %and3A_41 = arith.andi %get3A_35, %and3A_40 : vector<16xi32>
      tpu.vector_store_idx %arg7[%shift_right_logical3A_38, %and3A_41], %broadcast_in_dim3A_3 {add = true} : memref<80x128xf32, #tpu.memory_space<vmem>>[vector<16xi32>, vector<16xi32>], vector<16xf32>,
      %get3A_42 = arith.index_cast %scan3A_17 : i32 to index
      %get3A_43 = arith.constant 16 : index
      %get3A_44 = tpu.vector_load %arg6[%get3A_42, %get3A_43] {strides = array<i32>} : memref<80x128xi32, #tpu.memory_space<vmem>>, vector<16xi32>,
      %shift_right_logical3A_45 = arith.constant 7 : i32
      %shift_right_logical3A_46 = vector.broadcast %shift_right_logical3A_45 : i32 to vector<16xi32>
      %shift_right_logical3A_47 = arith.shrui %get3A_44, %shift_right_logical3A_46 : vector<16xi32>
      %and3A_48 = arith.constant 127 : i32
      %and3A_49 = vector.broadcast %and3A_48 : i32 to vector<16xi32>
      %and3A_50 = arith.andi %get3A_44, %and3A_49 : vector<16xi32>
      tpu.vector_store_idx %arg8[%shift_right_logical3A_47, %and3A_50], %broadcast_in_dim3A_3 {add = true} : memref<80x128xf32, #tpu.memory_space<vmem>>[vector<16xi32>, vector<16xi32>], vector<16xf32>,
      %get3A_51 = arith.index_cast %scan3A_17 : i32 to index
      %get3A_52 = arith.constant 32 : index
      %get3A_53 = tpu.vector_load %arg5[%get3A_51, %get3A_52] {strides = array<i32>} : memref<80x128xi32, #tpu.memory_space<vmem>>, vector<16xi32>,
      %shift_right_logical3A_54 = arith.constant 7 : i32
      %shift_right_logical3A_55 = vector.broadcast %shift_right_logical3A_54 : i32 to vector<16xi32>
      %shift_right_logical3A_56 = arith.shrui %get3A_53, %shift_right_logical3A_55 : vector<16xi32>
      %and3A_57 = arith.constant 127 : i32
      %and3A_58 = vector.broadcast %and3A_57 : i32 to vector<16xi32>
      %and3A_59 = arith.andi %get3A_53, %and3A_58 : vector<16xi32>
      tpu.vector_store_idx %arg7[%shift_right_logical3A_56, %and3A_59], %broadcast_in_dim3A_3 {add = true} : memref<80x128xf32, #tpu.memory_space<vmem>>[vector<16xi32>, vector<16xi32>], vector<16xf32>,
      %get3A_60 = arith.index_cast %scan3A_17 : i32 to index
      %get3A_61 = arith.constant 32 : index
      %get3A_62 = tpu.vector_load %arg6[%get3A_60, %get3A_61] {strides = array<i32>} : memref<80x128xi32, #tpu.memory_space<vmem>>, vector<16xi32>,
      %shift_right_logical3A_63 = arith.constant 7 : i32
      %shift_right_logical3A_64 = vector.broadcast %shift_right_logical3A_63 : i32 to vector<16xi32>
      %shift_right_logical3A_65 = arith.shrui %get3A_62, %shift_right_logical3A_64 : vector<16xi32>
      %and3A_66 = arith.constant 127 : i32
      %and3A_67 = vector.broadcast %and3A_66 : i32 to vector<16xi32>
      %and3A_68 = arith.andi %get3A_62, %and3A_67 : vector<16xi32>
      tpu.vector_store_idx %arg8[%shift_right_logical3A_65, %and3A_68], %broadcast_in_dim3A_3 {add = true} : memref<80x128xf32, #tpu.memory_space<vmem>>[vector<16xi32>, vector<16xi32>], vector<16xf32>,
      %get3A_69 = arith.index_cast %scan3A_17 : i32 to index
      %get3A_70 = arith.constant 48 : index
      %get3A_71 = tpu.vector_load %arg5[%get3A_69, %get3A_70] {strides = array<i32>} : memref<80x128xi32, #tpu.memory_space<vmem>>, vector<16xi32>,
      %shift_right_logical3A_72 = arith.constant 7 : i32
      %shift_right_logical3A_73 = vector.broadcast %shift_right_logical3A_72 : i32 to vector<16xi32>
      %shift_right_logical3A_74 = arith.shrui %get3A_71, %shift_right_logical3A_73 : vector<16xi32>
      %and3A_75 = arith.constant 127 : i32
      %and3A_76 = vector.broadcast %and3A_75 : i32 to vector<16xi32>
      %and3A_77 = arith.andi %get3A_71, %and3A_76 : vector<16xi32>
      tpu.vector_store_idx %arg7[%shift_right_logical3A_74, %and3A_77], %broadcast_in_dim3A_3 {add = true} : memref<80x128xf32, #tpu.memory_space<vmem>>[vector<16xi32>, vector<16xi32>], vector<16xf32>,
      %get3A_78 = arith.index_cast %scan3A_17 : i32 to index
      %get3A_79 = arith.constant 48 : index
      %get3A_80 = tpu.vector_load %arg6[%get3A_78, %get3A_79] {strides = array<i32>} : memref<80x128xi32, #tpu.memory_space<vmem>>, vector<16xi32>,
      %shift_right_logical3A_81 = arith.constant 7 : i32
      %shift_right_logical3A_82 = vector.broadcast %shift_right_logical3A_81 : i32 to vector<16xi32>
      %shift_right_logical3A_83 = arith.shrui %get3A_80, %shift_right_logical3A_82 : vector<16xi32>
      %and3A_84 = arith.constant 127 : i32
      %and3A_85 = vector.broadcast %and3A_84 : i32 to vector<16xi32>
      %and3A_86 = arith.andi %get3A_80, %and3A_85 : vector<16xi32>
      tpu.vector_store_idx %arg8[%shift_right_logical3A_83, %and3A_86], %broadcast_in_dim3A_3 {add = true} : memref<80x128xf32, #tpu.memory_space<vmem>>[vector<16xi32>, vector<16xi32>], vector<16xf32>,
      %get3A_87 = arith.index_cast %scan3A_17 : i32 to index
      %get3A_88 = arith.constant 64 : index
      %get3A_89 = tpu.vector_load %arg5[%get3A_87, %get3A_88] {strides = array<i32>} : memref<80x128xi32, #tpu.memory_space<vmem>>, vector<16xi32>,
      %shift_right_logical3A_90 = arith.constant 7 : i32
      %shift_right_logical3A_91 = vector.broadcast %shift_right_logical3A_90 : i32 to vector<16xi32>
      %shift_right_logical3A_92 = arith.shrui %get3A_89, %shift_right_logical3A_91 : vector<16xi32>
      %and3A_93 = arith.constant 127 : i32
      %and3A_94 = vector.broadcast %and3A_93 : i32 to vector<16xi32>
      %and3A_95 = arith.andi %get3A_89, %and3A_94 : vector<16xi32>
      tpu.vector_store_idx %arg7[%shift_right_logical3A_92, %and3A_95], %broadcast_in_dim3A_3 {add = true} : memref<80x128xf32, #tpu.memory_space<vmem>>[vector<16xi32>, vector<16xi32>], vector<16xf32>,
      %get3A_96 = arith.index_cast %scan3A_17 : i32 to index
      %get3A_97 = arith.constant 64 : index
      %get3A_98 = tpu.vector_load %arg6[%get3A_96, %get3A_97] {strides = array<i32>} : memref<80x128xi32, #tpu.memory_space<vmem>>, vector<16xi32>,
      %shift_right_logical3A_99 = arith.constant 7 : i32
      %shift_right_logical3A_100 = vector.broadcast %shift_right_logical3A_99 : i32 to vector<16xi32>
      %shift_right_logical3A_101 = arith.shrui %get3A_98, %shift_right_logical3A_100 : vector<16xi32>
      %and3A_102 = arith.constant 127 : i32
      %and3A_103 = vector.broadcast %and3A_102 : i32 to vector<16xi32>
      %and3A_104 = arith.andi %get3A_98, %and3A_103 : vector<16xi32>
      tpu.vector_store_idx %arg8[%shift_right_logical3A_101, %and3A_104], %broadcast_in_dim3A_3 {add = true} : memref<80x128xf32, #tpu.memory_space<vmem>>[vector<16xi32>, vector<16xi32>], vector<16xf32>,
      %get3A_105 = arith.index_cast %scan3A_17 : i32 to index
      %get3A_106 = arith.constant 80 : index
      %get3A_107 = tpu.vector_load %arg5[%get3A_105, %get3A_106] {strides = array<i32>} : memref<80x128xi32, #tpu.memory_space<vmem>>, vector<16xi32>,
      %shift_right_logical3A_108 = arith.constant 7 : i32
      %shift_right_logical3A_109 = vector.broadcast %shift_right_logical3A_108 : i32 to vector<16xi32>
      %shift_right_logical3A_110 = arith.shrui %get3A_107, %shift_right_logical3A_109 : vector<16xi32>
      %and3A_111 = arith.constant 127 : i32
      %and3A_112 = vector.broadcast %and3A_111 : i32 to vector<16xi32>
      %and3A_113 = arith.andi %get3A_107, %and3A_112 : vector<16xi32>
      tpu.vector_store_idx %arg7[%shift_right_logical3A_110, %and3A_113], %broadcast_in_dim3A_3 {add = true} : memref<80x128xf32, #tpu.memory_space<vmem>>[vector<16xi32>, vector<16xi32>], vector<16xf32>,
      %get3A_114 = arith.index_cast %scan3A_17 : i32 to index
      %get3A_115 = arith.constant 80 : index
      %get3A_116 = tpu.vector_load %arg6[%get3A_114, %get3A_115] {strides = array<i32>} : memref<80x128xi32, #tpu.memory_space<vmem>>, vector<16xi32>,
      %shift_right_logical3A_117 = arith.constant 7 : i32
      %shift_right_logical3A_118 = vector.broadcast %shift_right_logical3A_117 : i32 to vector<16xi32>
      %shift_right_logical3A_119 = arith.shrui %get3A_116, %shift_right_logical3A_118 : vector<16xi32>
      %and3A_120 = arith.constant 127 : i32
      %and3A_121 = vector.broadcast %and3A_120 : i32 to vector<16xi32>
      %and3A_122 = arith.andi %get3A_116, %and3A_121 : vector<16xi32>
      tpu.vector_store_idx %arg8[%shift_right_logical3A_119, %and3A_122], %broadcast_in_dim3A_3 {add = true} : memref<80x128xf32, #tpu.memory_space<vmem>>[vector<16xi32>, vector<16xi32>], vector<16xf32>,
      %get3A_123 = arith.index_cast %scan3A_17 : i32 to index
      %get3A_124 = arith.constant 96 : index
      %get3A_125 = tpu.vector_load %arg5[%get3A_123, %get3A_124] {strides = array<i32>} : memref<80x128xi32, #tpu.memory_space<vmem>>, vector<16xi32>,
      %shift_right_logical3A_126 = arith.constant 7 : i32
      %shift_right_logical3A_127 = vector.broadcast %shift_right_logical3A_126 : i32 to vector<16xi32>
      %shift_right_logical3A_128 = arith.shrui %get3A_125, %shift_right_logical3A_127 : vector<16xi32>
      %and3A_129 = arith.constant 127 : i32
      %and3A_130 = vector.broadcast %and3A_129 : i32 to vector<16xi32>
      %and3A_131 = arith.andi %get3A_125, %and3A_130 : vector<16xi32>
      tpu.vector_store_idx %arg7[%shift_right_logical3A_128, %and3A_131], %broadcast_in_dim3A_3 {add = true} : memref<80x128xf32, #tpu.memory_space<vmem>>[vector<16xi32>, vector<16xi32>], vector<16xf32>,
      %get3A_132 = arith.index_cast %scan3A_17 : i32 to index
      %get3A_133 = arith.constant 96 : index
      %get3A_134 = tpu.vector_load %arg6[%get3A_132, %get3A_133] {strides = array<i32>} : memref<80x128xi32, #tpu.memory_space<vmem>>, vector<16xi32>,
      %shift_right_logical3A_135 = arith.constant 7 : i32
      %shift_right_logical3A_136 = vector.broadcast %shift_right_logical3A_135 : i32 to vector<16xi32>
      %shift_right_logical3A_137 = arith.shrui %get3A_134, %shift_right_logical3A_136 : vector<16xi32>
      %and3A_138 = arith.constant 127 : i32
      %and3A_139 = vector.broadcast %and3A_138 : i32 to vector<16xi32>
      %and3A_140 = arith.andi %get3A_134, %and3A_139 : vector<16xi32>
      tpu.vector_store_idx %arg8[%shift_right_logical3A_137, %and3A_140], %broadcast_in_dim3A_3 {add = true} : memref<80x128xf32, #tpu.memory_space<vmem>>[vector<16xi32>, vector<16xi32>], vector<16xf32>,
      %get3A_141 = arith.index_cast %scan3A_17 : i32 to index
      %get3A_142 = arith.constant 112 : index
      %get3A_143 = tpu.vector_load %arg5[%get3A_141, %get3A_142] {strides = array<i32>} : memref<80x128xi32, #tpu.memory_space<vmem>>, vector<16xi32>,
      %shift_right_logical3A_144 = arith.constant 7 : i32
      %shift_right_logical3A_145 = vector.broadcast %shift_right_logical3A_144 : i32 to vector<16xi32>
      %shift_right_logical3A_146 = arith.shrui %get3A_143, %shift_right_logical3A_145 : vector<16xi32>
      %and3A_147 = arith.constant 127 : i32
      %and3A_148 = vector.broadcast %and3A_147 : i32 to vector<16xi32>
      %and3A_149 = arith.andi %get3A_143, %and3A_148 : vector<16xi32>
      tpu.vector_store_idx %arg7[%shift_right_logical3A_146, %and3A_149], %broadcast_in_dim3A_3 {add = true} : memref<80x128xf32, #tpu.memory_space<vmem>>[vector<16xi32>, vector<16xi32>], vector<16xf32>,
      %get3A_150 = arith.index_cast %scan3A_17 : i32 to index
      %get3A_151 = arith.constant 112 : index
      %get3A_152 = tpu.vector_load %arg6[%get3A_150, %get3A_151] {strides = array<i32>} : memref<80x128xi32, #tpu.memory_space<vmem>>, vector<16xi32>,
      %shift_right_logical3A_153 = arith.constant 7 : i32
      %shift_right_logical3A_154 = vector.broadcast %shift_right_logical3A_153 : i32 to vector<16xi32>
      %shift_right_logical3A_155 = arith.shrui %get3A_152, %shift_right_logical3A_154 : vector<16xi32>
      %and3A_156 = arith.constant 127 : i32
      %and3A_157 = vector.broadcast %and3A_156 : i32 to vector<16xi32>
      %and3A_158 = arith.andi %get3A_152, %and3A_157 : vector<16xi32>
      tpu.vector_store_idx %arg8[%shift_right_logical3A_155, %and3A_158], %broadcast_in_dim3A_3 {add = true} : memref<80x128xf32, #tpu.memory_space<vmem>>[vector<16xi32>, vector<16xi32>], vector<16xf32>,
    }
    %scan3A_14 = arith.constant 80 : i32
    "tpu.region"() ({
      %run_scoped3A = tpu.sem_alloc : memref<!tpu.dma_semaphore, #tpu.memory_space<semaphore_mem>>
      %dma_start3A = arith.constant 0 : i32
      %dma_start3A_17 = arith.constant 0 : i32
      %dma_start3A_18 = tpu.memref_slice %arg4[%add3A, %dma_start3A, %dma_start3A_17] : memref<64x80x128xf32, #tpu.memory_space<hbm>> -> memref<1x80x128xf32, #tpu.memory_space<hbm>>
      %dma_start3A_19 = tpu.memref_squeeze %dma_start3A_18 : memref<1x80x128xf32, #tpu.memory_space<hbm>> -> memref<80x128xf32, #tpu.memory_space<hbm>>
      %dma_start3A_20 = arith.constant 0 : i32
      %dma_start3A_21 = arith.constant 0 : i32
      %dma_start3A_22 = tpu.memref_slice %arg4[%add3A, %dma_start3A_20, %dma_start3A_21] : memref<64x80x128xf32, #tpu.memory_space<hbm>> -> memref<1x80x128xf32, #tpu.memory_space<hbm>>
      %dma_start3A_23 = tpu.memref_squeeze %dma_start3A_22 : memref<1x80x128xf32, #tpu.memory_space<hbm>> -> memref<80x128xf32, #tpu.memory_space<hbm>>
      tpu.enqueue_dma source(%arg7 : memref<80x128xf32, #tpu.memory_space<vmem>>) target(%dma_start3A_23 : memref<80x128xf32, #tpu.memory_space<hbm>>) target_semaphore(%run_scoped3A : memref<!tpu.dma_semaphore, #tpu.memory_space<semaphore_mem>>)
      %dma_wait3A = arith.constant 0 : i32
      %dma_wait3A_24 = arith.constant 0 : i32
      %dma_wait3A_25 = tpu.memref_slice %arg4[%add3A, %dma_wait3A, %dma_wait3A_24] : memref<64x80x128xf32, #tpu.memory_space<hbm>> -> memref<1x80x128xf32, #tpu.memory_space<hbm>>
      %dma_wait3A_26 = tpu.memref_squeeze %dma_wait3A_25 : memref<1x80x128xf32, #tpu.memory_space<hbm>> -> memref<80x128xf32, #tpu.memory_space<hbm>>
      %dma_wait3A_27 = arith.constant 0 : i32
      %dma_wait3A_28 = arith.constant 0 : i32
      %dma_wait3A_29 = tpu.memref_slice %arg4[%add3A, %dma_wait3A_27, %dma_wait3A_28] : memref<64x80x128xf32, #tpu.memory_space<hbm>> -> memref<1x80x128xf32, #tpu.memory_space<hbm>>
      %dma_wait3A_30 = tpu.memref_squeeze %dma_wait3A_29 : memref<1x80x128xf32, #tpu.memory_space<hbm>> -> memref<80x128xf32, #tpu.memory_space<hbm>>
      tpu.wait_dma2 semaphore(%run_scoped3A : memref<!tpu.dma_semaphore, #tpu.memory_space<semaphore_mem>>) src(%arg7 : memref<80x128xf32, #tpu.memory_space<vmem>>) dst(%dma_wait3A_30 : memref<80x128xf32, #tpu.memory_space<hbm>>)
      tpu.yield
    }) : () -> ()
    %add3A_15 = arith.constant 32 : i32
    %add3A_16 = arith.addi %add3A_15, %add3A : i32
    "tpu.region"() ({
      %run_scoped3A = tpu.sem_alloc : memref<!tpu.dma_semaphore, #tpu.memory_space<semaphore_mem>>
      %dma_start3A = arith.constant 0 : i32
      %dma_start3A_17 = arith.constant 0 : i32
      %dma_start3A_18 = tpu.memref_slice %arg4[%add3A_16, %dma_start3A, %dma_start3A_17] : memref<64x80x128xf32, #tpu.memory_space<hbm>> -> memref<1x80x128xf32, #tpu.memory_space<hbm>>
      %dma_start3A_19 = tpu.memref_squeeze %dma_start3A_18 : memref<1x80x128xf32, #tpu.memory_space<hbm>> -> memref<80x128xf32, #tpu.memory_space<hbm>>
      %dma_start3A_20 = arith.constant 0 : i32
      %dma_start3A_21 = arith.constant 0 : i32
      %dma_start3A_22 = tpu.memref_slice %arg4[%add3A_16, %dma_start3A_20, %dma_start3A_21] : memref<64x80x128xf32, #tpu.memory_space<hbm>> -> memref<1x80x128xf32, #tpu.memory_space<hbm>>
      %dma_start3A_23 = tpu.memref_squeeze %dma_start3A_22 : memref<1x80x128xf32, #tpu.memory_space<hbm>> -> memref<80x128xf32, #tpu.memory_space<hbm>>
      tpu.enqueue_dma source(%arg8 : memref<80x128xf32, #tpu.memory_space<vmem>>) target(%dma_start3A_23 : memref<80x128xf32, #tpu.memory_space<hbm>>) target_semaphore(%run_scoped3A : memref<!tpu.dma_semaphore, #tpu.memory_space<semaphore_mem>>)
      %dma_wait3A = arith.constant 0 : i32
      %dma_wait3A_24 = arith.constant 0 : i32
      %dma_wait3A_25 = tpu.memref_slice %arg4[%add3A_16, %dma_wait3A, %dma_wait3A_24] : memref<64x80x128xf32, #tpu.memory_space<hbm>> -> memref<1x80x128xf32, #tpu.memory_space<hbm>>
      %dma_wait3A_26 = tpu.memref_squeeze %dma_wait3A_25 : memref<1x80x128xf32, #tpu.memory_space<hbm>> -> memref<80x128xf32, #tpu.memory_space<hbm>>
      %dma_wait3A_27 = arith.constant 0 : i32
      %dma_wait3A_28 = arith.constant 0 : i32
      %dma_wait3A_29 = tpu.memref_slice %arg4[%add3A_16, %dma_wait3A_27, %dma_wait3A_28] : memref<64x80x128xf32, #tpu.memory_space<hbm>> -> memref<1x80x128xf32, #tpu.memory_space<hbm>>
      %dma_wait3A_30 = tpu.memref_squeeze %dma_wait3A_29 : memref<1x80x128xf32, #tpu.memory_space<hbm>> -> memref<80x128xf32, #tpu.memory_space<hbm>>
      tpu.wait_dma2 semaphore(%run_scoped3A : memref<!tpu.dma_semaphore, #tpu.memory_space<semaphore_mem>>) src(%arg8 : memref<80x128xf32, #tpu.memory_space<vmem>>) dst(%dma_wait3A_30 : memref<80x128xf32, #tpu.memory_space<hbm>>)
      tpu.yield
    }) : () -> ()
    return
  }
}

#map = affine_map<(d0, d1) -> (0, 0)>
#map1 = affine_map<(d0, d1) -> (0, 0, 0)>
module attributes {stable_mosaic.version = 14 : i64} {
  func.func @_scat_kernel(%arg0: i32, %arg1: i32, %arg2: memref<10240x128xf32, #tpu.memory_space<hbm>>, %arg3: memref<32x80x128xi32, #tpu.memory_space<hbm>>, %arg4: memref<32x80x128xi32, #tpu.memory_space<hbm>>, %arg5: memref<632x128xf32, #tpu.memory_space<hbm>>, %arg6: memref<20480x128xf32, #tpu.memory_space<hbm>>, %arg7: memref<2x8x128xi32, #tpu.memory_space<vmem>>, %arg8: memref<2x8x128xi32, #tpu.memory_space<vmem>>, %arg9: memref<2x128x128xf32, #tpu.memory_space<vmem>>, %arg10: memref<10112x128xf32, #tpu.memory_space<vmem_shared>>, %arg11: memref<!tpu.dma_semaphore, #tpu.memory_space<semaphore_mem>>, %arg12: memref<!tpu.dma_semaphore, #tpu.memory_space<semaphore_mem>>, %arg13: memref<!tpu.dma_semaphore, #tpu.memory_space<semaphore_mem>>, %arg14: memref<!tpu.dma_semaphore, #tpu.memory_space<semaphore_mem>>, %arg15: memref<!tpu.dma_semaphore, #tpu.memory_space<semaphore_mem>>) attributes {dimension_semantics = [#tpu.dimension_semantics<core_parallel>, #tpu.dimension_semantics<subcore_parallel>], iteration_bounds = array<i64: 2, 16>, scalar_prefetch = 0 : i64, scratch_operands = 9 : i64, tpu.core_type = #tpu.core_type<sc_vector_subcore>, window_params = [{transform_indices = #map}, {transform_indices = #map1}, {transform_indices = #map1}, {transform_indices = #map}, {transform_indices = #map}]} {
    %mul3A = arith.constant 16 : i32
    %mul3A_0 = arith.muli %arg0, %mul3A : i32
    %add3A = arith.addi %mul3A_0, %arg1 : i32
    %mul3A_1 = arith.constant 632 : i32
    %mul3A_2 = arith.muli %arg1, %mul3A_1 : i32
    "tpu.region"() ({
      %run_scoped3A_17 = tpu.sem_alloc : memref<!tpu.dma_semaphore, #tpu.memory_space<semaphore_mem>>
      %dma_start3A = arith.constant 0 : i32
      %dma_start3A_18 = tpu.memref_slice %arg10[%mul3A_2, %dma_start3A] : memref<10112x128xf32, #tpu.memory_space<vmem_shared>> -> memref<632x128xf32, #tpu.memory_space<vmem_shared>>
      tpu.enqueue_dma source(%arg5 : memref<632x128xf32, #tpu.memory_space<hbm>>) target(%dma_start3A_18 : memref<632x128xf32, #tpu.memory_space<vmem_shared>>) target_semaphore(%run_scoped3A_17 : memref<!tpu.dma_semaphore, #tpu.memory_space<semaphore_mem>>)
      %dma_wait3A = arith.constant 0 : i32
      %dma_wait3A_19 = tpu.memref_slice %arg10[%mul3A_2, %dma_wait3A] : memref<10112x128xf32, #tpu.memory_space<vmem_shared>> -> memref<632x128xf32, #tpu.memory_space<vmem_shared>>
      tpu.wait_dma2 semaphore(%run_scoped3A_17 : memref<!tpu.dma_semaphore, #tpu.memory_space<semaphore_mem>>) src(%arg5 : memref<632x128xf32, #tpu.memory_space<hbm>>) dst(%dma_wait3A_19 : memref<632x128xf32, #tpu.memory_space<vmem_shared>>)
      tpu.yield
    }) : () -> ()
    %run_scoped3A = arith.constant 0 : i32
    "tpu.region"() ({
      %run_scoped3A_17 = tpu.sem_alloc : memref<!tpu.dma_semaphore, #tpu.memory_space<semaphore_mem>>
      %dma_start3A = arith.constant 0 : i32
      %dma_start3A_18 = arith.constant 0 : i32
      %dma_start3A_19 = tpu.memref_slice %arg7[%run_scoped3A, %dma_start3A, %dma_start3A_18] : memref<2x8x128xi32, #tpu.memory_space<vmem>> -> memref<1x8x128xi32, #tpu.memory_space<vmem>>
      %dma_start3A_20 = tpu.memref_squeeze %dma_start3A_19 : memref<1x8x128xi32, #tpu.memory_space<vmem>> -> memref<8x128xi32, #tpu.memory_space<vmem>>
      %dma_start3A_21 = arith.constant 0 : i32
      %dma_start3A_22 = arith.constant 0 : i32
      %dma_start3A_23 = tpu.memref_slice %arg3[%add3A, %dma_start3A_21, %dma_start3A_22] : memref<32x80x128xi32, #tpu.memory_space<hbm>> -> memref<1x8x128xi32, #tpu.memory_space<hbm>>
      %dma_start3A_24 = tpu.memref_squeeze %dma_start3A_23 : memref<1x8x128xi32, #tpu.memory_space<hbm>> -> memref<8x128xi32, #tpu.memory_space<hbm>>
      %dma_start3A_25 = arith.constant 0 : i32
      %dma_start3A_26 = arith.constant 0 : i32
      %dma_start3A_27 = tpu.memref_slice %arg7[%run_scoped3A, %dma_start3A_25, %dma_start3A_26] : memref<2x8x128xi32, #tpu.memory_space<vmem>> -> memref<1x8x128xi32, #tpu.memory_space<vmem>>
      %dma_start3A_28 = tpu.memref_squeeze %dma_start3A_27 : memref<1x8x128xi32, #tpu.memory_space<vmem>> -> memref<8x128xi32, #tpu.memory_space<vmem>>
      %dma_start3A_29 = arith.constant 0 : i32
      %dma_start3A_30 = arith.constant 0 : i32
      %dma_start3A_31 = tpu.memref_slice %arg3[%add3A, %dma_start3A_29, %dma_start3A_30] : memref<32x80x128xi32, #tpu.memory_space<hbm>> -> memref<1x8x128xi32, #tpu.memory_space<hbm>>
      %dma_start3A_32 = tpu.memref_squeeze %dma_start3A_31 : memref<1x8x128xi32, #tpu.memory_space<hbm>> -> memref<8x128xi32, #tpu.memory_space<hbm>>
      tpu.enqueue_dma source(%dma_start3A_32 : memref<8x128xi32, #tpu.memory_space<hbm>>) target(%dma_start3A_28 : memref<8x128xi32, #tpu.memory_space<vmem>>) target_semaphore(%run_scoped3A_17 : memref<!tpu.dma_semaphore, #tpu.memory_space<semaphore_mem>>)
      %dma_wait3A = arith.constant 0 : i32
      %dma_wait3A_33 = arith.constant 0 : i32
      %dma_wait3A_34 = tpu.memref_slice %arg7[%run_scoped3A, %dma_wait3A, %dma_wait3A_33] : memref<2x8x128xi32, #tpu.memory_space<vmem>> -> memref<1x8x128xi32, #tpu.memory_space<vmem>>
      %dma_wait3A_35 = tpu.memref_squeeze %dma_wait3A_34 : memref<1x8x128xi32, #tpu.memory_space<vmem>> -> memref<8x128xi32, #tpu.memory_space<vmem>>
      %dma_wait3A_36 = arith.constant 0 : i32
      %dma_wait3A_37 = arith.constant 0 : i32
      %dma_wait3A_38 = tpu.memref_slice %arg3[%add3A, %dma_wait3A_36, %dma_wait3A_37] : memref<32x80x128xi32, #tpu.memory_space<hbm>> -> memref<1x8x128xi32, #tpu.memory_space<hbm>>
      %dma_wait3A_39 = tpu.memref_squeeze %dma_wait3A_38 : memref<1x8x128xi32, #tpu.memory_space<hbm>> -> memref<8x128xi32, #tpu.memory_space<hbm>>
      %dma_wait3A_40 = arith.constant 0 : i32
      %dma_wait3A_41 = arith.constant 0 : i32
      %dma_wait3A_42 = tpu.memref_slice %arg7[%run_scoped3A, %dma_wait3A_40, %dma_wait3A_41] : memref<2x8x128xi32, #tpu.memory_space<vmem>> -> memref<1x8x128xi32, #tpu.memory_space<vmem>>
      %dma_wait3A_43 = tpu.memref_squeeze %dma_wait3A_42 : memref<1x8x128xi32, #tpu.memory_space<vmem>> -> memref<8x128xi32, #tpu.memory_space<vmem>>
      %dma_wait3A_44 = arith.constant 0 : i32
      %dma_wait3A_45 = arith.constant 0 : i32
      %dma_wait3A_46 = tpu.memref_slice %arg3[%add3A, %dma_wait3A_44, %dma_wait3A_45] : memref<32x80x128xi32, #tpu.memory_space<hbm>> -> memref<1x8x128xi32, #tpu.memory_space<hbm>>
      %dma_wait3A_47 = tpu.memref_squeeze %dma_wait3A_46 : memref<1x8x128xi32, #tpu.memory_space<hbm>> -> memref<8x128xi32, #tpu.memory_space<hbm>>
      tpu.wait_dma2 semaphore(%run_scoped3A_17 : memref<!tpu.dma_semaphore, #tpu.memory_space<semaphore_mem>>) src(%dma_wait3A_47 : memref<8x128xi32, #tpu.memory_space<hbm>>) dst(%dma_wait3A_43 : memref<8x128xi32, #tpu.memory_space<vmem>>)
      tpu.yield
    }) : () -> ()
    %run_scoped3A_3 = arith.constant 0 : i32
    "tpu.region"() ({
      %run_scoped3A_17 = tpu.sem_alloc : memref<!tpu.dma_semaphore, #tpu.memory_space<semaphore_mem>>
      %dma_start3A = arith.constant 0 : i32
      %dma_start3A_18 = arith.constant 0 : i32
      %dma_start3A_19 = tpu.memref_slice %arg8[%run_scoped3A_3, %dma_start3A, %dma_start3A_18] : memref<2x8x128xi32, #tpu.memory_space<vmem>> -> memref<1x8x128xi32, #tpu.memory_space<vmem>>
      %dma_start3A_20 = tpu.memref_squeeze %dma_start3A_19 : memref<1x8x128xi32, #tpu.memory_space<vmem>> -> memref<8x128xi32, #tpu.memory_space<vmem>>
      %dma_start3A_21 = arith.constant 0 : i32
      %dma_start3A_22 = arith.constant 0 : i32
      %dma_start3A_23 = tpu.memref_slice %arg4[%add3A, %dma_start3A_21, %dma_start3A_22] : memref<32x80x128xi32, #tpu.memory_space<hbm>> -> memref<1x8x128xi32, #tpu.memory_space<hbm>>
      %dma_start3A_24 = tpu.memref_squeeze %dma_start3A_23 : memref<1x8x128xi32, #tpu.memory_space<hbm>> -> memref<8x128xi32, #tpu.memory_space<hbm>>
      %dma_start3A_25 = arith.constant 0 : i32
      %dma_start3A_26 = arith.constant 0 : i32
      %dma_start3A_27 = tpu.memref_slice %arg8[%run_scoped3A_3, %dma_start3A_25, %dma_start3A_26] : memref<2x8x128xi32, #tpu.memory_space<vmem>> -> memref<1x8x128xi32, #tpu.memory_space<vmem>>
      %dma_start3A_28 = tpu.memref_squeeze %dma_start3A_27 : memref<1x8x128xi32, #tpu.memory_space<vmem>> -> memref<8x128xi32, #tpu.memory_space<vmem>>
      %dma_start3A_29 = arith.constant 0 : i32
      %dma_start3A_30 = arith.constant 0 : i32
      %dma_start3A_31 = tpu.memref_slice %arg4[%add3A, %dma_start3A_29, %dma_start3A_30] : memref<32x80x128xi32, #tpu.memory_space<hbm>> -> memref<1x8x128xi32, #tpu.memory_space<hbm>>
      %dma_start3A_32 = tpu.memref_squeeze %dma_start3A_31 : memref<1x8x128xi32, #tpu.memory_space<hbm>> -> memref<8x128xi32, #tpu.memory_space<hbm>>
      tpu.enqueue_dma source(%dma_start3A_32 : memref<8x128xi32, #tpu.memory_space<hbm>>) target(%dma_start3A_28 : memref<8x128xi32, #tpu.memory_space<vmem>>) target_semaphore(%run_scoped3A_17 : memref<!tpu.dma_semaphore, #tpu.memory_space<semaphore_mem>>)
      %dma_wait3A = arith.constant 0 : i32
      %dma_wait3A_33 = arith.constant 0 : i32
      %dma_wait3A_34 = tpu.memref_slice %arg8[%run_scoped3A_3, %dma_wait3A, %dma_wait3A_33] : memref<2x8x128xi32, #tpu.memory_space<vmem>> -> memref<1x8x128xi32, #tpu.memory_space<vmem>>
      %dma_wait3A_35 = tpu.memref_squeeze %dma_wait3A_34 : memref<1x8x128xi32, #tpu.memory_space<vmem>> -> memref<8x128xi32, #tpu.memory_space<vmem>>
      %dma_wait3A_36 = arith.constant 0 : i32
      %dma_wait3A_37 = arith.constant 0 : i32
      %dma_wait3A_38 = tpu.memref_slice %arg4[%add3A, %dma_wait3A_36, %dma_wait3A_37] : memref<32x80x128xi32, #tpu.memory_space<hbm>> -> memref<1x8x128xi32, #tpu.memory_space<hbm>>
      %dma_wait3A_39 = tpu.memref_squeeze %dma_wait3A_38 : memref<1x8x128xi32, #tpu.memory_space<hbm>> -> memref<8x128xi32, #tpu.memory_space<hbm>>
      %dma_wait3A_40 = arith.constant 0 : i32
      %dma_wait3A_41 = arith.constant 0 : i32
      %dma_wait3A_42 = tpu.memref_slice %arg8[%run_scoped3A_3, %dma_wait3A_40, %dma_wait3A_41] : memref<2x8x128xi32, #tpu.memory_space<vmem>> -> memref<1x8x128xi32, #tpu.memory_space<vmem>>
      %dma_wait3A_43 = tpu.memref_squeeze %dma_wait3A_42 : memref<1x8x128xi32, #tpu.memory_space<vmem>> -> memref<8x128xi32, #tpu.memory_space<vmem>>
      %dma_wait3A_44 = arith.constant 0 : i32
      %dma_wait3A_45 = arith.constant 0 : i32
      %dma_wait3A_46 = tpu.memref_slice %arg4[%add3A, %dma_wait3A_44, %dma_wait3A_45] : memref<32x80x128xi32, #tpu.memory_space<hbm>> -> memref<1x8x128xi32, #tpu.memory_space<hbm>>
      %dma_wait3A_47 = tpu.memref_squeeze %dma_wait3A_46 : memref<1x8x128xi32, #tpu.memory_space<hbm>> -> memref<8x128xi32, #tpu.memory_space<hbm>>
      tpu.wait_dma2 semaphore(%run_scoped3A_17 : memref<!tpu.dma_semaphore, #tpu.memory_space<semaphore_mem>>) src(%dma_wait3A_47 : memref<8x128xi32, #tpu.memory_space<hbm>>) dst(%dma_wait3A_43 : memref<8x128xi32, #tpu.memory_space<vmem>>)
      tpu.yield
    }) : () -> ()
    %barrier3A = arith.constant 0 : index
    tpu.barrier barrier_id(%barrier3A)
    %scan3A = arith.constant 0 : i32
    %scan3A_4 = arith.constant 0 : i32
    %scan3A_5 = arith.constant 10 : i32
    %scan3A_6 = arith.addi %scan3A_4, %scan3A_5 : i32
    %scan3A_7 = arith.constant 1 : i32
    scf.for %scan3A_17 = %scan3A_4 to %scan3A_6 step %scan3A_7  : i32 {
      %rem3A = arith.constant 2 : i32
      %rem3A_18 = arith.remsi %scan3A_17, %rem3A : i32
      %sub3A = arith.constant 1 : i32
      %sub3A_19 = arith.subi %sub3A, %rem3A_18 : i32
      %lt3A = arith.constant 9 : i32
      %lt3A_20 = arith.cmpi slt, %scan3A_17, %lt3A : i32
      %convert_element_type3A = arith.extui %lt3A_20 : i1 to i32
      %cond3A = arith.constant 0 : i32
      %cond3A_21 = arith.cmpi ne, %convert_element_type3A, %cond3A : i32
      scf.if %cond3A_21 {
        %add3A_233 = arith.constant 1 : i32
        %add3A_234 = arith.addi %scan3A_17, %add3A_233 : i32
        %mul3A_235 = arith.constant 8 : i32
        %mul3A_236 = arith.muli %add3A_234, %mul3A_235 : i32
        %multiple_of3A = tpu.assume_multiple %mul3A_236, 8 : i32
        %dma_start3A_237 = arith.constant 0 : i32
        %dma_start3A_238 = arith.constant 0 : i32
        %dma_start3A_239 = tpu.memref_slice %arg7[%sub3A_19, %dma_start3A_237, %dma_start3A_238] : memref<2x8x128xi32, #tpu.memory_space<vmem>> -> memref<1x8x128xi32, #tpu.memory_space<vmem>>
        %dma_start3A_240 = tpu.memref_squeeze %dma_start3A_239 : memref<1x8x128xi32, #tpu.memory_space<vmem>> -> memref<8x128xi32, #tpu.memory_space<vmem>>
        %dma_start3A_241 = arith.constant 0 : i32
        %dma_start3A_242 = tpu.memref_slice %arg3[%add3A, %multiple_of3A, %dma_start3A_241] : memref<32x80x128xi32, #tpu.memory_space<hbm>> -> memref<1x8x128xi32, #tpu.memory_space<hbm>>
        %dma_start3A_243 = tpu.memref_squeeze %dma_start3A_242 : memref<1x8x128xi32, #tpu.memory_space<hbm>> -> memref<8x128xi32, #tpu.memory_space<hbm>>
        %dma_start3A_244 = arith.constant 0 : i32
        %dma_start3A_245 = arith.constant 0 : i32
        %dma_start3A_246 = tpu.memref_slice %arg7[%sub3A_19, %dma_start3A_244, %dma_start3A_245] : memref<2x8x128xi32, #tpu.memory_space<vmem>> -> memref<1x8x128xi32, #tpu.memory_space<vmem>>
        %dma_start3A_247 = tpu.memref_squeeze %dma_start3A_246 : memref<1x8x128xi32, #tpu.memory_space<vmem>> -> memref<8x128xi32, #tpu.memory_space<vmem>>
        %dma_start3A_248 = arith.constant 0 : i32
        %dma_start3A_249 = tpu.memref_slice %arg3[%add3A, %multiple_of3A, %dma_start3A_248] : memref<32x80x128xi32, #tpu.memory_space<hbm>> -> memref<1x8x128xi32, #tpu.memory_space<hbm>>
        %dma_start3A_250 = tpu.memref_squeeze %dma_start3A_249 : memref<1x8x128xi32, #tpu.memory_space<hbm>> -> memref<8x128xi32, #tpu.memory_space<hbm>>
        tpu.enqueue_dma source(%dma_start3A_250 : memref<8x128xi32, #tpu.memory_space<hbm>>) target(%dma_start3A_247 : memref<8x128xi32, #tpu.memory_space<vmem>>) target_semaphore(%arg15 : memref<!tpu.dma_semaphore, #tpu.memory_space<semaphore_mem>>)
        %dma_start3A_251 = arith.constant 0 : i32
        %dma_start3A_252 = arith.constant 0 : i32
        %dma_start3A_253 = tpu.memref_slice %arg8[%sub3A_19, %dma_start3A_251, %dma_start3A_252] : memref<2x8x128xi32, #tpu.memory_space<vmem>> -> memref<1x8x128xi32, #tpu.memory_space<vmem>>
        %dma_start3A_254 = tpu.memref_squeeze %dma_start3A_253 : memref<1x8x128xi32, #tpu.memory_space<vmem>> -> memref<8x128xi32, #tpu.memory_space<vmem>>
        %dma_start3A_255 = arith.constant 0 : i32
        %dma_start3A_256 = tpu.memref_slice %arg4[%add3A, %multiple_of3A, %dma_start3A_255] : memref<32x80x128xi32, #tpu.memory_space<hbm>> -> memref<1x8x128xi32, #tpu.memory_space<hbm>>
        %dma_start3A_257 = tpu.memref_squeeze %dma_start3A_256 : memref<1x8x128xi32, #tpu.memory_space<hbm>> -> memref<8x128xi32, #tpu.memory_space<hbm>>
        %dma_start3A_258 = arith.constant 0 : i32
        %dma_start3A_259 = arith.constant 0 : i32
        %dma_start3A_260 = tpu.memref_slice %arg8[%sub3A_19, %dma_start3A_258, %dma_start3A_259] : memref<2x8x128xi32, #tpu.memory_space<vmem>> -> memref<1x8x128xi32, #tpu.memory_space<vmem>>
        %dma_start3A_261 = tpu.memref_squeeze %dma_start3A_260 : memref<1x8x128xi32, #tpu.memory_space<vmem>> -> memref<8x128xi32, #tpu.memory_space<vmem>>
        %dma_start3A_262 = arith.constant 0 : i32
        %dma_start3A_263 = tpu.memref_slice %arg4[%add3A, %multiple_of3A, %dma_start3A_262] : memref<32x80x128xi32, #tpu.memory_space<hbm>> -> memref<1x8x128xi32, #tpu.memory_space<hbm>>
        %dma_start3A_264 = tpu.memref_squeeze %dma_start3A_263 : memref<1x8x128xi32, #tpu.memory_space<hbm>> -> memref<8x128xi32, #tpu.memory_space<hbm>>
        tpu.enqueue_dma source(%dma_start3A_264 : memref<8x128xi32, #tpu.memory_space<hbm>>) target(%dma_start3A_261 : memref<8x128xi32, #tpu.memory_space<vmem>>) target_semaphore(%arg15 : memref<!tpu.dma_semaphore, #tpu.memory_space<semaphore_mem>>)
      } else {
      }
      %dma_start3A = arith.constant 0 : i32
      %dma_start3A_22 = arith.constant 0 : i32
      %dma_start3A_23 = arith.constant 0 : i32
      %dma_start3A_24 = arith.constant 0 : i32
      %dma_start3A_25 = tpu.memref_slice %arg9[%dma_start3A_22, %dma_start3A_23, %dma_start3A_24] : memref<2x128x128xf32, #tpu.memory_space<vmem>> -> memref<1x128x128xf32, #tpu.memory_space<vmem>>
      %dma_start3A_26 = tpu.memref_squeeze %dma_start3A_25 : memref<1x128x128xf32, #tpu.memory_space<vmem>> -> memref<128x128xf32, #tpu.memory_space<vmem>>
      %dma_start3A_27 = arith.constant 0 : i32
      %dma_start3A_28 = tpu.memref_slice %arg7[%rem3A_18, %dma_start3A, %dma_start3A_27] : memref<2x8x128xi32, #tpu.memory_space<vmem>> -> memref<1x1x128xi32, #tpu.memory_space<vmem>>
      %dma_start3A_29 = tpu.memref_squeeze %dma_start3A_28 : memref<1x1x128xi32, #tpu.memory_space<vmem>> -> memref<128xi32, #tpu.memory_space<vmem>>
      %dma_start3A_30 = arith.constant 0 : i32
      %dma_start3A_31 = arith.constant 0 : i32
      %dma_start3A_32 = tpu.memref_slice %arg2[%dma_start3A_30, %dma_start3A_31] : memref<10240x128xf32, #tpu.memory_space<hbm>> -> memref<10240x128xf32, #tpu.memory_space<hbm>>
      tpu.enqueue_indirect_dma source(%dma_start3A_32 : memref<10240x128xf32, #tpu.memory_space<hbm>>) target(%dma_start3A_26 : memref<128x128xf32, #tpu.memory_space<vmem>>) offsets(%dma_start3A_29 : memref<128xi32, #tpu.memory_space<vmem>>) semaphore(%arg11 : memref<!tpu.dma_semaphore, #tpu.memory_space<semaphore_mem>>)
      %dma_wait3A = arith.constant 0 : i32
      %dma_wait3A_33 = arith.constant 0 : i32
      %dma_wait3A_34 = arith.constant 0 : i32
      %dma_wait3A_35 = arith.constant 0 : i32
      %dma_wait3A_36 = tpu.memref_slice %arg9[%dma_wait3A_33, %dma_wait3A_34, %dma_wait3A_35] : memref<2x128x128xf32, #tpu.memory_space<vmem>> -> memref<1x128x128xf32, #tpu.memory_space<vmem>>
      %dma_wait3A_37 = tpu.memref_squeeze %dma_wait3A_36 : memref<1x128x128xf32, #tpu.memory_space<vmem>> -> memref<128x128xf32, #tpu.memory_space<vmem>>
      %dma_wait3A_38 = arith.constant 0 : i32
      %dma_wait3A_39 = tpu.memref_slice %arg7[%rem3A_18, %dma_wait3A, %dma_wait3A_38] : memref<2x8x128xi32, #tpu.memory_space<vmem>> -> memref<1x1x128xi32, #tpu.memory_space<vmem>>
      %dma_wait3A_40 = tpu.memref_squeeze %dma_wait3A_39 : memref<1x1x128xi32, #tpu.memory_space<vmem>> -> memref<128xi32, #tpu.memory_space<vmem>>
      %dma_wait3A_41 = arith.constant 0 : i32
      %dma_wait3A_42 = arith.constant 0 : i32
      %dma_wait3A_43 = tpu.memref_slice %arg2[%dma_wait3A_41, %dma_wait3A_42] : memref<10240x128xf32, #tpu.memory_space<hbm>> -> memref<10240x128xf32, #tpu.memory_space<hbm>>
      tpu.wait_indirect_dma semaphore(%arg11 : memref<!tpu.dma_semaphore, #tpu.memory_space<semaphore_mem>>) src(%dma_wait3A_43 : memref<10240x128xf32, #tpu.memory_space<hbm>>) dst(%dma_wait3A_37 : memref<128x128xf32, #tpu.memory_space<vmem>>)
      %dma_start3A_44 = arith.constant 1 : i32
      %dma_start3A_45 = arith.constant 1 : i32
      %dma_start3A_46 = arith.constant 0 : i32
      %dma_start3A_47 = arith.constant 0 : i32
      %dma_start3A_48 = tpu.memref_slice %arg9[%dma_start3A_45, %dma_start3A_46, %dma_start3A_47] : memref<2x128x128xf32, #tpu.memory_space<vmem>> -> memref<1x128x128xf32, #tpu.memory_space<vmem>>
      %dma_start3A_49 = tpu.memref_squeeze %dma_start3A_48 : memref<1x128x128xf32, #tpu.memory_space<vmem>> -> memref<128x128xf32, #tpu.memory_space<vmem>>
      %dma_start3A_50 = arith.constant 0 : i32
      %dma_start3A_51 = tpu.memref_slice %arg7[%rem3A_18, %dma_start3A_44, %dma_start3A_50] : memref<2x8x128xi32, #tpu.memory_space<vmem>> -> memref<1x1x128xi32, #tpu.memory_space<vmem>>
      %dma_start3A_52 = tpu.memref_squeeze %dma_start3A_51 : memref<1x1x128xi32, #tpu.memory_space<vmem>> -> memref<128xi32, #tpu.memory_space<vmem>>
      %dma_start3A_53 = arith.constant 0 : i32
      %dma_start3A_54 = arith.constant 0 : i32
      %dma_start3A_55 = tpu.memref_slice %arg2[%dma_start3A_53, %dma_start3A_54] : memref<10240x128xf32, #tpu.memory_space<hbm>> -> memref<10240x128xf32, #tpu.memory_space<hbm>>
      tpu.enqueue_indirect_dma source(%dma_start3A_55 : memref<10240x128xf32, #tpu.memory_space<hbm>>) target(%dma_start3A_49 : memref<128x128xf32, #tpu.memory_space<vmem>>) offsets(%dma_start3A_52 : memref<128xi32, #tpu.memory_space<vmem>>) semaphore(%arg12 : memref<!tpu.dma_semaphore, #tpu.memory_space<semaphore_mem>>)
      %run_scoped3A_56 = arith.constant 0 : i32
      %run_scoped3A_57 = arith.constant 0 : i32
      "tpu.region"() ({
        %run_scoped3A_233 = tpu.sem_alloc : memref<!tpu.dma_semaphore, #tpu.memory_space<semaphore_mem>>
        %dma_start3A_234 = arith.constant 0 : i32
        %dma_start3A_235 = arith.constant 0 : i32
        %dma_start3A_236 = tpu.memref_slice %arg9[%run_scoped3A_56, %dma_start3A_234, %dma_start3A_235] : memref<2x128x128xf32, #tpu.memory_space<vmem>> -> memref<1x128x128xf32, #tpu.memory_space<vmem>>
        %dma_start3A_237 = tpu.memref_squeeze %dma_start3A_236 : memref<1x128x128xf32, #tpu.memory_space<vmem>> -> memref<128x128xf32, #tpu.memory_space<vmem>>
        %dma_start3A_238 = arith.constant 0 : i32
        %dma_start3A_239 = tpu.memref_slice %arg8[%rem3A_18, %run_scoped3A_57, %dma_start3A_238] : memref<2x8x128xi32, #tpu.memory_space<vmem>> -> memref<1x1x128xi32, #tpu.memory_space<vmem>>
        %dma_start3A_240 = tpu.memref_squeeze %dma_start3A_239 : memref<1x1x128xi32, #tpu.memory_space<vmem>> -> memref<128xi32, #tpu.memory_space<vmem>>
        %dma_start3A_241 = arith.constant 0 : i32
        %dma_start3A_242 = arith.constant 0 : i32
        %dma_start3A_243 = tpu.memref_slice %arg10[%dma_start3A_241, %dma_start3A_242] : memref<10112x128xf32, #tpu.memory_space<vmem_shared>> -> memref<10112x128xf32, #tpu.memory_space<vmem_shared>>
        tpu.enqueue_indirect_dma source(%dma_start3A_237 : memref<128x128xf32, #tpu.memory_space<vmem>>) target(%dma_start3A_243 : memref<10112x128xf32, #tpu.memory_space<vmem_shared>>) offsets(%dma_start3A_240 : memref<128xi32, #tpu.memory_space<vmem>>) semaphore(%run_scoped3A_233 : memref<!tpu.dma_semaphore, #tpu.memory_space<semaphore_mem>>) {add = true}
        %dma_wait3A_244 = arith.constant 0 : i32
        %dma_wait3A_245 = arith.constant 0 : i32
        %dma_wait3A_246 = tpu.memref_slice %arg9[%run_scoped3A_56, %dma_wait3A_244, %dma_wait3A_245] : memref<2x128x128xf32, #tpu.memory_space<vmem>> -> memref<1x128x128xf32, #tpu.memory_space<vmem>>
        %dma_wait3A_247 = tpu.memref_squeeze %dma_wait3A_246 : memref<1x128x128xf32, #tpu.memory_space<vmem>> -> memref<128x128xf32, #tpu.memory_space<vmem>>
        %dma_wait3A_248 = arith.constant 0 : i32
        %dma_wait3A_249 = tpu.memref_slice %arg8[%rem3A_18, %run_scoped3A_57, %dma_wait3A_248] : memref<2x8x128xi32, #tpu.memory_space<vmem>> -> memref<1x1x128xi32, #tpu.memory_space<vmem>>
        %dma_wait3A_250 = tpu.memref_squeeze %dma_wait3A_249 : memref<1x1x128xi32, #tpu.memory_space<vmem>> -> memref<128xi32, #tpu.memory_space<vmem>>
        %dma_wait3A_251 = arith.constant 0 : i32
        %dma_wait3A_252 = arith.constant 0 : i32
        %dma_wait3A_253 = tpu.memref_slice %arg10[%dma_wait3A_251, %dma_wait3A_252] : memref<10112x128xf32, #tpu.memory_space<vmem_shared>> -> memref<10112x128xf32, #tpu.memory_space<vmem_shared>>
        tpu.wait_indirect_dma semaphore(%run_scoped3A_233 : memref<!tpu.dma_semaphore, #tpu.memory_space<semaphore_mem>>) src(%dma_wait3A_247 : memref<128x128xf32, #tpu.memory_space<vmem>>) dst(%dma_wait3A_253 : memref<10112x128xf32, #tpu.memory_space<vmem_shared>>)
        tpu.yield
      }) : () -> ()
      %dma_wait3A_58 = arith.constant 1 : i32
      %dma_wait3A_59 = arith.constant 1 : i32
      %dma_wait3A_60 = arith.constant 0 : i32
      %dma_wait3A_61 = arith.constant 0 : i32
      %dma_wait3A_62 = tpu.memref_slice %arg9[%dma_wait3A_59, %dma_wait3A_60, %dma_wait3A_61] : memref<2x128x128xf32, #tpu.memory_space<vmem>> -> memref<1x128x128xf32, #tpu.memory_space<vmem>>
      %dma_wait3A_63 = tpu.memref_squeeze %dma_wait3A_62 : memref<1x128x128xf32, #tpu.memory_space<vmem>> -> memref<128x128xf32, #tpu.memory_space<vmem>>
      %dma_wait3A_64 = arith.constant 0 : i32
      %dma_wait3A_65 = tpu.memref_slice %arg7[%rem3A_18, %dma_wait3A_58, %dma_wait3A_64] : memref<2x8x128xi32, #tpu.memory_space<vmem>> -> memref<1x1x128xi32, #tpu.memory_space<vmem>>
      %dma_wait3A_66 = tpu.memref_squeeze %dma_wait3A_65 : memref<1x1x128xi32, #tpu.memory_space<vmem>> -> memref<128xi32, #tpu.memory_space<vmem>>
      %dma_wait3A_67 = arith.constant 0 : i32
      %dma_wait3A_68 = arith.constant 0 : i32
      %dma_wait3A_69 = tpu.memref_slice %arg2[%dma_wait3A_67, %dma_wait3A_68] : memref<10240x128xf32, #tpu.memory_space<hbm>> -> memref<10240x128xf32, #tpu.memory_space<hbm>>
      tpu.wait_indirect_dma semaphore(%arg12 : memref<!tpu.dma_semaphore, #tpu.memory_space<semaphore_mem>>) src(%dma_wait3A_69 : memref<10240x128xf32, #tpu.memory_space<hbm>>) dst(%dma_wait3A_63 : memref<128x128xf32, #tpu.memory_space<vmem>>)
      %dma_start3A_70 = arith.constant 2 : i32
      %dma_start3A_71 = arith.constant 0 : i32
      %dma_start3A_72 = arith.constant 0 : i32
      %dma_start3A_73 = arith.constant 0 : i32
      %dma_start3A_74 = tpu.memref_slice %arg9[%dma_start3A_71, %dma_start3A_72, %dma_start3A_73] : memref<2x128x128xf32, #tpu.memory_space<vmem>> -> memref<1x128x128xf32, #tpu.memory_space<vmem>>
      %dma_start3A_75 = tpu.memref_squeeze %dma_start3A_74 : memref<1x128x128xf32, #tpu.memory_space<vmem>> -> memref<128x128xf32, #tpu.memory_space<vmem>>
      %dma_start3A_76 = arith.constant 0 : i32
      %dma_start3A_77 = tpu.memref_slice %arg7[%rem3A_18, %dma_start3A_70, %dma_start3A_76] : memref<2x8x128xi32, #tpu.memory_space<vmem>> -> memref<1x1x128xi32, #tpu.memory_space<vmem>>
      %dma_start3A_78 = tpu.memref_squeeze %dma_start3A_77 : memref<1x1x128xi32, #tpu.memory_space<vmem>> -> memref<128xi32, #tpu.memory_space<vmem>>
      %dma_start3A_79 = arith.constant 0 : i32
      %dma_start3A_80 = arith.constant 0 : i32
      %dma_start3A_81 = tpu.memref_slice %arg2[%dma_start3A_79, %dma_start3A_80] : memref<10240x128xf32, #tpu.memory_space<hbm>> -> memref<10240x128xf32, #tpu.memory_space<hbm>>
      tpu.enqueue_indirect_dma source(%dma_start3A_81 : memref<10240x128xf32, #tpu.memory_space<hbm>>) target(%dma_start3A_75 : memref<128x128xf32, #tpu.memory_space<vmem>>) offsets(%dma_start3A_78 : memref<128xi32, #tpu.memory_space<vmem>>) semaphore(%arg11 : memref<!tpu.dma_semaphore, #tpu.memory_space<semaphore_mem>>)
      %run_scoped3A_82 = arith.constant 1 : i32
      %run_scoped3A_83 = arith.constant 1 : i32
      "tpu.region"() ({
        %run_scoped3A_233 = tpu.sem_alloc : memref<!tpu.dma_semaphore, #tpu.memory_space<semaphore_mem>>
        %dma_start3A_234 = arith.constant 0 : i32
        %dma_start3A_235 = arith.constant 0 : i32
        %dma_start3A_236 = tpu.memref_slice %arg9[%run_scoped3A_82, %dma_start3A_234, %dma_start3A_235] : memref<2x128x128xf32, #tpu.memory_space<vmem>> -> memref<1x128x128xf32, #tpu.memory_space<vmem>>
        %dma_start3A_237 = tpu.memref_squeeze %dma_start3A_236 : memref<1x128x128xf32, #tpu.memory_space<vmem>> -> memref<128x128xf32, #tpu.memory_space<vmem>>
        %dma_start3A_238 = arith.constant 0 : i32
        %dma_start3A_239 = tpu.memref_slice %arg8[%rem3A_18, %run_scoped3A_83, %dma_start3A_238] : memref<2x8x128xi32, #tpu.memory_space<vmem>> -> memref<1x1x128xi32, #tpu.memory_space<vmem>>
        %dma_start3A_240 = tpu.memref_squeeze %dma_start3A_239 : memref<1x1x128xi32, #tpu.memory_space<vmem>> -> memref<128xi32, #tpu.memory_space<vmem>>
        %dma_start3A_241 = arith.constant 0 : i32
        %dma_start3A_242 = arith.constant 0 : i32
        %dma_start3A_243 = tpu.memref_slice %arg10[%dma_start3A_241, %dma_start3A_242] : memref<10112x128xf32, #tpu.memory_space<vmem_shared>> -> memref<10112x128xf32, #tpu.memory_space<vmem_shared>>
        tpu.enqueue_indirect_dma source(%dma_start3A_237 : memref<128x128xf32, #tpu.memory_space<vmem>>) target(%dma_start3A_243 : memref<10112x128xf32, #tpu.memory_space<vmem_shared>>) offsets(%dma_start3A_240 : memref<128xi32, #tpu.memory_space<vmem>>) semaphore(%run_scoped3A_233 : memref<!tpu.dma_semaphore, #tpu.memory_space<semaphore_mem>>) {add = true}
        %dma_wait3A_244 = arith.constant 0 : i32
        %dma_wait3A_245 = arith.constant 0 : i32
        %dma_wait3A_246 = tpu.memref_slice %arg9[%run_scoped3A_82, %dma_wait3A_244, %dma_wait3A_245] : memref<2x128x128xf32, #tpu.memory_space<vmem>> -> memref<1x128x128xf32, #tpu.memory_space<vmem>>
        %dma_wait3A_247 = tpu.memref_squeeze %dma_wait3A_246 : memref<1x128x128xf32, #tpu.memory_space<vmem>> -> memref<128x128xf32, #tpu.memory_space<vmem>>
        %dma_wait3A_248 = arith.constant 0 : i32
        %dma_wait3A_249 = tpu.memref_slice %arg8[%rem3A_18, %run_scoped3A_83, %dma_wait3A_248] : memref<2x8x128xi32, #tpu.memory_space<vmem>> -> memref<1x1x128xi32, #tpu.memory_space<vmem>>
        %dma_wait3A_250 = tpu.memref_squeeze %dma_wait3A_249 : memref<1x1x128xi32, #tpu.memory_space<vmem>> -> memref<128xi32, #tpu.memory_space<vmem>>
        %dma_wait3A_251 = arith.constant 0 : i32
        %dma_wait3A_252 = arith.constant 0 : i32
        %dma_wait3A_253 = tpu.memref_slice %arg10[%dma_wait3A_251, %dma_wait3A_252] : memref<10112x128xf32, #tpu.memory_space<vmem_shared>> -> memref<10112x128xf32, #tpu.memory_space<vmem_shared>>
        tpu.wait_indirect_dma semaphore(%run_scoped3A_233 : memref<!tpu.dma_semaphore, #tpu.memory_space<semaphore_mem>>) src(%dma_wait3A_247 : memref<128x128xf32, #tpu.memory_space<vmem>>) dst(%dma_wait3A_253 : memref<10112x128xf32, #tpu.memory_space<vmem_shared>>)
        tpu.yield
      }) : () -> ()
      %dma_wait3A_84 = arith.constant 2 : i32
      %dma_wait3A_85 = arith.constant 0 : i32
      %dma_wait3A_86 = arith.constant 0 : i32
      %dma_wait3A_87 = arith.constant 0 : i32
      %dma_wait3A_88 = tpu.memref_slice %arg9[%dma_wait3A_85, %dma_wait3A_86, %dma_wait3A_87] : memref<2x128x128xf32, #tpu.memory_space<vmem>> -> memref<1x128x128xf32, #tpu.memory_space<vmem>>
      %dma_wait3A_89 = tpu.memref_squeeze %dma_wait3A_88 : memref<1x128x128xf32, #tpu.memory_space<vmem>> -> memref<128x128xf32, #tpu.memory_space<vmem>>
      %dma_wait3A_90 = arith.constant 0 : i32
      %dma_wait3A_91 = tpu.memref_slice %arg7[%rem3A_18, %dma_wait3A_84, %dma_wait3A_90] : memref<2x8x128xi32, #tpu.memory_space<vmem>> -> memref<1x1x128xi32, #tpu.memory_space<vmem>>
      %dma_wait3A_92 = tpu.memref_squeeze %dma_wait3A_91 : memref<1x1x128xi32, #tpu.memory_space<vmem>> -> memref<128xi32, #tpu.memory_space<vmem>>
      %dma_wait3A_93 = arith.constant 0 : i32
      %dma_wait3A_94 = arith.constant 0 : i32
      %dma_wait3A_95 = tpu.memref_slice %arg2[%dma_wait3A_93, %dma_wait3A_94] : memref<10240x128xf32, #tpu.memory_space<hbm>> -> memref<10240x128xf32, #tpu.memory_space<hbm>>
      tpu.wait_indirect_dma semaphore(%arg11 : memref<!tpu.dma_semaphore, #tpu.memory_space<semaphore_mem>>) src(%dma_wait3A_95 : memref<10240x128xf32, #tpu.memory_space<hbm>>) dst(%dma_wait3A_89 : memref<128x128xf32, #tpu.memory_space<vmem>>)
      %dma_start3A_96 = arith.constant 3 : i32
      %dma_start3A_97 = arith.constant 1 : i32
      %dma_start3A_98 = arith.constant 0 : i32
      %dma_start3A_99 = arith.constant 0 : i32
      %dma_start3A_100 = tpu.memref_slice %arg9[%dma_start3A_97, %dma_start3A_98, %dma_start3A_99] : memref<2x128x128xf32, #tpu.memory_space<vmem>> -> memref<1x128x128xf32, #tpu.memory_space<vmem>>
      %dma_start3A_101 = tpu.memref_squeeze %dma_start3A_100 : memref<1x128x128xf32, #tpu.memory_space<vmem>> -> memref<128x128xf32, #tpu.memory_space<vmem>>
      %dma_start3A_102 = arith.constant 0 : i32
      %dma_start3A_103 = tpu.memref_slice %arg7[%rem3A_18, %dma_start3A_96, %dma_start3A_102] : memref<2x8x128xi32, #tpu.memory_space<vmem>> -> memref<1x1x128xi32, #tpu.memory_space<vmem>>
      %dma_start3A_104 = tpu.memref_squeeze %dma_start3A_103 : memref<1x1x128xi32, #tpu.memory_space<vmem>> -> memref<128xi32, #tpu.memory_space<vmem>>
      %dma_start3A_105 = arith.constant 0 : i32
      %dma_start3A_106 = arith.constant 0 : i32
      %dma_start3A_107 = tpu.memref_slice %arg2[%dma_start3A_105, %dma_start3A_106] : memref<10240x128xf32, #tpu.memory_space<hbm>> -> memref<10240x128xf32, #tpu.memory_space<hbm>>
      tpu.enqueue_indirect_dma source(%dma_start3A_107 : memref<10240x128xf32, #tpu.memory_space<hbm>>) target(%dma_start3A_101 : memref<128x128xf32, #tpu.memory_space<vmem>>) offsets(%dma_start3A_104 : memref<128xi32, #tpu.memory_space<vmem>>) semaphore(%arg12 : memref<!tpu.dma_semaphore, #tpu.memory_space<semaphore_mem>>)
      %run_scoped3A_108 = arith.constant 0 : i32
      %run_scoped3A_109 = arith.constant 2 : i32
      "tpu.region"() ({
        %run_scoped3A_233 = tpu.sem_alloc : memref<!tpu.dma_semaphore, #tpu.memory_space<semaphore_mem>>
        %dma_start3A_234 = arith.constant 0 : i32
        %dma_start3A_235 = arith.constant 0 : i32
        %dma_start3A_236 = tpu.memref_slice %arg9[%run_scoped3A_108, %dma_start3A_234, %dma_start3A_235] : memref<2x128x128xf32, #tpu.memory_space<vmem>> -> memref<1x128x128xf32, #tpu.memory_space<vmem>>
        %dma_start3A_237 = tpu.memref_squeeze %dma_start3A_236 : memref<1x128x128xf32, #tpu.memory_space<vmem>> -> memref<128x128xf32, #tpu.memory_space<vmem>>
        %dma_start3A_238 = arith.constant 0 : i32
        %dma_start3A_239 = tpu.memref_slice %arg8[%rem3A_18, %run_scoped3A_109, %dma_start3A_238] : memref<2x8x128xi32, #tpu.memory_space<vmem>> -> memref<1x1x128xi32, #tpu.memory_space<vmem>>
        %dma_start3A_240 = tpu.memref_squeeze %dma_start3A_239 : memref<1x1x128xi32, #tpu.memory_space<vmem>> -> memref<128xi32, #tpu.memory_space<vmem>>
        %dma_start3A_241 = arith.constant 0 : i32
        %dma_start3A_242 = arith.constant 0 : i32
        %dma_start3A_243 = tpu.memref_slice %arg10[%dma_start3A_241, %dma_start3A_242] : memref<10112x128xf32, #tpu.memory_space<vmem_shared>> -> memref<10112x128xf32, #tpu.memory_space<vmem_shared>>
        tpu.enqueue_indirect_dma source(%dma_start3A_237 : memref<128x128xf32, #tpu.memory_space<vmem>>) target(%dma_start3A_243 : memref<10112x128xf32, #tpu.memory_space<vmem_shared>>) offsets(%dma_start3A_240 : memref<128xi32, #tpu.memory_space<vmem>>) semaphore(%run_scoped3A_233 : memref<!tpu.dma_semaphore, #tpu.memory_space<semaphore_mem>>) {add = true}
        %dma_wait3A_244 = arith.constant 0 : i32
        %dma_wait3A_245 = arith.constant 0 : i32
        %dma_wait3A_246 = tpu.memref_slice %arg9[%run_scoped3A_108, %dma_wait3A_244, %dma_wait3A_245] : memref<2x128x128xf32, #tpu.memory_space<vmem>> -> memref<1x128x128xf32, #tpu.memory_space<vmem>>
        %dma_wait3A_247 = tpu.memref_squeeze %dma_wait3A_246 : memref<1x128x128xf32, #tpu.memory_space<vmem>> -> memref<128x128xf32, #tpu.memory_space<vmem>>
        %dma_wait3A_248 = arith.constant 0 : i32
        %dma_wait3A_249 = tpu.memref_slice %arg8[%rem3A_18, %run_scoped3A_109, %dma_wait3A_248] : memref<2x8x128xi32, #tpu.memory_space<vmem>> -> memref<1x1x128xi32, #tpu.memory_space<vmem>>
        %dma_wait3A_250 = tpu.memref_squeeze %dma_wait3A_249 : memref<1x1x128xi32, #tpu.memory_space<vmem>> -> memref<128xi32, #tpu.memory_space<vmem>>
        %dma_wait3A_251 = arith.constant 0 : i32
        %dma_wait3A_252 = arith.constant 0 : i32
        %dma_wait3A_253 = tpu.memref_slice %arg10[%dma_wait3A_251, %dma_wait3A_252] : memref<10112x128xf32, #tpu.memory_space<vmem_shared>> -> memref<10112x128xf32, #tpu.memory_space<vmem_shared>>
        tpu.wait_indirect_dma semaphore(%run_scoped3A_233 : memref<!tpu.dma_semaphore, #tpu.memory_space<semaphore_mem>>) src(%dma_wait3A_247 : memref<128x128xf32, #tpu.memory_space<vmem>>) dst(%dma_wait3A_253 : memref<10112x128xf32, #tpu.memory_space<vmem_shared>>)
        tpu.yield
      }) : () -> ()
      %dma_wait3A_110 = arith.constant 3 : i32
      %dma_wait3A_111 = arith.constant 1 : i32
      %dma_wait3A_112 = arith.constant 0 : i32
      %dma_wait3A_113 = arith.constant 0 : i32
      %dma_wait3A_114 = tpu.memref_slice %arg9[%dma_wait3A_111, %dma_wait3A_112, %dma_wait3A_113] : memref<2x128x128xf32, #tpu.memory_space<vmem>> -> memref<1x128x128xf32, #tpu.memory_space<vmem>>
      %dma_wait3A_115 = tpu.memref_squeeze %dma_wait3A_114 : memref<1x128x128xf32, #tpu.memory_space<vmem>> -> memref<128x128xf32, #tpu.memory_space<vmem>>
      %dma_wait3A_116 = arith.constant 0 : i32
      %dma_wait3A_117 = tpu.memref_slice %arg7[%rem3A_18, %dma_wait3A_110, %dma_wait3A_116] : memref<2x8x128xi32, #tpu.memory_space<vmem>> -> memref<1x1x128xi32, #tpu.memory_space<vmem>>
      %dma_wait3A_118 = tpu.memref_squeeze %dma_wait3A_117 : memref<1x1x128xi32, #tpu.memory_space<vmem>> -> memref<128xi32, #tpu.memory_space<vmem>>
      %dma_wait3A_119 = arith.constant 0 : i32
      %dma_wait3A_120 = arith.constant 0 : i32
      %dma_wait3A_121 = tpu.memref_slice %arg2[%dma_wait3A_119, %dma_wait3A_120] : memref<10240x128xf32, #tpu.memory_space<hbm>> -> memref<10240x128xf32, #tpu.memory_space<hbm>>
      tpu.wait_indirect_dma semaphore(%arg12 : memref<!tpu.dma_semaphore, #tpu.memory_space<semaphore_mem>>) src(%dma_wait3A_121 : memref<10240x128xf32, #tpu.memory_space<hbm>>) dst(%dma_wait3A_115 : memref<128x128xf32, #tpu.memory_space<vmem>>)
      %dma_start3A_122 = arith.constant 4 : i32
      %dma_start3A_123 = arith.constant 0 : i32
      %dma_start3A_124 = arith.constant 0 : i32
      %dma_start3A_125 = arith.constant 0 : i32
      %dma_start3A_126 = tpu.memref_slice %arg9[%dma_start3A_123, %dma_start3A_124, %dma_start3A_125] : memref<2x128x128xf32, #tpu.memory_space<vmem>> -> memref<1x128x128xf32, #tpu.memory_space<vmem>>
      %dma_start3A_127 = tpu.memref_squeeze %dma_start3A_126 : memref<1x128x128xf32, #tpu.memory_space<vmem>> -> memref<128x128xf32, #tpu.memory_space<vmem>>
      %dma_start3A_128 = arith.constant 0 : i32
      %dma_start3A_129 = tpu.memref_slice %arg7[%rem3A_18, %dma_start3A_122, %dma_start3A_128] : memref<2x8x128xi32, #tpu.memory_space<vmem>> -> memref<1x1x128xi32, #tpu.memory_space<vmem>>
      %dma_start3A_130 = tpu.memref_squeeze %dma_start3A_129 : memref<1x1x128xi32, #tpu.memory_space<vmem>> -> memref<128xi32, #tpu.memory_space<vmem>>
      %dma_start3A_131 = arith.constant 0 : i32
      %dma_start3A_132 = arith.constant 0 : i32
      %dma_start3A_133 = tpu.memref_slice %arg2[%dma_start3A_131, %dma_start3A_132] : memref<10240x128xf32, #tpu.memory_space<hbm>> -> memref<10240x128xf32, #tpu.memory_space<hbm>>
      tpu.enqueue_indirect_dma source(%dma_start3A_133 : memref<10240x128xf32, #tpu.memory_space<hbm>>) target(%dma_start3A_127 : memref<128x128xf32, #tpu.memory_space<vmem>>) offsets(%dma_start3A_130 : memref<128xi32, #tpu.memory_space<vmem>>) semaphore(%arg11 : memref<!tpu.dma_semaphore, #tpu.memory_space<semaphore_mem>>)
      %run_scoped3A_134 = arith.constant 1 : i32
      %run_scoped3A_135 = arith.constant 3 : i32
      "tpu.region"() ({
        %run_scoped3A_233 = tpu.sem_alloc : memref<!tpu.dma_semaphore, #tpu.memory_space<semaphore_mem>>
        %dma_start3A_234 = arith.constant 0 : i32
        %dma_start3A_235 = arith.constant 0 : i32
        %dma_start3A_236 = tpu.memref_slice %arg9[%run_scoped3A_134, %dma_start3A_234, %dma_start3A_235] : memref<2x128x128xf32, #tpu.memory_space<vmem>> -> memref<1x128x128xf32, #tpu.memory_space<vmem>>
        %dma_start3A_237 = tpu.memref_squeeze %dma_start3A_236 : memref<1x128x128xf32, #tpu.memory_space<vmem>> -> memref<128x128xf32, #tpu.memory_space<vmem>>
        %dma_start3A_238 = arith.constant 0 : i32
        %dma_start3A_239 = tpu.memref_slice %arg8[%rem3A_18, %run_scoped3A_135, %dma_start3A_238] : memref<2x8x128xi32, #tpu.memory_space<vmem>> -> memref<1x1x128xi32, #tpu.memory_space<vmem>>
        %dma_start3A_240 = tpu.memref_squeeze %dma_start3A_239 : memref<1x1x128xi32, #tpu.memory_space<vmem>> -> memref<128xi32, #tpu.memory_space<vmem>>
        %dma_start3A_241 = arith.constant 0 : i32
        %dma_start3A_242 = arith.constant 0 : i32
        %dma_start3A_243 = tpu.memref_slice %arg10[%dma_start3A_241, %dma_start3A_242] : memref<10112x128xf32, #tpu.memory_space<vmem_shared>> -> memref<10112x128xf32, #tpu.memory_space<vmem_shared>>
        tpu.enqueue_indirect_dma source(%dma_start3A_237 : memref<128x128xf32, #tpu.memory_space<vmem>>) target(%dma_start3A_243 : memref<10112x128xf32, #tpu.memory_space<vmem_shared>>) offsets(%dma_start3A_240 : memref<128xi32, #tpu.memory_space<vmem>>) semaphore(%run_scoped3A_233 : memref<!tpu.dma_semaphore, #tpu.memory_space<semaphore_mem>>) {add = true}
        %dma_wait3A_244 = arith.constant 0 : i32
        %dma_wait3A_245 = arith.constant 0 : i32
        %dma_wait3A_246 = tpu.memref_slice %arg9[%run_scoped3A_134, %dma_wait3A_244, %dma_wait3A_245] : memref<2x128x128xf32, #tpu.memory_space<vmem>> -> memref<1x128x128xf32, #tpu.memory_space<vmem>>
        %dma_wait3A_247 = tpu.memref_squeeze %dma_wait3A_246 : memref<1x128x128xf32, #tpu.memory_space<vmem>> -> memref<128x128xf32, #tpu.memory_space<vmem>>
        %dma_wait3A_248 = arith.constant 0 : i32
        %dma_wait3A_249 = tpu.memref_slice %arg8[%rem3A_18, %run_scoped3A_135, %dma_wait3A_248] : memref<2x8x128xi32, #tpu.memory_space<vmem>> -> memref<1x1x128xi32, #tpu.memory_space<vmem>>
        %dma_wait3A_250 = tpu.memref_squeeze %dma_wait3A_249 : memref<1x1x128xi32, #tpu.memory_space<vmem>> -> memref<128xi32, #tpu.memory_space<vmem>>
        %dma_wait3A_251 = arith.constant 0 : i32
        %dma_wait3A_252 = arith.constant 0 : i32
        %dma_wait3A_253 = tpu.memref_slice %arg10[%dma_wait3A_251, %dma_wait3A_252] : memref<10112x128xf32, #tpu.memory_space<vmem_shared>> -> memref<10112x128xf32, #tpu.memory_space<vmem_shared>>
        tpu.wait_indirect_dma semaphore(%run_scoped3A_233 : memref<!tpu.dma_semaphore, #tpu.memory_space<semaphore_mem>>) src(%dma_wait3A_247 : memref<128x128xf32, #tpu.memory_space<vmem>>) dst(%dma_wait3A_253 : memref<10112x128xf32, #tpu.memory_space<vmem_shared>>)
        tpu.yield
      }) : () -> ()
      %dma_wait3A_136 = arith.constant 4 : i32
      %dma_wait3A_137 = arith.constant 0 : i32
      %dma_wait3A_138 = arith.constant 0 : i32
      %dma_wait3A_139 = arith.constant 0 : i32
      %dma_wait3A_140 = tpu.memref_slice %arg9[%dma_wait3A_137, %dma_wait3A_138, %dma_wait3A_139] : memref<2x128x128xf32, #tpu.memory_space<vmem>> -> memref<1x128x128xf32, #tpu.memory_space<vmem>>
      %dma_wait3A_141 = tpu.memref_squeeze %dma_wait3A_140 : memref<1x128x128xf32, #tpu.memory_space<vmem>> -> memref<128x128xf32, #tpu.memory_space<vmem>>
      %dma_wait3A_142 = arith.constant 0 : i32
      %dma_wait3A_143 = tpu.memref_slice %arg7[%rem3A_18, %dma_wait3A_136, %dma_wait3A_142] : memref<2x8x128xi32, #tpu.memory_space<vmem>> -> memref<1x1x128xi32, #tpu.memory_space<vmem>>
      %dma_wait3A_144 = tpu.memref_squeeze %dma_wait3A_143 : memref<1x1x128xi32, #tpu.memory_space<vmem>> -> memref<128xi32, #tpu.memory_space<vmem>>
      %dma_wait3A_145 = arith.constant 0 : i32
      %dma_wait3A_146 = arith.constant 0 : i32
      %dma_wait3A_147 = tpu.memref_slice %arg2[%dma_wait3A_145, %dma_wait3A_146] : memref<10240x128xf32, #tpu.memory_space<hbm>> -> memref<10240x128xf32, #tpu.memory_space<hbm>>
      tpu.wait_indirect_dma semaphore(%arg11 : memref<!tpu.dma_semaphore, #tpu.memory_space<semaphore_mem>>) src(%dma_wait3A_147 : memref<10240x128xf32, #tpu.memory_space<hbm>>) dst(%dma_wait3A_141 : memref<128x128xf32, #tpu.memory_space<vmem>>)
      %dma_start3A_148 = arith.constant 5 : i32
      %dma_start3A_149 = arith.constant 1 : i32
      %dma_start3A_150 = arith.constant 0 : i32
      %dma_start3A_151 = arith.constant 0 : i32
      %dma_start3A_152 = tpu.memref_slice %arg9[%dma_start3A_149, %dma_start3A_150, %dma_start3A_151] : memref<2x128x128xf32, #tpu.memory_space<vmem>> -> memref<1x128x128xf32, #tpu.memory_space<vmem>>
      %dma_start3A_153 = tpu.memref_squeeze %dma_start3A_152 : memref<1x128x128xf32, #tpu.memory_space<vmem>> -> memref<128x128xf32, #tpu.memory_space<vmem>>
      %dma_start3A_154 = arith.constant 0 : i32
      %dma_start3A_155 = tpu.memref_slice %arg7[%rem3A_18, %dma_start3A_148, %dma_start3A_154] : memref<2x8x128xi32, #tpu.memory_space<vmem>> -> memref<1x1x128xi32, #tpu.memory_space<vmem>>
      %dma_start3A_156 = tpu.memref_squeeze %dma_start3A_155 : memref<1x1x128xi32, #tpu.memory_space<vmem>> -> memref<128xi32, #tpu.memory_space<vmem>>
      %dma_start3A_157 = arith.constant 0 : i32
      %dma_start3A_158 = arith.constant 0 : i32
      %dma_start3A_159 = tpu.memref_slice %arg2[%dma_start3A_157, %dma_start3A_158] : memref<10240x128xf32, #tpu.memory_space<hbm>> -> memref<10240x128xf32, #tpu.memory_space<hbm>>
      tpu.enqueue_indirect_dma source(%dma_start3A_159 : memref<10240x128xf32, #tpu.memory_space<hbm>>) target(%dma_start3A_153 : memref<128x128xf32, #tpu.memory_space<vmem>>) offsets(%dma_start3A_156 : memref<128xi32, #tpu.memory_space<vmem>>) semaphore(%arg12 : memref<!tpu.dma_semaphore, #tpu.memory_space<semaphore_mem>>)
      %run_scoped3A_160 = arith.constant 0 : i32
      %run_scoped3A_161 = arith.constant 4 : i32
      "tpu.region"() ({
        %run_scoped3A_233 = tpu.sem_alloc : memref<!tpu.dma_semaphore, #tpu.memory_space<semaphore_mem>>
        %dma_start3A_234 = arith.constant 0 : i32
        %dma_start3A_235 = arith.constant 0 : i32
        %dma_start3A_236 = tpu.memref_slice %arg9[%run_scoped3A_160, %dma_start3A_234, %dma_start3A_235] : memref<2x128x128xf32, #tpu.memory_space<vmem>> -> memref<1x128x128xf32, #tpu.memory_space<vmem>>
        %dma_start3A_237 = tpu.memref_squeeze %dma_start3A_236 : memref<1x128x128xf32, #tpu.memory_space<vmem>> -> memref<128x128xf32, #tpu.memory_space<vmem>>
        %dma_start3A_238 = arith.constant 0 : i32
        %dma_start3A_239 = tpu.memref_slice %arg8[%rem3A_18, %run_scoped3A_161, %dma_start3A_238] : memref<2x8x128xi32, #tpu.memory_space<vmem>> -> memref<1x1x128xi32, #tpu.memory_space<vmem>>
        %dma_start3A_240 = tpu.memref_squeeze %dma_start3A_239 : memref<1x1x128xi32, #tpu.memory_space<vmem>> -> memref<128xi32, #tpu.memory_space<vmem>>
        %dma_start3A_241 = arith.constant 0 : i32
        %dma_start3A_242 = arith.constant 0 : i32
        %dma_start3A_243 = tpu.memref_slice %arg10[%dma_start3A_241, %dma_start3A_242] : memref<10112x128xf32, #tpu.memory_space<vmem_shared>> -> memref<10112x128xf32, #tpu.memory_space<vmem_shared>>
        tpu.enqueue_indirect_dma source(%dma_start3A_237 : memref<128x128xf32, #tpu.memory_space<vmem>>) target(%dma_start3A_243 : memref<10112x128xf32, #tpu.memory_space<vmem_shared>>) offsets(%dma_start3A_240 : memref<128xi32, #tpu.memory_space<vmem>>) semaphore(%run_scoped3A_233 : memref<!tpu.dma_semaphore, #tpu.memory_space<semaphore_mem>>) {add = true}
        %dma_wait3A_244 = arith.constant 0 : i32
        %dma_wait3A_245 = arith.constant 0 : i32
        %dma_wait3A_246 = tpu.memref_slice %arg9[%run_scoped3A_160, %dma_wait3A_244, %dma_wait3A_245] : memref<2x128x128xf32, #tpu.memory_space<vmem>> -> memref<1x128x128xf32, #tpu.memory_space<vmem>>
        %dma_wait3A_247 = tpu.memref_squeeze %dma_wait3A_246 : memref<1x128x128xf32, #tpu.memory_space<vmem>> -> memref<128x128xf32, #tpu.memory_space<vmem>>
        %dma_wait3A_248 = arith.constant 0 : i32
        %dma_wait3A_249 = tpu.memref_slice %arg8[%rem3A_18, %run_scoped3A_161, %dma_wait3A_248] : memref<2x8x128xi32, #tpu.memory_space<vmem>> -> memref<1x1x128xi32, #tpu.memory_space<vmem>>
        %dma_wait3A_250 = tpu.memref_squeeze %dma_wait3A_249 : memref<1x1x128xi32, #tpu.memory_space<vmem>> -> memref<128xi32, #tpu.memory_space<vmem>>
        %dma_wait3A_251 = arith.constant 0 : i32
        %dma_wait3A_252 = arith.constant 0 : i32
        %dma_wait3A_253 = tpu.memref_slice %arg10[%dma_wait3A_251, %dma_wait3A_252] : memref<10112x128xf32, #tpu.memory_space<vmem_shared>> -> memref<10112x128xf32, #tpu.memory_space<vmem_shared>>
        tpu.wait_indirect_dma semaphore(%run_scoped3A_233 : memref<!tpu.dma_semaphore, #tpu.memory_space<semaphore_mem>>) src(%dma_wait3A_247 : memref<128x128xf32, #tpu.memory_space<vmem>>) dst(%dma_wait3A_253 : memref<10112x128xf32, #tpu.memory_space<vmem_shared>>)
        tpu.yield
      }) : () -> ()
      %dma_wait3A_162 = arith.constant 5 : i32
      %dma_wait3A_163 = arith.constant 1 : i32
      %dma_wait3A_164 = arith.constant 0 : i32
      %dma_wait3A_165 = arith.constant 0 : i32
      %dma_wait3A_166 = tpu.memref_slice %arg9[%dma_wait3A_163, %dma_wait3A_164, %dma_wait3A_165] : memref<2x128x128xf32, #tpu.memory_space<vmem>> -> memref<1x128x128xf32, #tpu.memory_space<vmem>>
      %dma_wait3A_167 = tpu.memref_squeeze %dma_wait3A_166 : memref<1x128x128xf32, #tpu.memory_space<vmem>> -> memref<128x128xf32, #tpu.memory_space<vmem>>
      %dma_wait3A_168 = arith.constant 0 : i32
      %dma_wait3A_169 = tpu.memref_slice %arg7[%rem3A_18, %dma_wait3A_162, %dma_wait3A_168] : memref<2x8x128xi32, #tpu.memory_space<vmem>> -> memref<1x1x128xi32, #tpu.memory_space<vmem>>
      %dma_wait3A_170 = tpu.memref_squeeze %dma_wait3A_169 : memref<1x1x128xi32, #tpu.memory_space<vmem>> -> memref<128xi32, #tpu.memory_space<vmem>>
      %dma_wait3A_171 = arith.constant 0 : i32
      %dma_wait3A_172 = arith.constant 0 : i32
      %dma_wait3A_173 = tpu.memref_slice %arg2[%dma_wait3A_171, %dma_wait3A_172] : memref<10240x128xf32, #tpu.memory_space<hbm>> -> memref<10240x128xf32, #tpu.memory_space<hbm>>
      tpu.wait_indirect_dma semaphore(%arg12 : memref<!tpu.dma_semaphore, #tpu.memory_space<semaphore_mem>>) src(%dma_wait3A_173 : memref<10240x128xf32, #tpu.memory_space<hbm>>) dst(%dma_wait3A_167 : memref<128x128xf32, #tpu.memory_space<vmem>>)
      %dma_start3A_174 = arith.constant 6 : i32
      %dma_start3A_175 = arith.constant 0 : i32
      %dma_start3A_176 = arith.constant 0 : i32
      %dma_start3A_177 = arith.constant 0 : i32
      %dma_start3A_178 = tpu.memref_slice %arg9[%dma_start3A_175, %dma_start3A_176, %dma_start3A_177] : memref<2x128x128xf32, #tpu.memory_space<vmem>> -> memref<1x128x128xf32, #tpu.memory_space<vmem>>
      %dma_start3A_179 = tpu.memref_squeeze %dma_start3A_178 : memref<1x128x128xf32, #tpu.memory_space<vmem>> -> memref<128x128xf32, #tpu.memory_space<vmem>>
      %dma_start3A_180 = arith.constant 0 : i32
      %dma_start3A_181 = tpu.memref_slice %arg7[%rem3A_18, %dma_start3A_174, %dma_start3A_180] : memref<2x8x128xi32, #tpu.memory_space<vmem>> -> memref<1x1x128xi32, #tpu.memory_space<vmem>>
      %dma_start3A_182 = tpu.memref_squeeze %dma_start3A_181 : memref<1x1x128xi32, #tpu.memory_space<vmem>> -> memref<128xi32, #tpu.memory_space<vmem>>
      %dma_start3A_183 = arith.constant 0 : i32
      %dma_start3A_184 = arith.constant 0 : i32
      %dma_start3A_185 = tpu.memref_slice %arg2[%dma_start3A_183, %dma_start3A_184] : memref<10240x128xf32, #tpu.memory_space<hbm>> -> memref<10240x128xf32, #tpu.memory_space<hbm>>
      tpu.enqueue_indirect_dma source(%dma_start3A_185 : memref<10240x128xf32, #tpu.memory_space<hbm>>) target(%dma_start3A_179 : memref<128x128xf32, #tpu.memory_space<vmem>>) offsets(%dma_start3A_182 : memref<128xi32, #tpu.memory_space<vmem>>) semaphore(%arg11 : memref<!tpu.dma_semaphore, #tpu.memory_space<semaphore_mem>>)
      %run_scoped3A_186 = arith.constant 1 : i32
      %run_scoped3A_187 = arith.constant 5 : i32
      "tpu.region"() ({
        %run_scoped3A_233 = tpu.sem_alloc : memref<!tpu.dma_semaphore, #tpu.memory_space<semaphore_mem>>
        %dma_start3A_234 = arith.constant 0 : i32
        %dma_start3A_235 = arith.constant 0 : i32
        %dma_start3A_236 = tpu.memref_slice %arg9[%run_scoped3A_186, %dma_start3A_234, %dma_start3A_235] : memref<2x128x128xf32, #tpu.memory_space<vmem>> -> memref<1x128x128xf32, #tpu.memory_space<vmem>>
        %dma_start3A_237 = tpu.memref_squeeze %dma_start3A_236 : memref<1x128x128xf32, #tpu.memory_space<vmem>> -> memref<128x128xf32, #tpu.memory_space<vmem>>
        %dma_start3A_238 = arith.constant 0 : i32
        %dma_start3A_239 = tpu.memref_slice %arg8[%rem3A_18, %run_scoped3A_187, %dma_start3A_238] : memref<2x8x128xi32, #tpu.memory_space<vmem>> -> memref<1x1x128xi32, #tpu.memory_space<vmem>>
        %dma_start3A_240 = tpu.memref_squeeze %dma_start3A_239 : memref<1x1x128xi32, #tpu.memory_space<vmem>> -> memref<128xi32, #tpu.memory_space<vmem>>
        %dma_start3A_241 = arith.constant 0 : i32
        %dma_start3A_242 = arith.constant 0 : i32
        %dma_start3A_243 = tpu.memref_slice %arg10[%dma_start3A_241, %dma_start3A_242] : memref<10112x128xf32, #tpu.memory_space<vmem_shared>> -> memref<10112x128xf32, #tpu.memory_space<vmem_shared>>
        tpu.enqueue_indirect_dma source(%dma_start3A_237 : memref<128x128xf32, #tpu.memory_space<vmem>>) target(%dma_start3A_243 : memref<10112x128xf32, #tpu.memory_space<vmem_shared>>) offsets(%dma_start3A_240 : memref<128xi32, #tpu.memory_space<vmem>>) semaphore(%run_scoped3A_233 : memref<!tpu.dma_semaphore, #tpu.memory_space<semaphore_mem>>) {add = true}
        %dma_wait3A_244 = arith.constant 0 : i32
        %dma_wait3A_245 = arith.constant 0 : i32
        %dma_wait3A_246 = tpu.memref_slice %arg9[%run_scoped3A_186, %dma_wait3A_244, %dma_wait3A_245] : memref<2x128x128xf32, #tpu.memory_space<vmem>> -> memref<1x128x128xf32, #tpu.memory_space<vmem>>
        %dma_wait3A_247 = tpu.memref_squeeze %dma_wait3A_246 : memref<1x128x128xf32, #tpu.memory_space<vmem>> -> memref<128x128xf32, #tpu.memory_space<vmem>>
        %dma_wait3A_248 = arith.constant 0 : i32
        %dma_wait3A_249 = tpu.memref_slice %arg8[%rem3A_18, %run_scoped3A_187, %dma_wait3A_248] : memref<2x8x128xi32, #tpu.memory_space<vmem>> -> memref<1x1x128xi32, #tpu.memory_space<vmem>>
        %dma_wait3A_250 = tpu.memref_squeeze %dma_wait3A_249 : memref<1x1x128xi32, #tpu.memory_space<vmem>> -> memref<128xi32, #tpu.memory_space<vmem>>
        %dma_wait3A_251 = arith.constant 0 : i32
        %dma_wait3A_252 = arith.constant 0 : i32
        %dma_wait3A_253 = tpu.memref_slice %arg10[%dma_wait3A_251, %dma_wait3A_252] : memref<10112x128xf32, #tpu.memory_space<vmem_shared>> -> memref<10112x128xf32, #tpu.memory_space<vmem_shared>>
        tpu.wait_indirect_dma semaphore(%run_scoped3A_233 : memref<!tpu.dma_semaphore, #tpu.memory_space<semaphore_mem>>) src(%dma_wait3A_247 : memref<128x128xf32, #tpu.memory_space<vmem>>) dst(%dma_wait3A_253 : memref<10112x128xf32, #tpu.memory_space<vmem_shared>>)
        tpu.yield
      }) : () -> ()
      %dma_wait3A_188 = arith.constant 6 : i32
      %dma_wait3A_189 = arith.constant 0 : i32
      %dma_wait3A_190 = arith.constant 0 : i32
      %dma_wait3A_191 = arith.constant 0 : i32
      %dma_wait3A_192 = tpu.memref_slice %arg9[%dma_wait3A_189, %dma_wait3A_190, %dma_wait3A_191] : memref<2x128x128xf32, #tpu.memory_space<vmem>> -> memref<1x128x128xf32, #tpu.memory_space<vmem>>
      %dma_wait3A_193 = tpu.memref_squeeze %dma_wait3A_192 : memref<1x128x128xf32, #tpu.memory_space<vmem>> -> memref<128x128xf32, #tpu.memory_space<vmem>>
      %dma_wait3A_194 = arith.constant 0 : i32
      %dma_wait3A_195 = tpu.memref_slice %arg7[%rem3A_18, %dma_wait3A_188, %dma_wait3A_194] : memref<2x8x128xi32, #tpu.memory_space<vmem>> -> memref<1x1x128xi32, #tpu.memory_space<vmem>>
      %dma_wait3A_196 = tpu.memref_squeeze %dma_wait3A_195 : memref<1x1x128xi32, #tpu.memory_space<vmem>> -> memref<128xi32, #tpu.memory_space<vmem>>
      %dma_wait3A_197 = arith.constant 0 : i32
      %dma_wait3A_198 = arith.constant 0 : i32
      %dma_wait3A_199 = tpu.memref_slice %arg2[%dma_wait3A_197, %dma_wait3A_198] : memref<10240x128xf32, #tpu.memory_space<hbm>> -> memref<10240x128xf32, #tpu.memory_space<hbm>>
      tpu.wait_indirect_dma semaphore(%arg11 : memref<!tpu.dma_semaphore, #tpu.memory_space<semaphore_mem>>) src(%dma_wait3A_199 : memref<10240x128xf32, #tpu.memory_space<hbm>>) dst(%dma_wait3A_193 : memref<128x128xf32, #tpu.memory_space<vmem>>)
      %dma_start3A_200 = arith.constant 7 : i32
      %dma_start3A_201 = arith.constant 1 : i32
      %dma_start3A_202 = arith.constant 0 : i32
      %dma_start3A_203 = arith.constant 0 : i32
      %dma_start3A_204 = tpu.memref_slice %arg9[%dma_start3A_201, %dma_start3A_202, %dma_start3A_203] : memref<2x128x128xf32, #tpu.memory_space<vmem>> -> memref<1x128x128xf32, #tpu.memory_space<vmem>>
      %dma_start3A_205 = tpu.memref_squeeze %dma_start3A_204 : memref<1x128x128xf32, #tpu.memory_space<vmem>> -> memref<128x128xf32, #tpu.memory_space<vmem>>
      %dma_start3A_206 = arith.constant 0 : i32
      %dma_start3A_207 = tpu.memref_slice %arg7[%rem3A_18, %dma_start3A_200, %dma_start3A_206] : memref<2x8x128xi32, #tpu.memory_space<vmem>> -> memref<1x1x128xi32, #tpu.memory_space<vmem>>
      %dma_start3A_208 = tpu.memref_squeeze %dma_start3A_207 : memref<1x1x128xi32, #tpu.memory_space<vmem>> -> memref<128xi32, #tpu.memory_space<vmem>>
      %dma_start3A_209 = arith.constant 0 : i32
      %dma_start3A_210 = arith.constant 0 : i32
      %dma_start3A_211 = tpu.memref_slice %arg2[%dma_start3A_209, %dma_start3A_210] : memref<10240x128xf32, #tpu.memory_space<hbm>> -> memref<10240x128xf32, #tpu.memory_space<hbm>>
      tpu.enqueue_indirect_dma source(%dma_start3A_211 : memref<10240x128xf32, #tpu.memory_space<hbm>>) target(%dma_start3A_205 : memref<128x128xf32, #tpu.memory_space<vmem>>) offsets(%dma_start3A_208 : memref<128xi32, #tpu.memory_space<vmem>>) semaphore(%arg12 : memref<!tpu.dma_semaphore, #tpu.memory_space<semaphore_mem>>)
      %run_scoped3A_212 = arith.constant 0 : i32
      %run_scoped3A_213 = arith.constant 6 : i32
      "tpu.region"() ({
        %run_scoped3A_233 = tpu.sem_alloc : memref<!tpu.dma_semaphore, #tpu.memory_space<semaphore_mem>>
        %dma_start3A_234 = arith.constant 0 : i32
        %dma_start3A_235 = arith.constant 0 : i32
        %dma_start3A_236 = tpu.memref_slice %arg9[%run_scoped3A_212, %dma_start3A_234, %dma_start3A_235] : memref<2x128x128xf32, #tpu.memory_space<vmem>> -> memref<1x128x128xf32, #tpu.memory_space<vmem>>
        %dma_start3A_237 = tpu.memref_squeeze %dma_start3A_236 : memref<1x128x128xf32, #tpu.memory_space<vmem>> -> memref<128x128xf32, #tpu.memory_space<vmem>>
        %dma_start3A_238 = arith.constant 0 : i32
        %dma_start3A_239 = tpu.memref_slice %arg8[%rem3A_18, %run_scoped3A_213, %dma_start3A_238] : memref<2x8x128xi32, #tpu.memory_space<vmem>> -> memref<1x1x128xi32, #tpu.memory_space<vmem>>
        %dma_start3A_240 = tpu.memref_squeeze %dma_start3A_239 : memref<1x1x128xi32, #tpu.memory_space<vmem>> -> memref<128xi32, #tpu.memory_space<vmem>>
        %dma_start3A_241 = arith.constant 0 : i32
        %dma_start3A_242 = arith.constant 0 : i32
        %dma_start3A_243 = tpu.memref_slice %arg10[%dma_start3A_241, %dma_start3A_242] : memref<10112x128xf32, #tpu.memory_space<vmem_shared>> -> memref<10112x128xf32, #tpu.memory_space<vmem_shared>>
        tpu.enqueue_indirect_dma source(%dma_start3A_237 : memref<128x128xf32, #tpu.memory_space<vmem>>) target(%dma_start3A_243 : memref<10112x128xf32, #tpu.memory_space<vmem_shared>>) offsets(%dma_start3A_240 : memref<128xi32, #tpu.memory_space<vmem>>) semaphore(%run_scoped3A_233 : memref<!tpu.dma_semaphore, #tpu.memory_space<semaphore_mem>>) {add = true}
        %dma_wait3A_244 = arith.constant 0 : i32
        %dma_wait3A_245 = arith.constant 0 : i32
        %dma_wait3A_246 = tpu.memref_slice %arg9[%run_scoped3A_212, %dma_wait3A_244, %dma_wait3A_245] : memref<2x128x128xf32, #tpu.memory_space<vmem>> -> memref<1x128x128xf32, #tpu.memory_space<vmem>>
        %dma_wait3A_247 = tpu.memref_squeeze %dma_wait3A_246 : memref<1x128x128xf32, #tpu.memory_space<vmem>> -> memref<128x128xf32, #tpu.memory_space<vmem>>
        %dma_wait3A_248 = arith.constant 0 : i32
        %dma_wait3A_249 = tpu.memref_slice %arg8[%rem3A_18, %run_scoped3A_213, %dma_wait3A_248] : memref<2x8x128xi32, #tpu.memory_space<vmem>> -> memref<1x1x128xi32, #tpu.memory_space<vmem>>
        %dma_wait3A_250 = tpu.memref_squeeze %dma_wait3A_249 : memref<1x1x128xi32, #tpu.memory_space<vmem>> -> memref<128xi32, #tpu.memory_space<vmem>>
        %dma_wait3A_251 = arith.constant 0 : i32
        %dma_wait3A_252 = arith.constant 0 : i32
        %dma_wait3A_253 = tpu.memref_slice %arg10[%dma_wait3A_251, %dma_wait3A_252] : memref<10112x128xf32, #tpu.memory_space<vmem_shared>> -> memref<10112x128xf32, #tpu.memory_space<vmem_shared>>
        tpu.wait_indirect_dma semaphore(%run_scoped3A_233 : memref<!tpu.dma_semaphore, #tpu.memory_space<semaphore_mem>>) src(%dma_wait3A_247 : memref<128x128xf32, #tpu.memory_space<vmem>>) dst(%dma_wait3A_253 : memref<10112x128xf32, #tpu.memory_space<vmem_shared>>)
        tpu.yield
      }) : () -> ()
      %dma_wait3A_214 = arith.constant 7 : i32
      %dma_wait3A_215 = arith.constant 1 : i32
      %dma_wait3A_216 = arith.constant 0 : i32
      %dma_wait3A_217 = arith.constant 0 : i32
      %dma_wait3A_218 = tpu.memref_slice %arg9[%dma_wait3A_215, %dma_wait3A_216, %dma_wait3A_217] : memref<2x128x128xf32, #tpu.memory_space<vmem>> -> memref<1x128x128xf32, #tpu.memory_space<vmem>>
      %dma_wait3A_219 = tpu.memref_squeeze %dma_wait3A_218 : memref<1x128x128xf32, #tpu.memory_space<vmem>> -> memref<128x128xf32, #tpu.memory_space<vmem>>
      %dma_wait3A_220 = arith.constant 0 : i32
      %dma_wait3A_221 = tpu.memref_slice %arg7[%rem3A_18, %dma_wait3A_214, %dma_wait3A_220] : memref<2x8x128xi32, #tpu.memory_space<vmem>> -> memref<1x1x128xi32, #tpu.memory_space<vmem>>
      %dma_wait3A_222 = tpu.memref_squeeze %dma_wait3A_221 : memref<1x1x128xi32, #tpu.memory_space<vmem>> -> memref<128xi32, #tpu.memory_space<vmem>>
      %dma_wait3A_223 = arith.constant 0 : i32
      %dma_wait3A_224 = arith.constant 0 : i32
      %dma_wait3A_225 = tpu.memref_slice %arg2[%dma_wait3A_223, %dma_wait3A_224] : memref<10240x128xf32, #tpu.memory_space<hbm>> -> memref<10240x128xf32, #tpu.memory_space<hbm>>
      tpu.wait_indirect_dma semaphore(%arg12 : memref<!tpu.dma_semaphore, #tpu.memory_space<semaphore_mem>>) src(%dma_wait3A_225 : memref<10240x128xf32, #tpu.memory_space<hbm>>) dst(%dma_wait3A_219 : memref<128x128xf32, #tpu.memory_space<vmem>>)
      %run_scoped3A_226 = arith.constant 1 : i32
      %run_scoped3A_227 = arith.constant 7 : i32
      "tpu.region"() ({
        %run_scoped3A_233 = tpu.sem_alloc : memref<!tpu.dma_semaphore, #tpu.memory_space<semaphore_mem>>
        %dma_start3A_234 = arith.constant 0 : i32
        %dma_start3A_235 = arith.constant 0 : i32
        %dma_start3A_236 = tpu.memref_slice %arg9[%run_scoped3A_226, %dma_start3A_234, %dma_start3A_235] : memref<2x128x128xf32, #tpu.memory_space<vmem>> -> memref<1x128x128xf32, #tpu.memory_space<vmem>>
        %dma_start3A_237 = tpu.memref_squeeze %dma_start3A_236 : memref<1x128x128xf32, #tpu.memory_space<vmem>> -> memref<128x128xf32, #tpu.memory_space<vmem>>
        %dma_start3A_238 = arith.constant 0 : i32
        %dma_start3A_239 = tpu.memref_slice %arg8[%rem3A_18, %run_scoped3A_227, %dma_start3A_238] : memref<2x8x128xi32, #tpu.memory_space<vmem>> -> memref<1x1x128xi32, #tpu.memory_space<vmem>>
        %dma_start3A_240 = tpu.memref_squeeze %dma_start3A_239 : memref<1x1x128xi32, #tpu.memory_space<vmem>> -> memref<128xi32, #tpu.memory_space<vmem>>
        %dma_start3A_241 = arith.constant 0 : i32
        %dma_start3A_242 = arith.constant 0 : i32
        %dma_start3A_243 = tpu.memref_slice %arg10[%dma_start3A_241, %dma_start3A_242] : memref<10112x128xf32, #tpu.memory_space<vmem_shared>> -> memref<10112x128xf32, #tpu.memory_space<vmem_shared>>
        tpu.enqueue_indirect_dma source(%dma_start3A_237 : memref<128x128xf32, #tpu.memory_space<vmem>>) target(%dma_start3A_243 : memref<10112x128xf32, #tpu.memory_space<vmem_shared>>) offsets(%dma_start3A_240 : memref<128xi32, #tpu.memory_space<vmem>>) semaphore(%run_scoped3A_233 : memref<!tpu.dma_semaphore, #tpu.memory_space<semaphore_mem>>) {add = true}
        %dma_wait3A_244 = arith.constant 0 : i32
        %dma_wait3A_245 = arith.constant 0 : i32
        %dma_wait3A_246 = tpu.memref_slice %arg9[%run_scoped3A_226, %dma_wait3A_244, %dma_wait3A_245] : memref<2x128x128xf32, #tpu.memory_space<vmem>> -> memref<1x128x128xf32, #tpu.memory_space<vmem>>
        %dma_wait3A_247 = tpu.memref_squeeze %dma_wait3A_246 : memref<1x128x128xf32, #tpu.memory_space<vmem>> -> memref<128x128xf32, #tpu.memory_space<vmem>>
        %dma_wait3A_248 = arith.constant 0 : i32
        %dma_wait3A_249 = tpu.memref_slice %arg8[%rem3A_18, %run_scoped3A_227, %dma_wait3A_248] : memref<2x8x128xi32, #tpu.memory_space<vmem>> -> memref<1x1x128xi32, #tpu.memory_space<vmem>>
        %dma_wait3A_250 = tpu.memref_squeeze %dma_wait3A_249 : memref<1x1x128xi32, #tpu.memory_space<vmem>> -> memref<128xi32, #tpu.memory_space<vmem>>
        %dma_wait3A_251 = arith.constant 0 : i32
        %dma_wait3A_252 = arith.constant 0 : i32
        %dma_wait3A_253 = tpu.memref_slice %arg10[%dma_wait3A_251, %dma_wait3A_252] : memref<10112x128xf32, #tpu.memory_space<vmem_shared>> -> memref<10112x128xf32, #tpu.memory_space<vmem_shared>>
        tpu.wait_indirect_dma semaphore(%run_scoped3A_233 : memref<!tpu.dma_semaphore, #tpu.memory_space<semaphore_mem>>) src(%dma_wait3A_247 : memref<128x128xf32, #tpu.memory_space<vmem>>) dst(%dma_wait3A_253 : memref<10112x128xf32, #tpu.memory_space<vmem_shared>>)
        tpu.yield
      }) : () -> ()
      %lt3A_228 = arith.constant 9 : i32
      %lt3A_229 = arith.cmpi slt, %scan3A_17, %lt3A_228 : i32
      %convert_element_type3A_230 = arith.extui %lt3A_229 : i1 to i32
      %cond3A_231 = arith.constant 0 : i32
      %cond3A_232 = arith.cmpi ne, %convert_element_type3A_230, %cond3A_231 : i32
      scf.if %cond3A_232 {
        %add3A_233 = arith.constant 1 : i32
        %add3A_234 = arith.addi %scan3A_17, %add3A_233 : i32
        %mul3A_235 = arith.constant 8 : i32
        %mul3A_236 = arith.muli %add3A_234, %mul3A_235 : i32
        %multiple_of3A = tpu.assume_multiple %mul3A_236, 8 : i32
        %dma_wait3A_237 = arith.constant 0 : i32
        %dma_wait3A_238 = arith.constant 0 : i32
        %dma_wait3A_239 = tpu.memref_slice %arg7[%sub3A_19, %dma_wait3A_237, %dma_wait3A_238] : memref<2x8x128xi32, #tpu.memory_space<vmem>> -> memref<1x8x128xi32, #tpu.memory_space<vmem>>
        %dma_wait3A_240 = tpu.memref_squeeze %dma_wait3A_239 : memref<1x8x128xi32, #tpu.memory_space<vmem>> -> memref<8x128xi32, #tpu.memory_space<vmem>>
        %dma_wait3A_241 = arith.constant 0 : i32
        %dma_wait3A_242 = tpu.memref_slice %arg3[%add3A, %multiple_of3A, %dma_wait3A_241] : memref<32x80x128xi32, #tpu.memory_space<hbm>> -> memref<1x8x128xi32, #tpu.memory_space<hbm>>
        %dma_wait3A_243 = tpu.memref_squeeze %dma_wait3A_242 : memref<1x8x128xi32, #tpu.memory_space<hbm>> -> memref<8x128xi32, #tpu.memory_space<hbm>>
        %dma_wait3A_244 = arith.constant 0 : i32
        %dma_wait3A_245 = arith.constant 0 : i32
        %dma_wait3A_246 = tpu.memref_slice %arg7[%sub3A_19, %dma_wait3A_244, %dma_wait3A_245] : memref<2x8x128xi32, #tpu.memory_space<vmem>> -> memref<1x8x128xi32, #tpu.memory_space<vmem>>
        %dma_wait3A_247 = tpu.memref_squeeze %dma_wait3A_246 : memref<1x8x128xi32, #tpu.memory_space<vmem>> -> memref<8x128xi32, #tpu.memory_space<vmem>>
        %dma_wait3A_248 = arith.constant 0 : i32
        %dma_wait3A_249 = tpu.memref_slice %arg3[%add3A, %multiple_of3A, %dma_wait3A_248] : memref<32x80x128xi32, #tpu.memory_space<hbm>> -> memref<1x8x128xi32, #tpu.memory_space<hbm>>
        %dma_wait3A_250 = tpu.memref_squeeze %dma_wait3A_249 : memref<1x8x128xi32, #tpu.memory_space<hbm>> -> memref<8x128xi32, #tpu.memory_space<hbm>>
        tpu.wait_dma2 semaphore(%arg15 : memref<!tpu.dma_semaphore, #tpu.memory_space<semaphore_mem>>) src(%dma_wait3A_250 : memref<8x128xi32, #tpu.memory_space<hbm>>) dst(%dma_wait3A_247 : memref<8x128xi32, #tpu.memory_space<vmem>>)
        %dma_wait3A_251 = arith.constant 0 : i32
        %dma_wait3A_252 = arith.constant 0 : i32
        %dma_wait3A_253 = tpu.memref_slice %arg8[%sub3A_19, %dma_wait3A_251, %dma_wait3A_252] : memref<2x8x128xi32, #tpu.memory_space<vmem>> -> memref<1x8x128xi32, #tpu.memory_space<vmem>>
        %dma_wait3A_254 = tpu.memref_squeeze %dma_wait3A_253 : memref<1x8x128xi32, #tpu.memory_space<vmem>> -> memref<8x128xi32, #tpu.memory_space<vmem>>
        %dma_wait3A_255 = arith.constant 0 : i32
        %dma_wait3A_256 = tpu.memref_slice %arg4[%add3A, %multiple_of3A, %dma_wait3A_255] : memref<32x80x128xi32, #tpu.memory_space<hbm>> -> memref<1x8x128xi32, #tpu.memory_space<hbm>>
        %dma_wait3A_257 = tpu.memref_squeeze %dma_wait3A_256 : memref<1x8x128xi32, #tpu.memory_space<hbm>> -> memref<8x128xi32, #tpu.memory_space<hbm>>
        %dma_wait3A_258 = arith.constant 0 : i32
        %dma_wait3A_259 = arith.constant 0 : i32
        %dma_wait3A_260 = tpu.memref_slice %arg8[%sub3A_19, %dma_wait3A_258, %dma_wait3A_259] : memref<2x8x128xi32, #tpu.memory_space<vmem>> -> memref<1x8x128xi32, #tpu.memory_space<vmem>>
        %dma_wait3A_261 = tpu.memref_squeeze %dma_wait3A_260 : memref<1x8x128xi32, #tpu.memory_space<vmem>> -> memref<8x128xi32, #tpu.memory_space<vmem>>
        %dma_wait3A_262 = arith.constant 0 : i32
        %dma_wait3A_263 = tpu.memref_slice %arg4[%add3A, %multiple_of3A, %dma_wait3A_262] : memref<32x80x128xi32, #tpu.memory_space<hbm>> -> memref<1x8x128xi32, #tpu.memory_space<hbm>>
        %dma_wait3A_264 = tpu.memref_squeeze %dma_wait3A_263 : memref<1x8x128xi32, #tpu.memory_space<hbm>> -> memref<8x128xi32, #tpu.memory_space<hbm>>
        tpu.wait_dma2 semaphore(%arg15 : memref<!tpu.dma_semaphore, #tpu.memory_space<semaphore_mem>>) src(%dma_wait3A_264 : memref<8x128xi32, #tpu.memory_space<hbm>>) dst(%dma_wait3A_261 : memref<8x128xi32, #tpu.memory_space<vmem>>)
      } else {
      }
    }
    %scan3A_8 = arith.constant 10 : i32
    %barrier3A_9 = arith.constant 0 : index
    tpu.barrier barrier_id(%barrier3A_9)
    %mul3A_10 = arith.constant 632 : i32
    %mul3A_11 = arith.muli %arg1, %mul3A_10 : i32
    %mul3A_12 = arith.constant 10240 : i32
    %mul3A_13 = arith.muli %arg0, %mul3A_12 : i32
    %mul3A_14 = arith.constant 632 : i32
    %mul3A_15 = arith.muli %arg1, %mul3A_14 : i32
    %add3A_16 = arith.addi %mul3A_13, %mul3A_15 : i32
    "tpu.region"() ({
      %run_scoped3A_17 = tpu.sem_alloc : memref<!tpu.dma_semaphore, #tpu.memory_space<semaphore_mem>>
      %dma_start3A = arith.constant 0 : i32
      %dma_start3A_18 = tpu.memref_slice %arg6[%add3A_16, %dma_start3A] : memref<20480x128xf32, #tpu.memory_space<hbm>> -> memref<632x128xf32, #tpu.memory_space<hbm>>
      %dma_start3A_19 = arith.constant 0 : i32
      %dma_start3A_20 = tpu.memref_slice %arg10[%mul3A_11, %dma_start3A_19] : memref<10112x128xf32, #tpu.memory_space<vmem_shared>> -> memref<632x128xf32, #tpu.memory_space<vmem_shared>>
      tpu.enqueue_dma source(%dma_start3A_20 : memref<632x128xf32, #tpu.memory_space<vmem_shared>>) target(%dma_start3A_18 : memref<632x128xf32, #tpu.memory_space<hbm>>) target_semaphore(%run_scoped3A_17 : memref<!tpu.dma_semaphore, #tpu.memory_space<semaphore_mem>>)
      %dma_wait3A = arith.constant 0 : i32
      %dma_wait3A_21 = tpu.memref_slice %arg6[%add3A_16, %dma_wait3A] : memref<20480x128xf32, #tpu.memory_space<hbm>> -> memref<632x128xf32, #tpu.memory_space<hbm>>
      %dma_wait3A_22 = arith.constant 0 : i32
      %dma_wait3A_23 = tpu.memref_slice %arg10[%mul3A_11, %dma_wait3A_22] : memref<10112x128xf32, #tpu.memory_space<vmem_shared>> -> memref<632x128xf32, #tpu.memory_space<vmem_shared>>
      tpu.wait_dma2 semaphore(%run_scoped3A_17 : memref<!tpu.dma_semaphore, #tpu.memory_space<semaphore_mem>>) src(%dma_wait3A_23 : memref<632x128xf32, #tpu.memory_space<vmem_shared>>) dst(%dma_wait3A_21 : memref<632x128xf32, #tpu.memory_space<hbm>>)
      tpu.yield
    }) : () -> ()
    return
  }
}

module attributes {stable_mosaic.version = 14 : i64} {
  func.func @_norms_body(%arg0: i32, %arg1: memref<64x1024xf32, #tpu.memory_space<vmem>>, %arg2: memref<1024x128xf32, #tpu.memory_space<vmem>>, %arg3: memref<1024x128xf32, #tpu.memory_space<vmem>>) attributes {dimension_semantics = [#tpu.dimension_semantics<arbitrary>], iteration_bounds = array<i64: 10>, scalar_prefetch = 0 : i64, scratch_operands = 0 : i64, tpu.core_type = #tpu.core_type<tc>, window_params = [{transform_indices = @transform_0, window_bounds = array<i64: 64, 1024>}, {transform_indices = @transform_1, window_bounds = array<i64: 1024, 128>}, {transform_indices = @transform_2, window_bounds = array<i64: 1024, 128>}]} {
    %get3A = arith.constant 0 : index
    %get3A_0 = arith.constant 0 : index
    %get3A_1 = vector.load %arg1[%get3A, %get3A_0] : memref<64x1024xf32, #tpu.memory_space<vmem>>, vector<64x1024xf32>
    %slice3A = vector.extract_strided_slice %get3A_1 {offsets = [0, 0], sizes = [32, 1024], strides = [1, 1]} : vector<64x1024xf32> to vector<32x1024xf32>
    %reduce_sum3A = arith.constant dense<0.000000e+00> : vector<1024xf32>
    %reduce_sum3A_2 = vector.multi_reduction <add>, %slice3A, %reduce_sum3A [0] : vector<32x1024xf32> to vector<1024xf32>
    %broadcast_in_dim3A = vector.shape_cast %reduce_sum3A_2 : vector<1024xf32> to vector<1x1024xf32>
    %slice3A_3 = vector.extract_strided_slice %get3A_1 {offsets = [32, 0], sizes = [32, 1024], strides = [1, 1]} : vector<64x1024xf32> to vector<32x1024xf32>
    %reduce_sum3A_4 = arith.constant dense<0.000000e+00> : vector<1024xf32>
    %reduce_sum3A_5 = vector.multi_reduction <add>, %slice3A_3, %reduce_sum3A_4 [0] : vector<32x1024xf32> to vector<1024xf32>
    %broadcast_in_dim3A_6 = vector.shape_cast %reduce_sum3A_5 : vector<1024xf32> to vector<1x1024xf32>
    %gt3A = arith.constant 0.000000e+00 : f32
    %gt3A_7 = vector.broadcast %gt3A : f32 to vector<1x1024xf32>
    %gt3A_8 = arith.cmpf ogt, %broadcast_in_dim3A, %gt3A_7 : vector<1x1024xf32>
    %rsqrt3A = math.rsqrt %broadcast_in_dim3A : vector<1x1024xf32>
    %jit3A = arith.constant 0.000000e+00 : f32
    %broadcast_in_dim3A_9 = vector.broadcast %jit3A : f32 to vector<1x1024xf32>
    %select_n3A = arith.select %gt3A_8, %rsqrt3A, %broadcast_in_dim3A_9 : vector<1x1024xi1>, vector<1x1024xf32>
    %gt3A_10 = arith.constant 0.000000e+00 : f32
    %gt3A_11 = vector.broadcast %gt3A_10 : f32 to vector<1x1024xf32>
    %gt3A_12 = arith.cmpf ogt, %broadcast_in_dim3A_6, %gt3A_11 : vector<1x1024xf32>
    %rsqrt3A_13 = math.rsqrt %broadcast_in_dim3A_6 : vector<1x1024xf32>
    %jit3A_14 = arith.constant 0.000000e+00 : f32
    %broadcast_in_dim3A_15 = vector.broadcast %jit3A_14 : f32 to vector<1x1024xf32>
    %select_n3A_16 = arith.select %gt3A_12, %rsqrt3A_13, %broadcast_in_dim3A_15 : vector<1x1024xi1>, vector<1x1024xf32>
    %transpose3A = tpu.transpose %select_n3A, [1, 0] : vector<1x1024xf32> -> vector<1024x1xf32>
    %transpose3A_17 = tpu.transpose %select_n3A_16, [1, 0] : vector<1x1024xf32> -> vector<1024x1xf32>
    %broadcast_in_dim3A_18 = vector.shape_cast %transpose3A : vector<1024x1xf32> to vector<1024x1xf32>
    %broadcast_in_dim3A_19 = vector.broadcast %broadcast_in_dim3A_18 : vector<1024x1xf32> to vector<1024x128xf32>
    %swap3A = arith.constant 0 : index
    %swap3A_20 = arith.constant 0 : index
    %swap3A_21 = vector.load %arg2[%swap3A, %swap3A_20] : memref<1024x128xf32, #tpu.memory_space<vmem>>, vector<1024x128xf32>
    tpu.vector_store %arg2[%swap3A, %swap3A_20], %broadcast_in_dim3A_19 {strides = array<i32>} : memref<1024x128xf32, #tpu.memory_space<vmem>>, vector<1024x128xf32>,
    %broadcast_in_dim3A_22 = vector.shape_cast %transpose3A_17 : vector<1024x1xf32> to vector<1024x1xf32>
    %broadcast_in_dim3A_23 = vector.broadcast %broadcast_in_dim3A_22 : vector<1024x1xf32> to vector<1024x128xf32>
    %swap3A_24 = arith.constant 0 : index
    %swap3A_25 = arith.constant 0 : index
    %swap3A_26 = vector.load %arg3[%swap3A_24, %swap3A_25] : memref<1024x128xf32, #tpu.memory_space<vmem>>, vector<1024x128xf32>
    tpu.vector_store %arg3[%swap3A_24, %swap3A_25], %broadcast_in_dim3A_23 {strides = array<i32>} : memref<1024x128xf32, #tpu.memory_space<vmem>>, vector<1024x128xf32>,
    return
  }
  func.func @transform_0(%arg0: i32) -> (i32, i32) {
    %c0_i32 = arith.constant 0 : i32
    %c0_i32_0 = arith.constant 0 : i32
    return %c0_i32, %arg0 : i32, i32
  }
  func.func @transform_1(%arg0: i32) -> (i32, i32) {
    %c0_i32 = arith.constant 0 : i32
    %c0_i32_0 = arith.constant 0 : i32
    return %arg0, %c0_i32 : i32, i32
  }
  func.func @transform_2(%arg0: i32) -> (i32, i32) {
    %c0_i32 = arith.constant 0 : i32
    %c0_i32_0 = arith.constant 0 : i32
    return %arg0, %c0_i32 : i32, i32
  }
}

module attributes {stable_mosaic.version = 14 : i64} {
  func.func @_mm1_body(%arg0: i32, %arg1: memref<1024x128xf32, #tpu.memory_space<vmem>>, %arg2: memref<128x128xf32, #tpu.memory_space<vmem>>, %arg3: memref<1024x128xf32, #tpu.memory_space<vmem>>, %arg4: memref<1024x128xf32, #tpu.memory_space<vmem>>) attributes {dimension_semantics = [#tpu.dimension_semantics<arbitrary>], iteration_bounds = array<i64: 10>, scalar_prefetch = 0 : i64, scratch_operands = 0 : i64, tpu.core_type = #tpu.core_type<tc>, window_params = [{transform_indices = @transform_0, window_bounds = array<i64: 1024, 128>}, {pipeline_mode = #tpu.pipeline_mode<synchronous>, transform_indices = @transform_1, window_bounds = array<i64: 128, 128>}, {transform_indices = @transform_2, window_bounds = array<i64: 1024, 128>}, {transform_indices = @transform_3, window_bounds = array<i64: 1024, 128>}]} {
    %get3A = arith.constant 0 : index
    %get3A_0 = arith.constant 0 : index
    %get3A_1 = vector.load %arg1[%get3A, %get3A_0] : memref<1024x128xf32, #tpu.memory_space<vmem>>, vector<1024x128xf32>
    %get3A_2 = arith.constant 0 : index
    %get3A_3 = arith.constant 0 : index
    %get3A_4 = vector.load %arg2[%get3A_2, %get3A_3] : memref<128x128xf32, #tpu.memory_space<vmem>>, vector<128x128xf32>
    %dot_general3A = arith.constant dense<0.000000e+00> : vector<1024x128xf32>
    %dot_general3A_5 = tpu.matmul %get3A_1, %get3A_4, %dot_general3A {dimension_numbers = #tpu.dot_dimension_numbers<[1], [0], [0], [1], [0, 0, 1, 1], [], []>, transpose_lhs_hint = false} : vector<1024x128xf32>, vector<128x128xf32>, vector<1024x128xf32> -> vector<1024x128xf32>
    %get3A_6 = arith.constant 0 : index
    %get3A_7 = arith.constant 0 : index
    %get3A_8 = vector.load %arg3[%get3A_6, %get3A_7] : memref<1024x128xf32, #tpu.memory_space<vmem>>, vector<1024x128xf32>
    %mul3A = arith.mulf %dot_general3A_5, %get3A_8 : vector<1024x128xf32>
    %swap3A = arith.constant 0 : index
    %swap3A_9 = arith.constant 0 : index
    %swap3A_10 = vector.load %arg4[%swap3A, %swap3A_9] : memref<1024x128xf32, #tpu.memory_space<vmem>>, vector<1024x128xf32>
    tpu.vector_store %arg4[%swap3A, %swap3A_9], %mul3A {strides = array<i32>} : memref<1024x128xf32, #tpu.memory_space<vmem>>, vector<1024x128xf32>,
    return
  }
  func.func @transform_0(%arg0: i32) -> (i32, i32) {
    %c0_i32 = arith.constant 0 : i32
    %c0_i32_0 = arith.constant 0 : i32
    return %arg0, %c0_i32 : i32, i32
  }
  func.func @transform_1(%arg0: i32) -> (i32, i32) {
    %c0_i32 = arith.constant 0 : i32
    %c0_i32_0 = arith.constant 0 : i32
    %c0_i32_1 = arith.constant 0 : i32
    return %c0_i32, %c0_i32_0 : i32, i32
  }
  func.func @transform_2(%arg0: i32) -> (i32, i32) {
    %c0_i32 = arith.constant 0 : i32
    %c0_i32_0 = arith.constant 0 : i32
    return %arg0, %c0_i32 : i32, i32
  }
  func.func @transform_3(%arg0: i32) -> (i32, i32) {
    %c0_i32 = arith.constant 0 : i32
    %c0_i32_0 = arith.constant 0 : i32
    return %arg0, %c0_i32 : i32, i32
  }
}

module attributes {stable_mosaic.version = 14 : i64} {
  func.func @_fin_body(%arg0: memref<20480x128xf32, #tpu.memory_space<vmem>>, %arg1: memref<10240x128xf32, #tpu.memory_space<vmem>>, %arg2: memref<1x128xf32, #tpu.memory_space<vmem>>, %arg3: memref<1x128xf32, #tpu.memory_space<vmem>>, %arg4: memref<128x512xf32, #tpu.memory_space<vmem>>, %arg5: memref<1x512xf32, #tpu.memory_space<vmem>>, %arg6: memref<512x256xf32, #tpu.memory_space<vmem>>, %arg7: memref<1x256xf32, #tpu.memory_space<vmem>>, %arg8: memref<1x256xf32, #tpu.memory_space<vmem>>) attributes {dimension_semantics = [], scalar_prefetch = 0 : i64, scratch_operands = 0 : i64, tpu.core_type = #tpu.core_type<tc>} {
    %get3A = arith.constant 0 : index
    %get3A_0 = arith.constant 0 : index
    %get3A_1 = vector.load %arg0[%get3A, %get3A_0] : memref<20480x128xf32, #tpu.memory_space<vmem>>, vector<10240x128xf32>
    %get3A_2 = arith.constant 10240 : index
    %get3A_3 = arith.constant 0 : index
    %get3A_4 = vector.load %arg0[%get3A_2, %get3A_3] : memref<20480x128xf32, #tpu.memory_space<vmem>>, vector<10240x128xf32>
    %add3A = arith.addf %get3A_1, %get3A_4 : vector<10240x128xf32>
    %get3A_5 = arith.constant 0 : index
    %get3A_6 = arith.constant 0 : index
    %get3A_7 = vector.load %arg1[%get3A_5, %get3A_6] : memref<10240x128xf32, #tpu.memory_space<vmem>>, vector<10240x128xf32>
    %mul3A = arith.mulf %add3A, %get3A_7 : vector<10240x128xf32>
    %get3A_8 = arith.constant 0 : index
    %get3A_9 = arith.constant 0 : index
    %get3A_10 = vector.load %arg2[%get3A_8, %get3A_9] : memref<1x128xf32, #tpu.memory_space<vmem>>, vector<1x128xf32>
    %mul3A_11 = vector.broadcast %get3A_10 : vector<1x128xf32> to vector<10240x128xf32>
    %mul3A_12 = arith.mulf %mul3A, %mul3A_11 : vector<10240x128xf32>
    %get3A_13 = arith.constant 0 : index
    %get3A_14 = arith.constant 0 : index
    %get3A_15 = vector.load %arg3[%get3A_13, %get3A_14] : memref<1x128xf32, #tpu.memory_space<vmem>>, vector<1x128xf32>
    %add3A_16 = vector.broadcast %get3A_15 : vector<1x128xf32> to vector<10240x128xf32>
    %add3A_17 = arith.addf %mul3A_12, %add3A_16 : vector<10240x128xf32>
    %max3A = arith.constant 0.000000e+00 : f32
    %max3A_18 = vector.broadcast %max3A : f32 to vector<10240x128xf32>
    %max3A_19 = arith.maximumf %add3A_17, %max3A_18 : vector<10240x128xf32>
    %iota3A = tpu.iota {dimensions = array<i32: 0>} : vector<10240x1xi32>
    %lt3A = arith.constant 10000 : i32
    %lt3A_20 = vector.broadcast %lt3A : i32 to vector<10240x1xi32>
    %lt3A_21 = arith.cmpi slt, %iota3A, %lt3A_20 : vector<10240x1xi32>
    %jit3A = arith.constant 0xFF800000 : f32
    %broadcast_in_dim3A = vector.shape_cast %lt3A_21 : vector<10240x1xi1> to vector<10240x1xi1>
    %broadcast_in_dim3A_22 = vector.broadcast %broadcast_in_dim3A : vector<10240x1xi1> to vector<10240x128xi1>
    %broadcast_in_dim3A_23 = vector.broadcast %jit3A : f32 to vector<10240x128xf32>
    %select_n3A = arith.select %broadcast_in_dim3A_22, %max3A_19, %broadcast_in_dim3A_23 : vector<10240x128xi1>, vector<10240x128xf32>
    %reduce_max3A = arith.constant dense<0xFF800000> : vector<128xf32>
    %reduce_max3A_24 = vector.multi_reduction <maximumf>, %select_n3A, %reduce_max3A [0] : vector<10240x128xf32> to vector<128xf32>
    %broadcast_in_dim3A_25 = vector.shape_cast %reduce_max3A_24 : vector<128xf32> to vector<1x128xf32>
    %broadcast_in_dim3A_26 = vector.shape_cast %broadcast_in_dim3A_25 : vector<1x128xf32> to vector<1x128xf32>
    %broadcast_in_dim3A_27 = vector.broadcast %broadcast_in_dim3A_26 : vector<1x128xf32> to vector<8x128xf32>
    %get3A_28 = arith.constant 0 : index
    %get3A_29 = arith.constant 0 : index
    %get3A_30 = vector.load %arg4[%get3A_28, %get3A_29] : memref<128x512xf32, #tpu.memory_space<vmem>>, vector<128x512xf32>
    %dot_general3A = arith.constant dense<0.000000e+00> : vector<8x512xf32>
    %dot_general3A_31 = tpu.matmul %broadcast_in_dim3A_27, %get3A_30, %dot_general3A {dimension_numbers = #tpu.dot_dimension_numbers<[1], [0], [0], [1], [0, 0, 1, 1], [], []>, transpose_lhs_hint = false} : vector<8x128xf32>, vector<128x512xf32>, vector<8x512xf32> -> vector<8x512xf32>
    %get3A_32 = arith.constant 0 : index
    %get3A_33 = arith.constant 0 : index
    %get3A_34 = vector.load %arg5[%get3A_32, %get3A_33] : memref<1x512xf32, #tpu.memory_space<vmem>>, vector<1x512xf32>
    %add3A_35 = vector.broadcast %get3A_34 : vector<1x512xf32> to vector<8x512xf32>
    %add3A_36 = arith.addf %dot_general3A_31, %add3A_35 : vector<8x512xf32>
    %max3A_37 = arith.constant 0.000000e+00 : f32
    %max3A_38 = vector.broadcast %max3A_37 : f32 to vector<8x512xf32>
    %max3A_39 = arith.maximumf %add3A_36, %max3A_38 : vector<8x512xf32>
    %get3A_40 = arith.constant 0 : index
    %get3A_41 = arith.constant 0 : index
    %get3A_42 = vector.load %arg6[%get3A_40, %get3A_41] : memref<512x256xf32, #tpu.memory_space<vmem>>, vector<512x256xf32>
    %dot_general3A_43 = arith.constant dense<0.000000e+00> : vector<8x256xf32>
    %dot_general3A_44 = tpu.matmul %max3A_39, %get3A_42, %dot_general3A_43 {dimension_numbers = #tpu.dot_dimension_numbers<[1], [0], [0], [1], [0, 0, 1, 1], [], []>, transpose_lhs_hint = false} : vector<8x512xf32>, vector<512x256xf32>, vector<8x256xf32> -> vector<8x256xf32>
    %get3A_45 = arith.constant 0 : index
    %get3A_46 = arith.constant 0 : index
    %get3A_47 = vector.load %arg7[%get3A_45, %get3A_46] : memref<1x256xf32, #tpu.memory_space<vmem>>, vector<1x256xf32>
    %add3A_48 = vector.broadcast %get3A_47 : vector<1x256xf32> to vector<8x256xf32>
    %add3A_49 = arith.addf %dot_general3A_44, %add3A_48 : vector<8x256xf32>
    %slice3A = vector.extract_strided_slice %add3A_49 {offsets = [0, 0], sizes = [1, 256], strides = [1, 1]} : vector<8x256xf32> to vector<1x256xf32>
    %swap3A = arith.constant 0 : index
    %swap3A_50 = arith.constant 0 : index
    %swap3A_51 = vector.load %arg8[%swap3A, %swap3A_50] : memref<1x256xf32, #tpu.memory_space<vmem>>, vector<1x256xf32>
    tpu.vector_store %arg8[%swap3A, %swap3A_50], %slice3A {strides = array<i32>} : memref<1x256xf32, #tpu.memory_space<vmem>>, vector<1x256xf32>,
    return
  }
}

module attributes {stable_mosaic.version = 14 : i64} {
  func.func @_mid_body(%arg0: i32, %arg1: memref<1024x128xf32, #tpu.memory_space<vmem>>, %arg2: memref<1024x128xf32, #tpu.memory_space<vmem>>, %arg3: memref<1024x128xf32, #tpu.memory_space<vmem>>, %arg4: memref<1024x128xf32, #tpu.memory_space<vmem>>, %arg5: memref<1x128xf32, #tpu.memory_space<vmem>>, %arg6: memref<1x128xf32, #tpu.memory_space<vmem>>, %arg7: memref<128x128xf32, #tpu.memory_space<vmem>>, %arg8: memref<1024x128xf32, #tpu.memory_space<vmem>>) attributes {dimension_semantics = [#tpu.dimension_semantics<arbitrary>], iteration_bounds = array<i64: 10>, scalar_prefetch = 0 : i64, scratch_operands = 0 : i64, tpu.core_type = #tpu.core_type<tc>, window_params = [{transform_indices = @transform_0, window_bounds = array<i64: 1024, 128>}, {transform_indices = @transform_1, window_bounds = array<i64: 1024, 128>}, {transform_indices = @transform_2, window_bounds = array<i64: 1024, 128>}, {transform_indices = @transform_3, window_bounds = array<i64: 1024, 128>}, {pipeline_mode = #tpu.pipeline_mode<synchronous>, transform_indices = @transform_4, window_bounds = array<i64: 1, 128>}, {pipeline_mode = #tpu.pipeline_mode<synchronous>, transform_indices = @transform_5, window_bounds = array<i64: 1, 128>}, {pipeline_mode = #tpu.pipeline_mode<synchronous>, transform_indices = @transform_6, window_bounds = array<i64: 128, 128>}, {transform_indices = @transform_7, window_bounds = array<i64: 1024, 128>}]} {
    %get3A = arith.constant 0 : index
    %get3A_0 = arith.constant 0 : index
    %get3A_1 = vector.load %arg1[%get3A, %get3A_0] : memref<1024x128xf32, #tpu.memory_space<vmem>>, vector<1024x128xf32>
    %get3A_2 = arith.constant 0 : index
    %get3A_3 = arith.constant 0 : index
    %get3A_4 = vector.load %arg2[%get3A_2, %get3A_3] : memref<1024x128xf32, #tpu.memory_space<vmem>>, vector<1024x128xf32>
    %add3A = arith.addf %get3A_1, %get3A_4 : vector<1024x128xf32>
    %get3A_5 = arith.constant 0 : index
    %get3A_6 = arith.constant 0 : index
    %get3A_7 = vector.load %arg3[%get3A_5, %get3A_6] : memref<1024x128xf32, #tpu.memory_space<vmem>>, vector<1024x128xf32>
    %mul3A = arith.mulf %add3A, %get3A_7 : vector<1024x128xf32>
    %get3A_8 = arith.constant 0 : index
    %get3A_9 = arith.constant 0 : index
    %get3A_10 = vector.load %arg5[%get3A_8, %get3A_9] : memref<1x128xf32, #tpu.memory_space<vmem>>, vector<1x128xf32>
    %mul3A_11 = vector.broadcast %get3A_10 : vector<1x128xf32> to vector<1024x128xf32>
    %mul3A_12 = arith.mulf %mul3A, %mul3A_11 : vector<1024x128xf32>
    %get3A_13 = arith.constant 0 : index
    %get3A_14 = arith.constant 0 : index
    %get3A_15 = vector.load %arg6[%get3A_13, %get3A_14] : memref<1x128xf32, #tpu.memory_space<vmem>>, vector<1x128xf32>
    %add3A_16 = vector.broadcast %get3A_15 : vector<1x128xf32> to vector<1024x128xf32>
    %add3A_17 = arith.addf %mul3A_12, %add3A_16 : vector<1024x128xf32>
    %max3A = arith.constant 0.000000e+00 : f32
    %max3A_18 = vector.broadcast %max3A : f32 to vector<1024x128xf32>
    %max3A_19 = arith.maximumf %add3A_17, %max3A_18 : vector<1024x128xf32>
    %get3A_20 = arith.constant 0 : index
    %get3A_21 = arith.constant 0 : index
    %get3A_22 = vector.load %arg7[%get3A_20, %get3A_21] : memref<128x128xf32, #tpu.memory_space<vmem>>, vector<128x128xf32>
    %dot_general3A = arith.constant dense<0.000000e+00> : vector<1024x128xf32>
    %dot_general3A_23 = tpu.matmul %max3A_19, %get3A_22, %dot_general3A {dimension_numbers = #tpu.dot_dimension_numbers<[1], [0], [0], [1], [0, 0, 1, 1], [], []>, transpose_lhs_hint = false} : vector<1024x128xf32>, vector<128x128xf32>, vector<1024x128xf32> -> vector<1024x128xf32>
    %get3A_24 = arith.constant 0 : index
    %get3A_25 = arith.constant 0 : index
    %get3A_26 = vector.load %arg4[%get3A_24, %get3A_25] : memref<1024x128xf32, #tpu.memory_space<vmem>>, vector<1024x128xf32>
    %mul3A_27 = arith.mulf %dot_general3A_23, %get3A_26 : vector<1024x128xf32>
    %swap3A = arith.constant 0 : index
    %swap3A_28 = arith.constant 0 : index
    %swap3A_29 = vector.load %arg8[%swap3A, %swap3A_28] : memref<1024x128xf32, #tpu.memory_space<vmem>>, vector<1024x128xf32>
    tpu.vector_store %arg8[%swap3A, %swap3A_28], %mul3A_27 {strides = array<i32>} : memref<1024x128xf32, #tpu.memory_space<vmem>>, vector<1024x128xf32>,
    return
  }
  func.func @transform_0(%arg0: i32) -> (i32, i32) {
    %c0_i32 = arith.constant 0 : i32
    %c0_i32_0 = arith.constant 0 : i32
    return %arg0, %c0_i32 : i32, i32
  }
  func.func @transform_1(%arg0: i32) -> (i32, i32) {
    %add3A = arith.constant 10 : i32
    %add3A_0 = arith.addi %arg0, %add3A : i32
    %c0_i32 = arith.constant 0 : i32
    %c0_i32_1 = arith.constant 0 : i32
    return %add3A_0, %c0_i32 : i32, i32
  }
  func.func @transform_2(%arg0: i32) -> (i32, i32) {
    %c0_i32 = arith.constant 0 : i32
    %c0_i32_0 = arith.constant 0 : i32
    return %arg0, %c0_i32 : i32, i32
  }
  func.func @transform_3(%arg0: i32) -> (i32, i32) {
    %c0_i32 = arith.constant 0 : i32
    %c0_i32_0 = arith.constant 0 : i32
    return %arg0, %c0_i32 : i32, i32
  }
  func.func @transform_4(%arg0: i32) -> (i32, i32) {
    %c0_i32 = arith.constant 0 : i32
    %c0_i32_0 = arith.constant 0 : i32
    %c0_i32_1 = arith.constant 0 : i32
    return %c0_i32, %c0_i32_0 : i32, i32
  }
  func.func @transform_5(%arg0: i32) -> (i32, i32) {
    %c0_i32 = arith.constant 0 : i32
    %c0_i32_0 = arith.constant 0 : i32
    %c0_i32_1 = arith.constant 0 : i32
    return %c0_i32, %c0_i32_0 : i32, i32
  }
  func.func @transform_6(%arg0: i32) -> (i32, i32) {
    %c0_i32 = arith.constant 0 : i32
    %c0_i32_0 = arith.constant 0 : i32
    %c0_i32_1 = arith.constant 0 : i32
    return %c0_i32, %c0_i32_0 : i32, i32
  }
  func.func @transform_7(%arg0: i32) -> (i32, i32) {
    %c0_i32 = arith.constant 0 : i32
    %c0_i32_0 = arith.constant 0 : i32
    return %arg0, %c0_i32 : i32, i32
  }
}

</mosaic_0001>

<sc_bundles>
// kernel: kernel.12.cloned.1.call-start
scs
__scs_entry_jumppad:
0x0: {  	(pc) =	sbr.rel $0x88, $3  }
0x1: {  	(tag) =	ssettag $0x0;
	lr =	simm.s32 $0x1  }
0x2: {  	[smem:$0x3F93] =	sst lr;
	_ =	strace $0xD0000000  }
0x3: {  	_ = 	snop  }
0x4: {  	_ = 	snop  }
0x5: {  	_ = 	snop  }
0x6: {  	_ = 	snop  }
0x7: {  	_ = 	snop  }
__scs_overlays_trampoline_lowered:
0x8: {  	[smem:$0x3FA2] =	sst s0  }
0x9: {  	[smem:$0x3FA3] =	sst s1  }
0xa: {  	[smem:$0x3FA4] =	sst s2  }
0xb: {  	[smem:$0x3FA5] =	sst s3  }
0xc: {  	[smem:$0x3FA6] =	sst s4  }
0xd: {  	[smem:$0x3FA7] =	sst s5  }
0xe: {  	[smem:$0x3FA8] =	sst s6  }
0xf: {  	[smem:$0x3FA9] =	sst s7  }
0x10: {  	[smem:$0x3FAA] =	sst s8  }
0x11: {  	[smem:$0x3FAB] =	sst s9;
	s0 =	simm.s32 @!p0 $0x0  }
0x12: {  	s1 =	sld [smem:$0x3F91];
	s0 =	simm.s32 @p0 $0x1  }
0x13: {  	[smem:$0x3FAC] =	sst s0;
	s0 =	simm.s32 @!p1 $0x0  }
0x14: {  	s2 =	sld [smem:$0x3F90];
	s0 =	simm.s32 @p1 $0x1  }
0x15: {  	[smem:$0x3FAD] =	sst s0;
	s0 =	simm.s32 @!p2 $0x0  }
0x16: {  	s3 =	sld [smem:$0x3FDB];
	s0 =	simm.s32 @p2 $0x1  }
0x17: {  	s4 =	simm.s32 $0x1BF5;
	[smem:$0x3FAF] =	sst s0  }
0x18: {  	s0 =	sld [smem:$0x3F92];
	_ =	swait.ge [sflag:s4], $0x0  }
0x19: {  	s7 =	sld [smem:$0x3F93]  }
0x1a: {  	s8 =	sadd.s32 $0xFFFFE003, lr  }
0x1b: {  	s9 =	sadd.s32 $0xFFFFFEF7, lr;
	s5 =	simm.s32 $0xFFFFFFFF;
	p2 =	slt.u32 s8, $0xFFFFF086  }
0x1c: {  	p1 =	slt.u32 s9, $0xF7A;
	s5 =	simm.s32 @!p2 $0x0  }
0x1d: {  	s5 =	simm.s32 @p1 $0x1;
	p0 =	seq.s32 s7, s2  }
0x1e: {  	s7 =	smul.u32 @!p0 $0xF7A, s2;
	p2 =	seq.s32 @!p0 s5, $0x0  }
0x1f: {  	s9 =	smul.u32 $0xF7A, s1;
	s8 =	simm.s32 @!p0 $0x1BF5;
	p2 =	por !p2, p0  }
0x20: {  	[sflag:s8] =	ssyncset.s32 @!p0 $0xFFFFF086;
	s6 =	sadd.s32 @!p0 s3, s7;
	s7 =	simm.s32 @!p0 $0x108  }
0x21: {  	s3 =	sadd.s32 s3, s9;
	s6 =	sadd.s32 @!p0 $0x88, s6;
	s7 =	simm.s32 @p2 $0x1082  }
0x22: {  	[simem:s7], [sflag:s8] =	dma.local @!p0 [hbm:s6], $0xF7A  }
0x23: {  	s9 =	sor.u32 $0xD0000000, s2;
	s6 =	simm.s32 $0x108;
	_ =	swait.ge @!p0 [sflag:s8], $0x0  }
0x24: {  	s3 =	sadd.s32 $0x88, s3;
	s6 =	simm.s32 @!p1 $0x1082;
	[sflag:s4] =	ssyncset.s32 $0xFFFFF086  }
0x25: {  	[simem:s6], [sflag:s4] =	dma.local [hbm:s3], $0xF7A  }
0x26: {  	[smem:$0x3F93] =	sst s1;
	(tag) =	ssettag s2;
	_ =	strace s9  }
0x27: {  	s1 =	sld [smem:$0x3FA3]  }
0x28: {  	s2 =	sld [smem:$0x3FA4]  }
0x29: {  	s4 =	sld [smem:$0x3FA6]  }
0x2a: {  	p0 =	seq.s32 s5, $0x0;
	s5 =	sld [smem:$0x3FA7]  }
0x2b: {  	s6 =	sld [smem:$0x3FA8]  }
0x2c: {  	s7 =	sld [smem:$0x3FA9]  }
0x2d: {  	s3 =	simm.s32 $0x108;
	s8 =	sld [smem:$0x3FAA]  }
0x2e: {  	s3 =	simm.s32 @!p0 $0x1082;
	s9 =	sld [smem:$0x3FAB]  }
0x2f: {  	lr =	sadd.s32 s0, s3;
	s0 =	sld [smem:$0x3FA2]  }
0x30: {  	s3 =	sld [smem:$0x3FA5]  }
0x31: {  	[smem:$0x3FAE] =	sst s10  }
0x32: {  	s10 =	sld [smem:$0x3FAC];
	_ =	sdelay $0x3  }
0x33: {  	p0 =	seq.s32 s10, $0x1;
	s10 =	sld [smem:$0x3FAE];
	_ =	sdelay $0x3  }
0x34: {  	[smem:$0x3FAE] =	sst s10  }
0x35: {  	s10 =	sld [smem:$0x3FAD];
	_ =	sdelay $0x3  }
0x36: {  	p1 =	seq.s32 s10, $0x1;
	s10 =	sld [smem:$0x3FAE];
	_ =	sdelay $0x3  }
0x37: {  	[smem:$0x3FAE] =	sst s10  }
0x38: {  	s10 =	sld [smem:$0x3FAF]  }
0x39: {  	_ = 	snop;
	(pc) =	sbr.ind lr, $3  }
0x3a: {  	_ = 	snop  }
0x3b: {  	_ = 	snop  }
0x3c: {  	p2 =	seq.s32 s10, $0x1;
	s10 =	sld [smem:$0x3FAE]  }
0x3d: {  	_ =	shalt  }
0x3e: {  	_ =	shalt  }
0x3f: {  	_ =	shalt  }
0x40: {  	_ =	shalt  }
0x41: {  	_ =	shalt  }
0x42: {  	_ =	shalt  }
0x43: {  	_ =	shalt  }
0x44: {  	_ =	shalt  }
0x45: {  	_ =	shalt  }
0x46: {  	_ =	shalt  }
0x47: {  	_ =	shalt  }
0x48: {  	_ =	shalt  }
0x49: {  	_ =	shalt  }
0x4a: {  	_ =	shalt  }
0x4b: {  	_ =	shalt  }
0x4c: {  	_ =	shalt  }
0x4d: {  	_ =	shalt  }
0x4e: {  	_ =	shalt  }
0x4f: {  	_ =	shalt  }
0x50: {  	_ =	shalt  }
0x51: {  	_ =	shalt  }
0x52: {  	_ =	shalt  }
0x53: {  	_ =	shalt  }
0x54: {  	_ =	shalt  }
0x55: {  	_ =	shalt  }
0x56: {  	_ =	shalt  }
0x57: {  	_ =	shalt  }
0x58: {  	_ =	shalt  }
0x59: {  	_ =	shalt  }
0x5a: {  	_ =	shalt  }
0x5b: {  	_ =	shalt  }
0x5c: {  	_ =	shalt  }
0x5d: {  	_ =	shalt  }
0x5e: {  	_ =	shalt  }
0x5f: {  	_ =	shalt  }
0x60: {  	_ =	shalt  }
0x61: {  	_ =	shalt  }
0x62: {  	_ =	shalt  }
0x63: {  	_ =	shalt  }
0x64: {  	_ =	shalt  }
0x65: {  	_ =	shalt  }
0x66: {  	_ =	shalt  }
0x67: {  	_ =	shalt  }
0x68: {  	_ =	shalt  }
0x69: {  	_ =	shalt  }
0x6a: {  	_ =	shalt  }
0x6b: {  	_ =	shalt  }
0x6c: {  	_ =	shalt  }
0x6d: {  	_ =	shalt  }
0x6e: {  	_ =	shalt  }
0x6f: {  	_ =	shalt  }
0x70: {  	_ =	shalt  }
0x71: {  	_ =	shalt  }
0x72: {  	_ =	shalt  }
0x73: {  	_ =	shalt  }
0x74: {  	_ =	shalt  }
0x75: {  	_ =	shalt  }
0x76: {  	_ =	shalt  }
0x77: {  	_ =	shalt  }
0x78: {  	_ =	shalt  }
0x79: {  	_ =	shalt  }
0x7a: {  	_ =	shalt  }
0x7b: {  	_ =	shalt  }
0x7c: {  	_ =	shalt  }
0x7d: {  	_ =	shalt  }
0x7e: {  	_ =	shalt  }
0x7f: {  	_ =	shalt  }
0x80: {  	_ =	shalt  }
0x81: {  	_ =	shalt  }
0x82: {  	_ =	shalt  }
0x83: {  	_ =	shalt  }
0x84: {  	_ =	shalt  }
0x85: {  	_ =	shalt  }
0x86: {  	_ =	shalt  }
0x87: {  	_ =	shalt  }
.Lfunc_end0:
.L_simem_size_0:
called_computation.1_lowered:
.L_overlay_start_0:
0x88: {  	s2 =	sld [smem:$0x3FD9]  }
0x89: {  	s3 =	sld [smem:$0x3FFE];
	_ =	sdelay $0x1  }
0x8a: {  	s1 =	srdreg.scid  }
0x8b: {  	s0 =	sand.u32 $0x1, s1  }
0x8c: {  	s16 =	sshll.u32 s0, $0xA;
	s2 =	sadd.s32 s3, s2  }
0x8d: {  	s2 =	sadd.s32 s2, s16  }
0x8e: {  	[smem:$0x3FBA] =	sst s2  }
0x8f: {  	_ = 	snop  }
0x90: {  	(tm) =	ssettm $0x1  }
0x91: {  	s17 =	sld [smem:$0x3FFB];
	_ =	sdelay $0x3  }
0x92: {  	_ =	strace s17  }
0x93: {  	s2 =	sld [smem:$0x3FFC];
	_ =	sdelay $0x3  }
0x94: {  	_ =	strace s2  }
0x95: {  	s2 =	sld [smem:$0x3FFD];
	_ =	sdelay $0x3  }
0x96: {  	_ =	strace s2  }
0x97: {  	_ =	strace $0x8FFFFFFF  }
0x98: {  	s18 =	sld [smem:$0x3FDB];
	_ =	sdelay $0x1  }
0x99: {  	s19 =	simm.s32 $_scs_section_size  }
0x9a: {  	s4 =	simm.s32 $_size__tile_overlayer_lowered;
	s5 =	simm.s32 $_tile_overlayer_lowered  }
0x9b: {  	s22 =	simm.s32 $0x1BFF;
	s21 =	sshll.u32 s5, $0x1;
	s2 =	sadd.s32 s19, s18  }
0x9c: {  	s6 =	simm.s32 $0x0;
	s20 =	sshll.u32 s4, $0x1;
	s4 =	sadd.s32 s21, s2  }
0x9d: {  	[timem:s6], [sflag:s22] =	dma.local [hbm:s4], s20  }
0x9e: {  	_ =	swait.ge [sflag:s22], s20  }
0x9f: {  	s3 =	ssub.s32 $0x0, s20;
	[sflag:s22] =	ssyncset.done $0x0  }
0xa0: {  	[sflag:s22] =	ssyncadd.s32 s3;
	_ =	sdelay $0x1  }
0xa1: {  	s23 =	simm.s32 $0x1B8B  }
0xa2: {  	_ =	swait.ge [sflag:s23], $0x1  }
0xa3: {  	[sflag:s23] =	ssyncset.done $0x0  }
0xa4: {  	s25 =	simm.s32 $0x1B8E;
	s24 =	sld [smem:$0x3FFE];
	[sflag:s23] =	ssyncadd.s32 $0xFFFFFFFF  }
0xa5: {  	s26 =	simm.s32 $execute0_lowered;
	[smem:$0x3FD2] =	sst s25  }
0xa6: {  	s4 =	sshll.u32 s26, $0x1;
	_ =	strace $0x80000049;
	[dreg:$0x1] =	wrdreg $0xFFFFFFFF  }
0xa7: {  	s28 =	simm.s32 $_size_execute0_lowered;
	s2 =	sadd.s32 s2, s4;
	[dreg:$0x0] =	wrdreg $0x0  }
0xa8: {  	s4 =	sshll.u32 s28, $0x1;
	[dreg:$0x2] =	wrdreg s2  }
0xa9: {  	[dreg:$0x3] =	wrdreg s4  }
0xaa: {  	[dreg:$0x4] =	wrdreg $0xC0  }
0xab: {  	_ =	task [dreg:s6], $0x5FFFF  }
0xac: {  	[dreg:$0x1] =	wrdreg $0xFFFFFFFF  }
0xad: {  	[dreg:$0x0] =	wrdreg $0x60  }
0xae: {  	[dreg:$0x2] =	wrdreg s24  }
0xaf: {  	[dreg:$0x3] =	wrdreg $0x90000  }
0xb0: {  	[dreg:$0x4] =	wrdreg $0x9  }
0xb1: {  	_ =	task.clear_ibuf [dreg:s6], $0x5FFFF;
	_ =	strace $0x90000049  }
0xb2: {  	s29 =	simm.s32 $0x9;
	_ =	strace $0x8000004B  }
0xb3: {  	_ =	swait.ge [sflag:s29], $0x1  }
0xb4: {  	[sflag:s29] =	ssyncadd.s32 $0xFFFFFFFF  }
0xb5: {  	_ =	strace $0x9000004B  }
0xb6: {  	_ =	sfence  }
0xb7: {  	s30 =	sld [smem:$0x0];
	_ =	sdelay $0x2  }
0xb8: {  	s31 =	sshll.u32 s1, $0xD;
	s1 =	sshrl.u32 s1, $0x2  }
0xb9: {  	s3 =	sand.u32 $0x4000, s31;
	s1 =	sadd.s32 s1, s30  }
0xba: {  	s0 =	sor.u32 s3, s0;
	s1 =	sshll.u32 s1, $0x11  }
0xbb: {  	s0 =	sor.u32 s1, s0  }
0xbc: {  	s0 =	sadd.s32 $0x8F2B, s0  }
0xbd: {  	[sflag:s0] =	ssyncadd.remote.s32 $0x1  }
0xbe: {  	_ =	sfence.sel $0xFFFF  }
0xbf: {  	[dreg:$0x0] =	wrdreg $0xFFFFFFFF;
	(pc) =	sbr.abs _section_cstart, $3  }
0xc0: {  	[dreg:$0x1] =	wrdreg $0xFFFFFFFF  }
0xc1: {  	_ =	task.clear_ibuf [dreg:s6], $0x2FFFF;
	_ =	strace $0x9FFFFFFF  }
0xc2: {  	(tm) =	ssettm $0x7FFFFFFF  }
0xc3: {  	_ =	shalt  }
tec
execute0_lowered:
.L_overlay_start_1:
0x0: {  	(tag) =	ssettag $0x1  }
0x1: {  	s6 =	rddreg [dreg:$0x0]  }
0x2: {  	s1 =	rddreg [dreg:$0x1]  }
0x3: {  	s0 =	rddreg [dreg:$0x2];
	s3 =	simm.s32 $0x0;
	s4 =	srdreg.scid  }
0x4: {  	s2 =	stileid.u32;
	s17 =	simm.s32 $0x1000;
	s18 =	simm.s32 $0x1  }
0x5: {  	s19 =	simm.s32 $0x5000;
	s20 =	simm.s32 $0x2;
	s21 =	simm.s32 $0x3  }
0x6: {  	s22 =	simm.s32 $0x0;
	[smem:$0x7FF] =	sst s3;
	s7 =	sand.u32 $0x1, s4  }
0x7: {  	s8 =	smul.u32 $0x2780, s2;
	s4 =	sadd.s32 $0x16C00, s6;
	s12 =	sadd.s32 $0xCC00, s6  }
0x8: {  	s11 =	sadd.s32 $0x2C00, s6;
	s5 =	sadd.s32 $0x3EC00, s6;
	s13 =	smul.u32 $0x4F000, s2  }
0x9: {  	s29 =	smul.u32 $0x2800, s2;
	s30 =	sshll.u32 s2, $0x6;
	_ =	strace $0x8000004A  }
0xa: {  	s9 =	smul.u32 $0x28000, s7;
	s10 =	sshll.u32 s7, $0x4;
	s24 =	ssub.s32 $0x2, s7  }
0xb: {  	s10 =	sor.u32 s2, s10;
	s26 =	sshrl.u32 s24, $0x1;
	s28 =	sshrl.u32 s13, $0x2  }
0xc: {  	s8 =	sadd.s32 s8, s9;
	s25 =	smul.u32 $0x2800, s10;
	s15 =	ssub.s32 s24, s26  }
0xd: {  	s16 =	sadd.s32 s28, s1;
	s9 =	sadd.s32 s29, s9;
	s14 =	sadd.s32 s8, s6  }
.Ltmp0:
0xe: {  	s6 =	sor.u32 $0x1C04, s30;
	s13 =	sor.u32 $0x400, s9;
	(pc) =	sbr.rel .LBB2_1-.Ltmp0, $4  }
0xf: {  	s10 =	smax.u32 s15, $0x1;
	s15 =	simm.s32 $0x800;
	s31 =	sshrl.u32 s25, $0x3  }
0x10: {  	s9 =	sadd.s32 $0x41400, s14;
	s13 =	sshrl.u32 s13, $0x3;
	s14 =	simm.s32 $0x4  }
0x11: {  	s7 =	sadd.s32 s12, s31;
	s8 =	sadd.s32 s11, s31;
	s11 =	sadd.s32 s13, s11  }
0x12: {  	s12 =	sadd.s32 s13, s12;
	s13 =	sshrl.u32 s16, $0x3;
	s16 =	simm.s32 $0x80  }
.LBB2_4:
0x13: {  	s22 =	sadd.s32 $0x1, s22  }
0x14: {  	p0 =	sne.s32 s22, s10  }
.Ltmp1:
0x15: {  	[bflag:$0x0] =	sbarrier.arrive $0xFFFF;
	(pc) =	sbr.rel @!p0 .LBB2_5-.Ltmp1, $4  }
0x16: {  	[hbm:s9], [sflag:s6] =	dma.local [spmem:s13], $0x2780  }
0x17: {  	_ =	swait.ge [sflag:s14], $0x2780  }
0x18: {  	[sflag:s14] =	ssyncset.done $0x0  }
0x19: {  	[sflag:s14] =	ssyncadd.s32 $0xFFFFD880  }
.LBB2_1:
0x1a: {  	[spmem:s13], [sflag:s6] =	dma.local [hbm:s5], $0x2780  }
0x1b: {  	_ =	swait.ge [sflag:s14], $0x2780  }
0x1c: {  	[sflag:s14] =	ssyncset.done $0x0  }
0x1d: {  	[sflag:s14] =	ssyncadd.s32 $0xFFFFD880  }
0x1e: {  	[tilespmem:s3], [sflag:$0x4] =	stream.linear.gather [hbm4b:s7+s3], $0x400, $0x38;
	[tilespmem:$0x1CC00] =	vst v63  }
0x1f: {  	_ =	swait.ge [sflag:s14], $0x400  }
0x20: {  	[sflag:s14] =	ssyncset.done $0x0  }
0x21: {  	[sflag:s14] =	ssyncadd.s32 $0xFFFFFC00  }
0x22: {  	[tilespmem:s15], [sflag:$0x4] =	stream.linear.gather [hbm4b:s8+s3], $0x400, $0x38;
	[tilespmem:$0x1CC00] =	vst v63  }
0x23: {  	_ =	swait.ge [sflag:s14], $0x400  }
0x24: {  	[sflag:s14] =	ssyncset.done $0x0  }
0x25: {  	s23 =	smov.u32 s12;
	[sflag:s14] =	ssyncadd.s32 $0xFFFFFC00  }
0x26: {  	s24 =	smov.u32 s11;
	s25 =	simm.s32 $0x0;
	[bflag:$0x0] =	sbarrier.arrive $0xFFFF  }
.LBB2_2:
0x27: {  	p0 =	seq.s32 s25, $0x2400  }
0x28: {  	s26 =	sand.u32 @!p0 $0x400, s25  }
0x29: {  	s29 =	simm.s32 @!p0 $0x0;
	s28 =	sxor.u32 @!p0 $0x400, s26  }
0x2a: {  	[tilespmem:s28], [sflag:$0x3] =	stream.linear.gather @!p0 [hbm4b:s23+s29], $0x400, $0x38;
	[tilespmem:$0x1CC00] =	vst v63  }
0x2b: {  	s28 =	sxor.u32 @!p0 $0xC00, s26  }
0x2c: {  	[tilespmem:s28], [sflag:$0x3] =	stream.linear.gather @!p0 [hbm4b:s24+s29], $0x400, $0x38;
	[tilespmem:$0x1CC00] =	vst v63  }
0x2d: {  	s26 =	simm.s32 @p0 $0x400  }
0x2e: {  	[tilespmem:s17], [sflag:$0x1] =	stream.indirect.gather [hbm4b:s4+s16], $0x80, s26, s16, $0xb8;
	[tilespmem:$0x1CC00] =	vst v63  }
0x2f: {  	_ =	swait.ge [sflag:s18], $0x4000  }
0x30: {  	[sflag:s18] =	ssyncset.done $0x0  }
0x31: {  	s30 =	sor.u32 $0x80, s26;
	[sflag:s18] =	ssyncadd.s32 $0xFFFFC000  }
0x32: {  	[tilespmem:s19], [sflag:$0x2] =	stream.indirect.gather [hbm4b:s4+s16], $0x80, s30, s16, $0xb8;
	[tilespmem:$0x1CC00] =	vst v63  }
0x33: {  	s31 =	sor.u32 $0x800, s26  }
0x34: {  	[spmem:s1] =	stream.indirect.scatter.add.f32 [tilespmem:s17], [sflag:$0x4], $0x80, s31, s16, $0xb8;
	[tilespmem:$0x1CC00] =	vst v63  }
0x35: {  	_ =	swait.ge [sflag:s14], $0x4000  }
0x36: {  	[sflag:s14] =	ssyncset.done $0x0  }
0x37: {  	[sflag:s14] =	ssyncadd.s32 $0xFFFFC000  }
0x38: {  	_ =	swait.ge [sflag:s20], $0x4000  }
0x39: {  	[sflag:s20] =	ssyncset.done $0x0  }
0x3a: {  	s29 =	sor.u32 $0x100, s26;
	[sflag:s20] =	ssyncadd.s32 $0xFFFFC000  }
0x3b: {  	[tilespmem:s17], [sflag:$0x1] =	stream.indirect.gather [hbm4b:s4+s16], $0x80, s29, s16, $0xb8;
	[tilespmem:$0x1CC00] =	vst v63  }
0x3c: {  	s30 =	sor.u32 $0x880, s26  }
0x3d: {  	[spmem:s1] =	stream.indirect.scatter.add.f32 [tilespmem:s19], [sflag:$0x4], $0x80, s30, s16, $0xb8;
	[tilespmem:$0x1CC00] =	vst v63  }
0x3e: {  	_ =	swait.ge [sflag:s14], $0x4000  }
0x3f: {  	[sflag:s14] =	ssyncset.done $0x0  }
0x40: {  	[sflag:s14] =	ssyncadd.s32 $0xFFFFC000  }
0x41: {  	_ =	swait.ge [sflag:s18], $0x4000  }
0x42: {  	[sflag:s18] =	ssyncset.done $0x0  }
0x43: {  	s31 =	sor.u32 $0x180, s26;
	[sflag:s18] =	ssyncadd.s32 $0xFFFFC000  }
0x44: {  	[tilespmem:s19], [sflag:$0x2] =	stream.indirect.gather [hbm4b:s4+s16], $0x80, s31, s16, $0xb8;
	[tilespmem:$0x1CC00] =	vst v63  }
0x45: {  	s29 =	sor.u32 $0x900, s26  }
0x46: {  	[spmem:s1] =	stream.indirect.scatter.add.f32 [tilespmem:s17], [sflag:$0x4], $0x80, s29, s16, $0xb8;
	[tilespmem:$0x1CC00] =	vst v63  }
0x47: {  	_ =	swait.ge [sflag:s14], $0x4000  }
0x48: {  	[sflag:s14] =	ssyncset.done $0x0  }
0x49: {  	[sflag:s14] =	ssyncadd.s32 $0xFFFFC000  }
0x4a: {  	_ =	swait.ge [sflag:s20], $0x4000  }
0x4b: {  	[sflag:s20] =	ssyncset.done $0x0  }
0x4c: {  	s30 =	sor.u32 $0x200, s26;
	[sflag:s20] =	ssyncadd.s32 $0xFFFFC000  }
0x4d: {  	[tilespmem:s17], [sflag:$0x1] =	stream.indirect.gather [hbm4b:s4+s16], $0x80, s30, s16, $0xb8;
	[tilespmem:$0x1CC00] =	vst v63  }
0x4e: {  	s31 =	sor.u32 $0x980, s26  }
0x4f: {  	[spmem:s1] =	stream.indirect.scatter.add.f32 [tilespmem:s19], [sflag:$0x4], $0x80, s31, s16, $0xb8;
	[tilespmem:$0x1CC00] =	vst v63  }
0x50: {  	_ =	swait.ge [sflag:s14], $0x4000  }
0x51: {  	[sflag:s14] =	ssyncset.done $0x0  }
0x52: {  	[sflag:s14] =	ssyncadd.s32 $0xFFFFC000  }
0x53: {  	_ =	swait.ge [sflag:s18], $0x4000  }
0x54: {  	[sflag:s18] =	ssyncset.done $0x0  }
0x55: {  	s29 =	sor.u32 $0x280, s26;
	[sflag:s18] =	ssyncadd.s32 $0xFFFFC000  }
0x56: {  	[tilespmem:s19], [sflag:$0x2] =	stream.indirect.gather [hbm4b:s4+s16], $0x80, s29, s16, $0xb8;
	[tilespmem:$0x1CC00] =	vst v63  }
0x57: {  	s30 =	sor.u32 $0xA00, s26  }
0x58: {  	[spmem:s1] =	stream.indirect.scatter.add.f32 [tilespmem:s17], [sflag:$0x4], $0x80, s30, s16, $0xb8;
	[tilespmem:$0x1CC00] =	vst v63  }
0x59: {  	_ =	swait.ge [sflag:s14], $0x4000  }
0x5a: {  	[sflag:s14] =	ssyncset.done $0x0  }
0x5b: {  	[sflag:s14] =	ssyncadd.s32 $0xFFFFC000  }
0x5c: {  	_ =	swait.ge [sflag:s20], $0x4000  }
0x5d: {  	[sflag:s20] =	ssyncset.done $0x0  }
0x5e: {  	s31 =	sor.u32 $0x300, s26;
	[sflag:s20] =	ssyncadd.s32 $0xFFFFC000  }
0x5f: {  	[tilespmem:s17], [sflag:$0x1] =	stream.indirect.gather [hbm4b:s4+s16], $0x80, s31, s16, $0xb8;
	[tilespmem:$0x1CC00] =	vst v63  }
0x60: {  	s29 =	sor.u32 $0xA80, s26  }
0x61: {  	[spmem:s1] =	stream.indirect.scatter.add.f32 [tilespmem:s19], [sflag:$0x4], $0x80, s29, s16, $0xb8;
	[tilespmem:$0x1CC00] =	vst v63  }
0x62: {  	_ =	swait.ge [sflag:s14], $0x4000  }
0x63: {  	[sflag:s14] =	ssyncset.done $0x0  }
0x64: {  	[sflag:s14] =	ssyncadd.s32 $0xFFFFC000  }
0x65: {  	_ =	swait.ge [sflag:s18], $0x4000  }
0x66: {  	[sflag:s18] =	ssyncset.done $0x0  }
0x67: {  	s30 =	sor.u32 $0x380, s26;
	[sflag:s18] =	ssyncadd.s32 $0xFFFFC000  }
0x68: {  	[tilespmem:s19], [sflag:$0x2] =	stream.indirect.gather [hbm4b:s4+s16], $0x80, s30, s16, $0xb8;
	[tilespmem:$0x1CC00] =	vst v63  }
0x69: {  	s31 =	sor.u32 $0xB00, s26  }
0x6a: {  	[spmem:s1] =	stream.indirect.scatter.add.f32 [tilespmem:s17], [sflag:$0x4], $0x80, s31, s16, $0xb8;
	[tilespmem:$0x1CC00] =	vst v63  }
0x6b: {  	_ =	swait.ge [sflag:s14], $0x4000  }
0x6c: {  	[sflag:s14] =	ssyncset.done $0x0  }
0x6d: {  	[sflag:s14] =	ssyncadd.s32 $0xFFFFC000  }
0x6e: {  	_ =	swait.ge [sflag:s20], $0x4000  }
0x6f: {  	[sflag:s20] =	ssyncset.done $0x0  }
.Ltmp2:
0x70: {  	s26 =	sor.u32 $0xB80, s26;
	[sflag:s20] =	ssyncadd.s32 $0xFFFFC000;
	(pc) =	sbr.rel @p0 .LBB2_4-.Ltmp2, $4  }
0x71: {  	[spmem:s1] =	stream.indirect.scatter.add.f32 [tilespmem:s19], [sflag:$0x4], $0x80, s26, s16, $0xb8;
	[tilespmem:$0x1CC00] =	vst v63  }
0x72: {  	_ =	swait.ge [sflag:s14], $0x4000  }
0x73: {  	[sflag:s14] =	ssyncset.done $0x0  }
0x74: {  	[sflag:s14] =	ssyncadd.s32 $0xFFFFC000  }
0x75: {  	_ =	swait.ge [sflag:s21], $0x400  }
.Ltmp3:
0x76: {  	[sflag:s21] =	ssyncset.done $0x0;
	(pc) =	sbr.rel .LBB2_2-.Ltmp3, $4  }
0x77: {  	[sflag:s21] =	ssyncadd.s32 $0xFFFFFC00  }
0x78: {  	_ =	swait.ge [sflag:s21], $0x400  }
0x79: {  	s25 =	sadd.s32 $0x400, s25;
	[sflag:s21] =	ssyncset.done $0x0  }
0x7a: {  	s24 =	sadd.s32 $0x80, s24;
	s23 =	sadd.s32 $0x80, s23;
	[sflag:s21] =	ssyncadd.s32 $0xFFFFFC00  }
.LBB2_5:
0x7b: {  	_ =	sfence.sel $0x180000  }
0x7c: {  	[bflag:$0x0] =	sbarrier.arrive $0xFFFF  }
0x7d: {  	p0 =	sne.s32 s2, $0x0;
	_ =	strace $0x9000004A  }
0x7e: {  	s0 =	sadd.s32 @!p0 $0x100000, s0;
	[bflag:$0x2] =	sbarrier.arrive $0xFFFF  }
0x7f: {  	[sflag:s0] =	ssyncadd.tile.s32 @!p0 $0x1;
	_ =	shalt  }
.Lfunc_end2:
_tile_overlayer_lowered:
.L_overlay_start_2:
0x80: {  	(tag) =	ssettag $0x2  }
0x81: {  	s0 =	rddreg [dreg:$0x0];
	s2 =	stileid.u32  }
0x82: {  	s1 =	rddreg [dreg:$0x1];
	p0 =	sne.s32 s2, $0x0  }
0x83: {  	s3 =	rddreg [dreg:$0x2];
	[bflag:$0x3] =	sbarrier.arrive $0xFFFF;
	s2 =	simm.s32 @!p0 $0x1C04  }
0x84: {  	[timem:s3], [sflag:s2] =	dma.local @!p0 [hbm:s0], s1  }
0x85: {  	s0 =	simm.s32 @!p0 $0x4  }
0x86: {  	_ =	swait.ge @!p0 [sflag:s0], s1  }
0x87: {  	s1 =	ssub.s32 @!p0 $0x0, s1;
	[sflag:s0] =	ssyncset.done @!p0 $0x0  }
0x88: {  	[sflag:s0] =	ssyncadd.s32 @!p0 s1  }
0x89: {  	[bflag:$0x3] =	sbarrier.arrive $0xFFFF  }
0x8a: {  	_ =	shalt  }

// kernel: kernel.15.cloned.1.call-start
scs
__scs_entry_jumppad:
0x0: {  	(pc) =	sbr.rel $0x88, $3  }
0x1: {  	(tag) =	ssettag $0x0;
	lr =	simm.s32 $0x1  }
0x2: {  	[smem:$0x3F93] =	sst lr;
	_ =	strace $0xD0000000  }
0x3: {  	_ = 	snop  }
0x4: {  	_ = 	snop  }
0x5: {  	_ = 	snop  }
0x6: {  	_ = 	snop  }
0x7: {  	_ = 	snop  }
__scs_overlays_trampoline_lowered:
0x8: {  	[smem:$0x3FA2] =	sst s0  }
0x9: {  	[smem:$0x3FA3] =	sst s1  }
0xa: {  	[smem:$0x3FA4] =	sst s2  }
0xb: {  	[smem:$0x3FA5] =	sst s3  }
0xc: {  	[smem:$0x3FA6] =	sst s4  }
0xd: {  	[smem:$0x3FA7] =	sst s5  }
0xe: {  	[smem:$0x3FA8] =	sst s6  }
0xf: {  	[smem:$0x3FA9] =	sst s7  }
0x10: {  	[smem:$0x3FAA] =	sst s8  }
0x11: {  	[smem:$0x3FAB] =	sst s9;
	s0 =	simm.s32 @!p0 $0x0  }
0x12: {  	s1 =	sld [smem:$0x3F91];
	s0 =	simm.s32 @p0 $0x1  }
0x13: {  	[smem:$0x3FAC] =	sst s0;
	s0 =	simm.s32 @!p1 $0x0  }
0x14: {  	s2 =	sld [smem:$0x3F90];
	s0 =	simm.s32 @p1 $0x1  }
0x15: {  	[smem:$0x3FAD] =	sst s0;
	s0 =	simm.s32 @!p2 $0x0  }
0x16: {  	s3 =	sld [smem:$0x3FDB];
	s0 =	simm.s32 @p2 $0x1  }
0x17: {  	s4 =	simm.s32 $0x1BF5;
	[smem:$0x3FAF] =	sst s0  }
0x18: {  	s0 =	sld [smem:$0x3F92];
	_ =	swait.ge [sflag:s4], $0x0  }
0x19: {  	s7 =	sld [smem:$0x3F93]  }
0x1a: {  	s8 =	sadd.s32 $0xFFFFE003, lr  }
0x1b: {  	s9 =	sadd.s32 $0xFFFFFEF7, lr;
	s5 =	simm.s32 $0xFFFFFFFF;
	p2 =	slt.u32 s8, $0xFFFFF086  }
0x1c: {  	p1 =	slt.u32 s9, $0xF7A;
	s5 =	simm.s32 @!p2 $0x0  }
0x1d: {  	s5 =	simm.s32 @p1 $0x1;
	p0 =	seq.s32 s7, s2  }
0x1e: {  	s7 =	smul.u32 @!p0 $0xF7A, s2;
	p2 =	seq.s32 @!p0 s5, $0x0  }
0x1f: {  	s9 =	smul.u32 $0xF7A, s1;
	s8 =	simm.s32 @!p0 $0x1BF5;
	p2 =	por !p2, p0  }
0x20: {  	[sflag:s8] =	ssyncset.s32 @!p0 $0xFFFFF086;
	s6 =	sadd.s32 @!p0 s3, s7;
	s7 =	simm.s32 @!p0 $0x108  }
0x21: {  	s3 =	sadd.s32 s3, s9;
	s6 =	sadd.s32 @!p0 $0x88, s6;
	s7 =	simm.s32 @p2 $0x1082  }
0x22: {  	[simem:s7], [sflag:s8] =	dma.local @!p0 [hbm:s6], $0xF7A  }
0x23: {  	s9 =	sor.u32 $0xD0000000, s2;
	s6 =	simm.s32 $0x108;
	_ =	swait.ge @!p0 [sflag:s8], $0x0  }
0x24: {  	s3 =	sadd.s32 $0x88, s3;
	s6 =	simm.s32 @!p1 $0x1082;
	[sflag:s4] =	ssyncset.s32 $0xFFFFF086  }
0x25: {  	[simem:s6], [sflag:s4] =	dma.local [hbm:s3], $0xF7A  }
0x26: {  	[smem:$0x3F93] =	sst s1;
	(tag) =	ssettag s2;
	_ =	strace s9  }
0x27: {  	s1 =	sld [smem:$0x3FA3]  }
0x28: {  	s2 =	sld [smem:$0x3FA4]  }
0x29: {  	s4 =	sld [smem:$0x3FA6]  }
0x2a: {  	p0 =	seq.s32 s5, $0x0;
	s5 =	sld [smem:$0x3FA7]  }
0x2b: {  	s6 =	sld [smem:$0x3FA8]  }
0x2c: {  	s7 =	sld [smem:$0x3FA9]  }
0x2d: {  	s3 =	simm.s32 $0x108;
	s8 =	sld [smem:$0x3FAA]  }
0x2e: {  	s3 =	simm.s32 @!p0 $0x1082;
	s9 =	sld [smem:$0x3FAB]  }
0x2f: {  	lr =	sadd.s32 s0, s3;
	s0 =	sld [smem:$0x3FA2]  }
0x30: {  	s3 =	sld [smem:$0x3FA5]  }
0x31: {  	[smem:$0x3FAE] =	sst s10  }
0x32: {  	s10 =	sld [smem:$0x3FAC];
	_ =	sdelay $0x3  }
0x33: {  	p0 =	seq.s32 s10, $0x1;
	s10 =	sld [smem:$0x3FAE];
	_ =	sdelay $0x3  }
0x34: {  	[smem:$0x3FAE] =	sst s10  }
0x35: {  	s10 =	sld [smem:$0x3FAD];
	_ =	sdelay $0x3  }
0x36: {  	p1 =	seq.s32 s10, $0x1;
	s10 =	sld [smem:$0x3FAE];
	_ =	sdelay $0x3  }
0x37: {  	[smem:$0x3FAE] =	sst s10  }
0x38: {  	s10 =	sld [smem:$0x3FAF]  }
0x39: {  	_ = 	snop;
	(pc) =	sbr.ind lr, $3  }
0x3a: {  	_ = 	snop  }
0x3b: {  	_ = 	snop  }
0x3c: {  	p2 =	seq.s32 s10, $0x1;
	s10 =	sld [smem:$0x3FAE]  }
0x3d: {  	_ =	shalt  }
0x3e: {  	_ =	shalt  }
0x3f: {  	_ =	shalt  }
0x40: {  	_ =	shalt  }
0x41: {  	_ =	shalt  }
0x42: {  	_ =	shalt  }
0x43: {  	_ =	shalt  }
0x44: {  	_ =	shalt  }
0x45: {  	_ =	shalt  }
0x46: {  	_ =	shalt  }
0x47: {  	_ =	shalt  }
0x48: {  	_ =	shalt  }
0x49: {  	_ =	shalt  }
0x4a: {  	_ =	shalt  }
0x4b: {  	_ =	shalt  }
0x4c: {  	_ =	shalt  }
0x4d: {  	_ =	shalt  }
0x4e: {  	_ =	shalt  }
0x4f: {  	_ =	shalt  }
0x50: {  	_ =	shalt  }
0x51: {  	_ =	shalt  }
0x52: {  	_ =	shalt  }
0x53: {  	_ =	shalt  }
0x54: {  	_ =	shalt  }
0x55: {  	_ =	shalt  }
0x56: {  	_ =	shalt  }
0x57: {  	_ =	shalt  }
0x58: {  	_ =	shalt  }
0x59: {  	_ =	shalt  }
0x5a: {  	_ =	shalt  }
0x5b: {  	_ =	shalt  }
0x5c: {  	_ =	shalt  }
0x5d: {  	_ =	shalt  }
0x5e: {  	_ =	shalt  }
0x5f: {  	_ =	shalt  }
0x60: {  	_ =	shalt  }
0x61: {  	_ =	shalt  }
0x62: {  	_ =	shalt  }
0x63: {  	_ =	shalt  }
0x64: {  	_ =	shalt  }
0x65: {  	_ =	shalt  }
0x66: {  	_ =	shalt  }
0x67: {  	_ =	shalt  }
0x68: {  	_ =	shalt  }
0x69: {  	_ =	shalt  }
0x6a: {  	_ =	shalt  }
0x6b: {  	_ =	shalt  }
0x6c: {  	_ =	shalt  }
0x6d: {  	_ =	shalt  }
0x6e: {  	_ =	shalt  }
0x6f: {  	_ =	shalt  }
0x70: {  	_ =	shalt  }
0x71: {  	_ =	shalt  }
0x72: {  	_ =	shalt  }
0x73: {  	_ =	shalt  }
0x74: {  	_ =	shalt  }
0x75: {  	_ =	shalt  }
0x76: {  	_ =	shalt  }
0x77: {  	_ =	shalt  }
0x78: {  	_ =	shalt  }
0x79: {  	_ =	shalt  }
0x7a: {  	_ =	shalt  }
0x7b: {  	_ =	shalt  }
0x7c: {  	_ =	shalt  }
0x7d: {  	_ =	shalt  }
0x7e: {  	_ =	shalt  }
0x7f: {  	_ =	shalt  }
0x80: {  	_ =	shalt  }
0x81: {  	_ =	shalt  }
0x82: {  	_ =	shalt  }
0x83: {  	_ =	shalt  }
0x84: {  	_ =	shalt  }
0x85: {  	_ =	shalt  }
0x86: {  	_ =	shalt  }
0x87: {  	_ =	shalt  }
.Lfunc_end0:
.L_simem_size_0:
called_computation.2_lowered:
.L_overlay_start_0:
0x88: {  	s2 =	sld [smem:$0x3FD9]  }
0x89: {  	s3 =	sld [smem:$0x3FFE];
	_ =	sdelay $0x1  }
0x8a: {  	s1 =	srdreg.scid  }
0x8b: {  	s0 =	sand.u32 $0x1, s1  }
0x8c: {  	s16 =	sshll.u32 s0, $0xA;
	s2 =	sadd.s32 s3, s2  }
0x8d: {  	s2 =	sadd.s32 s2, s16  }
0x8e: {  	[smem:$0x3FBA] =	sst s2  }
0x8f: {  	_ = 	snop  }
0x90: {  	(tm) =	ssettm $0x1  }
0x91: {  	s17 =	sld [smem:$0x3FFB];
	_ =	sdelay $0x3  }
0x92: {  	_ =	strace s17  }
0x93: {  	s2 =	sld [smem:$0x3FFC];
	_ =	sdelay $0x3  }
0x94: {  	_ =	strace s2  }
0x95: {  	s2 =	sld [smem:$0x3FFD];
	_ =	sdelay $0x3  }
0x96: {  	_ =	strace s2  }
0x97: {  	_ =	strace $0x8FFFFFFF  }
0x98: {  	s18 =	sld [smem:$0x3FDB];
	_ =	sdelay $0x1  }
0x99: {  	s19 =	simm.s32 $_scs_section_size  }
0x9a: {  	s4 =	simm.s32 $_size__tile_overlayer_lowered;
	s5 =	simm.s32 $_tile_overlayer_lowered  }
0x9b: {  	s22 =	simm.s32 $0x1BFF;
	s21 =	sshll.u32 s5, $0x1;
	s2 =	sadd.s32 s19, s18  }
0x9c: {  	s6 =	simm.s32 $0x0;
	s20 =	sshll.u32 s4, $0x1;
	s4 =	sadd.s32 s21, s2  }
0x9d: {  	[timem:s6], [sflag:s22] =	dma.local [hbm:s4], s20  }
0x9e: {  	_ =	swait.ge [sflag:s22], s20  }
0x9f: {  	s3 =	ssub.s32 $0x0, s20;
	[sflag:s22] =	ssyncset.done $0x0  }
0xa0: {  	[sflag:s22] =	ssyncadd.s32 s3;
	_ =	sdelay $0x1  }
0xa1: {  	s23 =	simm.s32 $0x1B8B  }
0xa2: {  	_ =	swait.ge [sflag:s23], $0x1  }
0xa3: {  	[sflag:s23] =	ssyncset.done $0x0  }
0xa4: {  	s25 =	simm.s32 $0x1B8E;
	s24 =	sld [smem:$0x3FFE];
	[sflag:s23] =	ssyncadd.s32 $0xFFFFFFFF  }
0xa5: {  	s26 =	simm.s32 $execute0_lowered;
	[smem:$0x3FD2] =	sst s25  }
0xa6: {  	s4 =	sshll.u32 s26, $0x1;
	_ =	strace $0x8000004C;
	[dreg:$0x1] =	wrdreg $0xFFFFFFFF  }
0xa7: {  	s28 =	simm.s32 $_size_execute0_lowered;
	s2 =	sadd.s32 s2, s4;
	[dreg:$0x0] =	wrdreg $0x0  }
0xa8: {  	s4 =	sshll.u32 s28, $0x1;
	[dreg:$0x2] =	wrdreg s2  }
0xa9: {  	[dreg:$0x3] =	wrdreg s4  }
0xaa: {  	[dreg:$0x4] =	wrdreg $0xC0  }
0xab: {  	_ =	task [dreg:s6], $0x5FFFF  }
0xac: {  	[dreg:$0x1] =	wrdreg $0xFFFFFFFF  }
0xad: {  	[dreg:$0x0] =	wrdreg $0x60  }
0xae: {  	[dreg:$0x2] =	wrdreg s24  }
0xaf: {  	[dreg:$0x3] =	wrdreg $0x90000  }
0xb0: {  	[dreg:$0x4] =	wrdreg $0x9  }
0xb1: {  	_ =	task.clear_ibuf [dreg:s6], $0x5FFFF;
	_ =	strace $0x9000004C  }
0xb2: {  	s29 =	simm.s32 $0x9;
	_ =	strace $0x8000004E  }
0xb3: {  	_ =	swait.ge [sflag:s29], $0x1  }
0xb4: {  	[sflag:s29] =	ssyncadd.s32 $0xFFFFFFFF  }
0xb5: {  	_ =	strace $0x9000004E  }
0xb6: {  	_ =	sfence  }
0xb7: {  	s30 =	sld [smem:$0x0];
	_ =	sdelay $0x2  }
0xb8: {  	s31 =	sshll.u32 s1, $0xD;
	s1 =	sshrl.u32 s1, $0x2  }
0xb9: {  	s3 =	sand.u32 $0x4000, s31;
	s1 =	sadd.s32 s1, s30  }
0xba: {  	s0 =	sor.u32 s3, s0;
	s1 =	sshll.u32 s1, $0x11  }
0xbb: {  	s0 =	sor.u32 s1, s0  }
0xbc: {  	s0 =	sadd.s32 $0x8F2B, s0  }
0xbd: {  	[sflag:s0] =	ssyncadd.remote.s32 $0x1  }
0xbe: {  	_ =	sfence.sel $0xFFFF  }
0xbf: {  	[dreg:$0x0] =	wrdreg $0xFFFFFFFF;
	(pc) =	sbr.abs _section_cstart, $3  }
0xc0: {  	[dreg:$0x1] =	wrdreg $0xFFFFFFFF  }
0xc1: {  	_ =	task.clear_ibuf [dreg:s6], $0x2FFFF;
	_ =	strace $0x9FFFFFFF  }
0xc2: {  	(tm) =	ssettm $0x7FFFFFFF  }
0xc3: {  	_ =	shalt  }
tec
execute0_lowered:
.L_overlay_start_1:
0x0: {  	(tag) =	ssettag $0x1  }
0x1: {  	s6 =	rddreg [dreg:$0x0]  }
0x2: {  	s1 =	rddreg [dreg:$0x1]  }
0x3: {  	s0 =	rddreg [dreg:$0x2];
	s3 =	simm.s32 $0x0;
	s4 =	srdreg.scid  }
0x4: {  	s2 =	stileid.u32;
	s17 =	simm.s32 $0x1000;
	s18 =	simm.s32 $0x1  }
0x5: {  	s19 =	simm.s32 $0x5000;
	s20 =	simm.s32 $0x2;
	s21 =	simm.s32 $0x3  }
0x6: {  	s22 =	simm.s32 $0x0;
	[smem:$0x7FF] =	sst s3;
	s7 =	sand.u32 $0x1, s4  }
0x7: {  	s8 =	smul.u32 $0x2780, s2;
	s4 =	sadd.s32 $0x16C00, s6;
	s12 =	sadd.s32 $0xCC00, s6  }
0x8: {  	s11 =	sadd.s32 $0x2C00, s6;
	s5 =	sadd.s32 $0x3EC00, s6;
	s13 =	smul.u32 $0x4F000, s2  }
0x9: {  	s29 =	smul.u32 $0x2800, s2;
	s30 =	sshll.u32 s2, $0x6;
	_ =	strace $0x8000004D  }
0xa: {  	s9 =	smul.u32 $0x28000, s7;
	s10 =	sshll.u32 s7, $0x4;
	s24 =	ssub.s32 $0x2, s7  }
0xb: {  	s10 =	sor.u32 s2, s10;
	s26 =	sshrl.u32 s24, $0x1;
	s28 =	sshrl.u32 s13, $0x2  }
0xc: {  	s8 =	sadd.s32 s8, s9;
	s25 =	smul.u32 $0x2800, s10;
	s15 =	ssub.s32 s24, s26  }
0xd: {  	s16 =	sadd.s32 s28, s1;
	s9 =	sadd.s32 s29, s9;
	s14 =	sadd.s32 s8, s6  }
.Ltmp0:
0xe: {  	s6 =	sor.u32 $0x1C04, s30;
	s13 =	sor.u32 $0x400, s9;
	(pc) =	sbr.rel .LBB2_1-.Ltmp0, $4  }
0xf: {  	s10 =	smax.u32 s15, $0x1;
	s15 =	simm.s32 $0x800;
	s31 =	sshrl.u32 s25, $0x3  }
0x10: {  	s9 =	sadd.s32 $0x41400, s14;
	s13 =	sshrl.u32 s13, $0x3;
	s14 =	simm.s32 $0x4  }
0x11: {  	s7 =	sadd.s32 s12, s31;
	s8 =	sadd.s32 s11, s31;
	s11 =	sadd.s32 s13, s11  }
0x12: {  	s12 =	sadd.s32 s13, s12;
	s13 =	sshrl.u32 s16, $0x3;
	s16 =	simm.s32 $0x80  }
.LBB2_4:
0x13: {  	s22 =	sadd.s32 $0x1, s22  }
0x14: {  	p0 =	sne.s32 s22, s10  }
.Ltmp1:
0x15: {  	[bflag:$0x0] =	sbarrier.arrive $0xFFFF;
	(pc) =	sbr.rel @!p0 .LBB2_5-.Ltmp1, $4  }
0x16: {  	[hbm:s9], [sflag:s6] =	dma.local [spmem:s13], $0x2780  }
0x17: {  	_ =	swait.ge [sflag:s14], $0x2780  }
0x18: {  	[sflag:s14] =	ssyncset.done $0x0  }
0x19: {  	[sflag:s14] =	ssyncadd.s32 $0xFFFFD880  }
.LBB2_1:
0x1a: {  	[spmem:s13], [sflag:s6] =	dma.local [hbm:s5], $0x2780  }
0x1b: {  	_ =	swait.ge [sflag:s14], $0x2780  }
0x1c: {  	[sflag:s14] =	ssyncset.done $0x0  }
0x1d: {  	[sflag:s14] =	ssyncadd.s32 $0xFFFFD880  }
0x1e: {  	[tilespmem:s3], [sflag:$0x4] =	stream.linear.gather [hbm4b:s7+s3], $0x400, $0x38;
	[tilespmem:$0x1CC00] =	vst v63  }
0x1f: {  	_ =	swait.ge [sflag:s14], $0x400  }
0x20: {  	[sflag:s14] =	ssyncset.done $0x0  }
0x21: {  	[sflag:s14] =	ssyncadd.s32 $0xFFFFFC00  }
0x22: {  	[tilespmem:s15], [sflag:$0x4] =	stream.linear.gather [hbm4b:s8+s3], $0x400, $0x38;
	[tilespmem:$0x1CC00] =	vst v63  }
0x23: {  	_ =	swait.ge [sflag:s14], $0x400  }
0x24: {  	[sflag:s14] =	ssyncset.done $0x0  }
0x25: {  	s23 =	smov.u32 s12;
	[sflag:s14] =	ssyncadd.s32 $0xFFFFFC00  }
0x26: {  	s24 =	smov.u32 s11;
	s25 =	simm.s32 $0x0;
	[bflag:$0x0] =	sbarrier.arrive $0xFFFF  }
.LBB2_2:
0x27: {  	p0 =	seq.s32 s25, $0x2400  }
0x28: {  	s26 =	sand.u32 @!p0 $0x400, s25  }
0x29: {  	s29 =	simm.s32 @!p0 $0x0;
	s28 =	sxor.u32 @!p0 $0x400, s26  }
0x2a: {  	[tilespmem:s28], [sflag:$0x3] =	stream.linear.gather @!p0 [hbm4b:s23+s29], $0x400, $0x38;
	[tilespmem:$0x1CC00] =	vst v63  }
0x2b: {  	s28 =	sxor.u32 @!p0 $0xC00, s26  }
0x2c: {  	[tilespmem:s28], [sflag:$0x3] =	stream.linear.gather @!p0 [hbm4b:s24+s29], $0x400, $0x38;
	[tilespmem:$0x1CC00] =	vst v63  }
0x2d: {  	s26 =	simm.s32 @p0 $0x400  }
0x2e: {  	[tilespmem:s17], [sflag:$0x1] =	stream.indirect.gather [hbm4b:s4+s16], $0x80, s26, s16, $0xb8;
	[tilespmem:$0x1CC00] =	vst v63  }
0x2f: {  	_ =	swait.ge [sflag:s18], $0x4000  }
0x30: {  	[sflag:s18] =	ssyncset.done $0x0  }
0x31: {  	s30 =	sor.u32 $0x80, s26;
	[sflag:s18] =	ssyncadd.s32 $0xFFFFC000  }
0x32: {  	[tilespmem:s19], [sflag:$0x2] =	stream.indirect.gather [hbm4b:s4+s16], $0x80, s30, s16, $0xb8;
	[tilespmem:$0x1CC00] =	vst v63  }
0x33: {  	s31 =	sor.u32 $0x800, s26  }
0x34: {  	[spmem:s1] =	stream.indirect.scatter.add.f32 [tilespmem:s17], [sflag:$0x4], $0x80, s31, s16, $0xb8;
	[tilespmem:$0x1CC00] =	vst v63  }
0x35: {  	_ =	swait.ge [sflag:s14], $0x4000  }
0x36: {  	[sflag:s14] =	ssyncset.done $0x0  }
0x37: {  	[sflag:s14] =	ssyncadd.s32 $0xFFFFC000  }
0x38: {  	_ =	swait.ge [sflag:s20], $0x4000  }
0x39: {  	[sflag:s20] =	ssyncset.done $0x0  }
0x3a: {  	s29 =	sor.u32 $0x100, s26;
	[sflag:s20] =	ssyncadd.s32 $0xFFFFC000  }
0x3b: {  	[tilespmem:s17], [sflag:$0x1] =	stream.indirect.gather [hbm4b:s4+s16], $0x80, s29, s16, $0xb8;
	[tilespmem:$0x1CC00] =	vst v63  }
0x3c: {  	s30 =	sor.u32 $0x880, s26  }
0x3d: {  	[spmem:s1] =	stream.indirect.scatter.add.f32 [tilespmem:s19], [sflag:$0x4], $0x80, s30, s16, $0xb8;
	[tilespmem:$0x1CC00] =	vst v63  }
0x3e: {  	_ =	swait.ge [sflag:s14], $0x4000  }
0x3f: {  	[sflag:s14] =	ssyncset.done $0x0  }
0x40: {  	[sflag:s14] =	ssyncadd.s32 $0xFFFFC000  }
0x41: {  	_ =	swait.ge [sflag:s18], $0x4000  }
0x42: {  	[sflag:s18] =	ssyncset.done $0x0  }
0x43: {  	s31 =	sor.u32 $0x180, s26;
	[sflag:s18] =	ssyncadd.s32 $0xFFFFC000  }
0x44: {  	[tilespmem:s19], [sflag:$0x2] =	stream.indirect.gather [hbm4b:s4+s16], $0x80, s31, s16, $0xb8;
	[tilespmem:$0x1CC00] =	vst v63  }
0x45: {  	s29 =	sor.u32 $0x900, s26  }
0x46: {  	[spmem:s1] =	stream.indirect.scatter.add.f32 [tilespmem:s17], [sflag:$0x4], $0x80, s29, s16, $0xb8;
	[tilespmem:$0x1CC00] =	vst v63  }
0x47: {  	_ =	swait.ge [sflag:s14], $0x4000  }
0x48: {  	[sflag:s14] =	ssyncset.done $0x0  }
0x49: {  	[sflag:s14] =	ssyncadd.s32 $0xFFFFC000  }
0x4a: {  	_ =	swait.ge [sflag:s20], $0x4000  }
0x4b: {  	[sflag:s20] =	ssyncset.done $0x0  }
0x4c: {  	s30 =	sor.u32 $0x200, s26;
	[sflag:s20] =	ssyncadd.s32 $0xFFFFC000  }
0x4d: {  	[tilespmem:s17], [sflag:$0x1] =	stream.indirect.gather [hbm4b:s4+s16], $0x80, s30, s16, $0xb8;
	[tilespmem:$0x1CC00] =	vst v63  }
0x4e: {  	s31 =	sor.u32 $0x980, s26  }
0x4f: {  	[spmem:s1] =	stream.indirect.scatter.add.f32 [tilespmem:s19], [sflag:$0x4], $0x80, s31, s16, $0xb8;
	[tilespmem:$0x1CC00] =	vst v63  }
0x50: {  	_ =	swait.ge [sflag:s14], $0x4000  }
0x51: {  	[sflag:s14] =	ssyncset.done $0x0  }
0x52: {  	[sflag:s14] =	ssyncadd.s32 $0xFFFFC000  }
0x53: {  	_ =	swait.ge [sflag:s18], $0x4000  }
0x54: {  	[sflag:s18] =	ssyncset.done $0x0  }
0x55: {  	s29 =	sor.u32 $0x280, s26;
	[sflag:s18] =	ssyncadd.s32 $0xFFFFC000  }
0x56: {  	[tilespmem:s19], [sflag:$0x2] =	stream.indirect.gather [hbm4b:s4+s16], $0x80, s29, s16, $0xb8;
	[tilespmem:$0x1CC00] =	vst v63  }
0x57: {  	s30 =	sor.u32 $0xA00, s26  }
0x58: {  	[spmem:s1] =	stream.indirect.scatter.add.f32 [tilespmem:s17], [sflag:$0x4], $0x80, s30, s16, $0xb8;
	[tilespmem:$0x1CC00] =	vst v63  }
0x59: {  	_ =	swait.ge [sflag:s14], $0x4000  }
0x5a: {  	[sflag:s14] =	ssyncset.done $0x0  }
0x5b: {  	[sflag:s14] =	ssyncadd.s32 $0xFFFFC000  }
0x5c: {  	_ =	swait.ge [sflag:s20], $0x4000  }
0x5d: {  	[sflag:s20] =	ssyncset.done $0x0  }
0x5e: {  	s31 =	sor.u32 $0x300, s26;
	[sflag:s20] =	ssyncadd.s32 $0xFFFFC000  }
0x5f: {  	[tilespmem:s17], [sflag:$0x1] =	stream.indirect.gather [hbm4b:s4+s16], $0x80, s31, s16, $0xb8;
	[tilespmem:$0x1CC00] =	vst v63  }
0x60: {  	s29 =	sor.u32 $0xA80, s26  }
0x61: {  	[spmem:s1] =	stream.indirect.scatter.add.f32 [tilespmem:s19], [sflag:$0x4], $0x80, s29, s16, $0xb8;
	[tilespmem:$0x1CC00] =	vst v63  }
0x62: {  	_ =	swait.ge [sflag:s14], $0x4000  }
0x63: {  	[sflag:s14] =	ssyncset.done $0x0  }
0x64: {  	[sflag:s14] =	ssyncadd.s32 $0xFFFFC000  }
0x65: {  	_ =	swait.ge [sflag:s18], $0x4000  }
0x66: {  	[sflag:s18] =	ssyncset.done $0x0  }
0x67: {  	s30 =	sor.u32 $0x380, s26;
	[sflag:s18] =	ssyncadd.s32 $0xFFFFC000  }
0x68: {  	[tilespmem:s19], [sflag:$0x2] =	stream.indirect.gather [hbm4b:s4+s16], $0x80, s30, s16, $0xb8;
	[tilespmem:$0x1CC00] =	vst v63  }
0x69: {  	s31 =	sor.u32 $0xB00, s26  }
0x6a: {  	[spmem:s1] =	stream.indirect.scatter.add.f32 [tilespmem:s17], [sflag:$0x4], $0x80, s31, s16, $0xb8;
	[tilespmem:$0x1CC00] =	vst v63  }
0x6b: {  	_ =	swait.ge [sflag:s14], $0x4000  }
0x6c: {  	[sflag:s14] =	ssyncset.done $0x0  }
0x6d: {  	[sflag:s14] =	ssyncadd.s32 $0xFFFFC000  }
0x6e: {  	_ =	swait.ge [sflag:s20], $0x4000  }
0x6f: {  	[sflag:s20] =	ssyncset.done $0x0  }
.Ltmp2:
0x70: {  	s26 =	sor.u32 $0xB80, s26;
	[sflag:s20] =	ssyncadd.s32 $0xFFFFC000;
	(pc) =	sbr.rel @p0 .LBB2_4-.Ltmp2, $4  }
0x71: {  	[spmem:s1] =	stream.indirect.scatter.add.f32 [tilespmem:s19], [sflag:$0x4], $0x80, s26, s16, $0xb8;
	[tilespmem:$0x1CC00] =	vst v63  }
0x72: {  	_ =	swait.ge [sflag:s14], $0x4000  }
0x73: {  	[sflag:s14] =	ssyncset.done $0x0  }
0x74: {  	[sflag:s14] =	ssyncadd.s32 $0xFFFFC000  }
0x75: {  	_ =	swait.ge [sflag:s21], $0x400  }
.Ltmp3:
0x76: {  	[sflag:s21] =	ssyncset.done $0x0;
	(pc) =	sbr.rel .LBB2_2-.Ltmp3, $4  }
0x77: {  	[sflag:s21] =	ssyncadd.s32 $0xFFFFFC00  }
0x78: {  	_ =	swait.ge [sflag:s21], $0x400  }
0x79: {  	s25 =	sadd.s32 $0x400, s25;
	[sflag:s21] =	ssyncset.done $0x0  }
0x7a: {  	s24 =	sadd.s32 $0x80, s24;
	s23 =	sadd.s32 $0x80, s23;
	[sflag:s21] =	ssyncadd.s32 $0xFFFFFC00  }
.LBB2_5:
0x7b: {  	_ =	sfence.sel $0x180000  }
0x7c: {  	[bflag:$0x0] =	sbarrier.arrive $0xFFFF  }
0x7d: {  	p0 =	sne.s32 s2, $0x0;
	_ =	strace $0x9000004D  }
0x7e: {  	s0 =	sadd.s32 @!p0 $0x100000, s0;
	[bflag:$0x2] =	sbarrier.arrive $0xFFFF  }
0x7f: {  	[sflag:s0] =	ssyncadd.tile.s32 @!p0 $0x1;
	_ =	shalt  }
.Lfunc_end2:
_tile_overlayer_lowered:
.L_overlay_start_2:
0x80: {  	(tag) =	ssettag $0x2  }
0x81: {  	s0 =	rddreg [dreg:$0x0];
	s2 =	stileid.u32  }
0x82: {  	s1 =	rddreg [dreg:$0x1];
	p0 =	sne.s32 s2, $0x0  }
0x83: {  	s3 =	rddreg [dreg:$0x2];
	[bflag:$0x3] =	sbarrier.arrive $0xFFFF;
	s2 =	simm.s32 @!p0 $0x1C04  }
0x84: {  	[timem:s3], [sflag:s2] =	dma.local @!p0 [hbm:s0], s1  }
0x85: {  	s0 =	simm.s32 @!p0 $0x4  }
0x86: {  	_ =	swait.ge @!p0 [sflag:s0], s1  }
0x87: {  	s1 =	ssub.s32 @!p0 $0x0, s1;
	[sflag:s0] =	ssyncset.done @!p0 $0x0  }
0x88: {  	[sflag:s0] =	ssyncadd.s32 @!p0 s1  }
0x89: {  	[bflag:$0x3] =	sbarrier.arrive $0xFFFF  }
0x8a: {  	_ =	shalt  }

// kernel: kernel.9.cloned.1.call-start
scs
__scs_entry_jumppad:
0x0: {  	(pc) =	sbr.rel $0x88, $3  }
0x1: {  	(tag) =	ssettag $0x0;
	lr =	simm.s32 $0x1  }
0x2: {  	[smem:$0x3F93] =	sst lr;
	_ =	strace $0xD0000000  }
0x3: {  	_ = 	snop  }
0x4: {  	_ = 	snop  }
0x5: {  	_ = 	snop  }
0x6: {  	_ = 	snop  }
0x7: {  	_ = 	snop  }
__scs_overlays_trampoline_lowered:
0x8: {  	[smem:$0x3FA2] =	sst s0  }
0x9: {  	[smem:$0x3FA3] =	sst s1  }
0xa: {  	[smem:$0x3FA4] =	sst s2  }
0xb: {  	[smem:$0x3FA5] =	sst s3  }
0xc: {  	[smem:$0x3FA6] =	sst s4  }
0xd: {  	[smem:$0x3FA7] =	sst s5  }
0xe: {  	[smem:$0x3FA8] =	sst s6  }
0xf: {  	[smem:$0x3FA9] =	sst s7  }
0x10: {  	[smem:$0x3FAA] =	sst s8  }
0x11: {  	[smem:$0x3FAB] =	sst s9;
	s0 =	simm.s32 @!p0 $0x0  }
0x12: {  	s1 =	sld [smem:$0x3F91];
	s0 =	simm.s32 @p0 $0x1  }
0x13: {  	[smem:$0x3FAC] =	sst s0;
	s0 =	simm.s32 @!p1 $0x0  }
0x14: {  	s2 =	sld [smem:$0x3F90];
	s0 =	simm.s32 @p1 $0x1  }
0x15: {  	[smem:$0x3FAD] =	sst s0;
	s0 =	simm.s32 @!p2 $0x0  }
0x16: {  	s3 =	sld [smem:$0x3FDB];
	s0 =	simm.s32 @p2 $0x1  }
0x17: {  	s4 =	simm.s32 $0x1BF5;
	[smem:$0x3FAF] =	sst s0  }
0x18: {  	s0 =	sld [smem:$0x3F92];
	_ =	swait.ge [sflag:s4], $0x0  }
0x19: {  	s7 =	sld [smem:$0x3F93]  }
0x1a: {  	s8 =	sadd.s32 $0xFFFFE003, lr  }
0x1b: {  	s9 =	sadd.s32 $0xFFFFFEF7, lr;
	s5 =	simm.s32 $0xFFFFFFFF;
	p2 =	slt.u32 s8, $0xFFFFF086  }
0x1c: {  	p1 =	slt.u32 s9, $0xF7A;
	s5 =	simm.s32 @!p2 $0x0  }
0x1d: {  	s5 =	simm.s32 @p1 $0x1;
	p0 =	seq.s32 s7, s2  }
0x1e: {  	s7 =	smul.u32 @!p0 $0xF7A, s2;
	p2 =	seq.s32 @!p0 s5, $0x0  }
0x1f: {  	s9 =	smul.u32 $0xF7A, s1;
	s8 =	simm.s32 @!p0 $0x1BF5;
	p2 =	por !p2, p0  }
0x20: {  	[sflag:s8] =	ssyncset.s32 @!p0 $0xFFFFF086;
	s6 =	sadd.s32 @!p0 s3, s7;
	s7 =	simm.s32 @!p0 $0x108  }
0x21: {  	s3 =	sadd.s32 s3, s9;
	s6 =	sadd.s32 @!p0 $0x88, s6;
	s7 =	simm.s32 @p2 $0x1082  }
0x22: {  	[simem:s7], [sflag:s8] =	dma.local @!p0 [hbm:s6], $0xF7A  }
0x23: {  	s9 =	sor.u32 $0xD0000000, s2;
	s6 =	simm.s32 $0x108;
	_ =	swait.ge @!p0 [sflag:s8], $0x0  }
0x24: {  	s3 =	sadd.s32 $0x88, s3;
	s6 =	simm.s32 @!p1 $0x1082;
	[sflag:s4] =	ssyncset.s32 $0xFFFFF086  }
0x25: {  	[simem:s6], [sflag:s4] =	dma.local [hbm:s3], $0xF7A  }
0x26: {  	[smem:$0x3F93] =	sst s1;
	(tag) =	ssettag s2;
	_ =	strace s9  }
0x27: {  	s1 =	sld [smem:$0x3FA3]  }
0x28: {  	s2 =	sld [smem:$0x3FA4]  }
0x29: {  	s4 =	sld [smem:$0x3FA6]  }
0x2a: {  	p0 =	seq.s32 s5, $0x0;
	s5 =	sld [smem:$0x3FA7]  }
0x2b: {  	s6 =	sld [smem:$0x3FA8]  }
0x2c: {  	s7 =	sld [smem:$0x3FA9]  }
0x2d: {  	s3 =	simm.s32 $0x108;
	s8 =	sld [smem:$0x3FAA]  }
0x2e: {  	s3 =	simm.s32 @!p0 $0x1082;
	s9 =	sld [smem:$0x3FAB]  }
0x2f: {  	lr =	sadd.s32 s0, s3;
	s0 =	sld [smem:$0x3FA2]  }
0x30: {  	s3 =	sld [smem:$0x3FA5]  }
0x31: {  	[smem:$0x3FAE] =	sst s10  }
0x32: {  	s10 =	sld [smem:$0x3FAC];
	_ =	sdelay $0x3  }
0x33: {  	p0 =	seq.s32 s10, $0x1;
	s10 =	sld [smem:$0x3FAE];
	_ =	sdelay $0x3  }
0x34: {  	[smem:$0x3FAE] =	sst s10  }
0x35: {  	s10 =	sld [smem:$0x3FAD];
	_ =	sdelay $0x3  }
0x36: {  	p1 =	seq.s32 s10, $0x1;
	s10 =	sld [smem:$0x3FAE];
	_ =	sdelay $0x3  }
0x37: {  	[smem:$0x3FAE] =	sst s10  }
0x38: {  	s10 =	sld [smem:$0x3FAF]  }
0x39: {  	_ = 	snop;
	(pc) =	sbr.ind lr, $3  }
0x3a: {  	_ = 	snop  }
0x3b: {  	_ = 	snop  }
0x3c: {  	p2 =	seq.s32 s10, $0x1;
	s10 =	sld [smem:$0x3FAE]  }
0x3d: {  	_ =	shalt  }
0x3e: {  	_ =	shalt  }
0x3f: {  	_ =	shalt  }
0x40: {  	_ =	shalt  }
0x41: {  	_ =	shalt  }
0x42: {  	_ =	shalt  }
0x43: {  	_ =	shalt  }
0x44: {  	_ =	shalt  }
0x45: {  	_ =	shalt  }
0x46: {  	_ =	shalt  }
0x47: {  	_ =	shalt  }
0x48: {  	_ =	shalt  }
0x49: {  	_ =	shalt  }
0x4a: {  	_ =	shalt  }
0x4b: {  	_ =	shalt  }
0x4c: {  	_ =	shalt  }
0x4d: {  	_ =	shalt  }
0x4e: {  	_ =	shalt  }
0x4f: {  	_ =	shalt  }
0x50: {  	_ =	shalt  }
0x51: {  	_ =	shalt  }
0x52: {  	_ =	shalt  }
0x53: {  	_ =	shalt  }
0x54: {  	_ =	shalt  }
0x55: {  	_ =	shalt  }
0x56: {  	_ =	shalt  }
0x57: {  	_ =	shalt  }
0x58: {  	_ =	shalt  }
0x59: {  	_ =	shalt  }
0x5a: {  	_ =	shalt  }
0x5b: {  	_ =	shalt  }
0x5c: {  	_ =	shalt  }
0x5d: {  	_ =	shalt  }
0x5e: {  	_ =	shalt  }
0x5f: {  	_ =	shalt  }
0x60: {  	_ =	shalt  }
0x61: {  	_ =	shalt  }
0x62: {  	_ =	shalt  }
0x63: {  	_ =	shalt  }
0x64: {  	_ =	shalt  }
0x65: {  	_ =	shalt  }
0x66: {  	_ =	shalt  }
0x67: {  	_ =	shalt  }
0x68: {  	_ =	shalt  }
0x69: {  	_ =	shalt  }
0x6a: {  	_ =	shalt  }
0x6b: {  	_ =	shalt  }
0x6c: {  	_ =	shalt  }
0x6d: {  	_ =	shalt  }
0x6e: {  	_ =	shalt  }
0x6f: {  	_ =	shalt  }
0x70: {  	_ =	shalt  }
0x71: {  	_ =	shalt  }
0x72: {  	_ =	shalt  }
0x73: {  	_ =	shalt  }
0x74: {  	_ =	shalt  }
0x75: {  	_ =	shalt  }
0x76: {  	_ =	shalt  }
0x77: {  	_ =	shalt  }
0x78: {  	_ =	shalt  }
0x79: {  	_ =	shalt  }
0x7a: {  	_ =	shalt  }
0x7b: {  	_ =	shalt  }
0x7c: {  	_ =	shalt  }
0x7d: {  	_ =	shalt  }
0x7e: {  	_ =	shalt  }
0x7f: {  	_ =	shalt  }
0x80: {  	_ =	shalt  }
0x81: {  	_ =	shalt  }
0x82: {  	_ =	shalt  }
0x83: {  	_ =	shalt  }
0x84: {  	_ =	shalt  }
0x85: {  	_ =	shalt  }
0x86: {  	_ =	shalt  }
0x87: {  	_ =	shalt  }
.Lfunc_end0:
.L_simem_size_0:
called_computation_lowered:
.L_overlay_start_0:
0x88: {  	s2 =	sld [smem:$0x3FD9]  }
0x89: {  	s3 =	sld [smem:$0x3FFE];
	_ =	sdelay $0x1  }
0x8a: {  	s1 =	srdreg.scid  }
0x8b: {  	s0 =	sand.u32 $0x1, s1  }
0x8c: {  	s16 =	sshll.u32 s0, $0xA;
	s2 =	sadd.s32 s3, s2  }
0x8d: {  	s2 =	sadd.s32 s2, s16  }
0x8e: {  	[smem:$0x3FBA] =	sst s2  }
0x8f: {  	_ = 	snop  }
0x90: {  	(tm) =	ssettm $0x1  }
0x91: {  	s17 =	sld [smem:$0x3FFB];
	_ =	sdelay $0x3  }
0x92: {  	_ =	strace s17  }
0x93: {  	s2 =	sld [smem:$0x3FFC];
	_ =	sdelay $0x3  }
0x94: {  	_ =	strace s2  }
0x95: {  	s2 =	sld [smem:$0x3FFD];
	_ =	sdelay $0x3  }
0x96: {  	_ =	strace s2  }
0x97: {  	_ =	strace $0x8FFFFFFF  }
0x98: {  	s18 =	sld [smem:$0x3FDB];
	_ =	sdelay $0x1  }
0x99: {  	s19 =	simm.s32 $_scs_section_size  }
0x9a: {  	s4 =	simm.s32 $_size__tile_overlayer_lowered;
	s5 =	simm.s32 $_tile_overlayer_lowered  }
0x9b: {  	s22 =	simm.s32 $0x1BFF;
	s21 =	sshll.u32 s5, $0x1;
	s2 =	sadd.s32 s19, s18  }
0x9c: {  	s6 =	simm.s32 $0x0;
	s20 =	sshll.u32 s4, $0x1;
	s4 =	sadd.s32 s21, s2  }
0x9d: {  	[timem:s6], [sflag:s22] =	dma.local [hbm:s4], s20  }
0x9e: {  	_ =	swait.ge [sflag:s22], s20  }
0x9f: {  	s3 =	ssub.s32 $0x0, s20;
	[sflag:s22] =	ssyncset.done $0x0  }
0xa0: {  	[sflag:s22] =	ssyncadd.s32 s3;
	_ =	sdelay $0x1  }
0xa1: {  	s23 =	simm.s32 $0x1B8B  }
0xa2: {  	_ =	swait.ge [sflag:s23], $0x1  }
0xa3: {  	[sflag:s23] =	ssyncset.done $0x0  }
0xa4: {  	s25 =	simm.s32 $0x1B8E;
	s24 =	sld [smem:$0x3FFE];
	[sflag:s23] =	ssyncadd.s32 $0xFFFFFFFF  }
0xa5: {  	s26 =	simm.s32 $execute0_lowered;
	[smem:$0x3FD2] =	sst s25  }
0xa6: {  	s4 =	sshll.u32 s26, $0x1;
	_ =	strace $0x80000046;
	[dreg:$0x1] =	wrdreg $0xFFFFFFFF  }
0xa7: {  	s28 =	simm.s32 $_size_execute0_lowered;
	s2 =	sadd.s32 s2, s4;
	[dreg:$0x0] =	wrdreg $0x0  }
0xa8: {  	s4 =	sshll.u32 s28, $0x1;
	[dreg:$0x2] =	wrdreg s2  }
0xa9: {  	[dreg:$0x3] =	wrdreg s4  }
0xaa: {  	[dreg:$0x4] =	wrdreg $0xC0  }
0xab: {  	_ =	task [dreg:s6], $0x5FFFF  }
0xac: {  	[dreg:$0x1] =	wrdreg $0xFFFFFFFF  }
0xad: {  	[dreg:$0x0] =	wrdreg $0x60  }
0xae: {  	[dreg:$0x2] =	wrdreg s24  }
0xaf: {  	[dreg:$0x3] =	wrdreg $0x9  }
0xb0: {  	_ =	task.clear_ibuf [dreg:s6], $0x4FFFF;
	_ =	strace $0x90000046  }
0xb1: {  	s29 =	simm.s32 $0x9;
	_ =	strace $0x80000048  }
0xb2: {  	_ =	swait.ge [sflag:s29], $0x1  }
0xb3: {  	[sflag:s29] =	ssyncadd.s32 $0xFFFFFFFF  }
0xb4: {  	_ =	strace $0x90000048  }
0xb5: {  	_ =	sfence  }
0xb6: {  	s30 =	sld [smem:$0x0];
	_ =	sdelay $0x2  }
0xb7: {  	s31 =	sshll.u32 s1, $0xD;
	s1 =	sshrl.u32 s1, $0x2  }
0xb8: {  	s3 =	sand.u32 $0x4000, s31;
	s1 =	sadd.s32 s1, s30  }
0xb9: {  	s0 =	sor.u32 s3, s0;
	s1 =	sshll.u32 s1, $0x11  }
0xba: {  	s0 =	sor.u32 s1, s0  }
0xbb: {  	s0 =	sadd.s32 $0x8F2B, s0  }
0xbc: {  	[sflag:s0] =	ssyncadd.remote.s32 $0x1  }
0xbd: {  	_ =	sfence.sel $0xFFFF  }
0xbe: {  	[dreg:$0x0] =	wrdreg $0xFFFFFFFF;
	(pc) =	sbr.abs _section_cstart, $3  }
0xbf: {  	[dreg:$0x1] =	wrdreg $0xFFFFFFFF  }
0xc0: {  	_ =	task.clear_ibuf [dreg:s6], $0x2FFFF;
	_ =	strace $0x9FFFFFFF  }
0xc1: {  	(tm) =	ssettm $0x7FFFFFFF  }
tec
execute0_lowered:
.L_overlay_start_1:
0x0: {  	(tag) =	ssettag $0x1  }
0x1: {  	s0 =	srdreg.scid  }
0x2: {  	s3 =	sand.u32 $0x1, s0  }
0x3: {  	s4 =	rddreg [dreg:$0x0];
	s0 =	stileid.u32;
	s1 =	sshll.u32 s3, $0x4  }
0x4: {  	s2 =	simm.s32 $0x0;
	s11 =	simm.s32 $0x7800;
	s5 =	sor.u32 s0, s1  }
0x5: {  	s12 =	simm.s32 $0x0;
	[smem:$0x7FF] =	sst s2;
	s6 =	smul.u32 $0x500, s5  }
0x6: {  	s8 =	sadd.s32 $0x16C00, s4;
	s3 =	ssub.s32 $0x2, s3;
	s5 =	smul.u32 $0x2800, s5  }
0x7: {  	s1 =	rddreg [dreg:$0x1];
	_ =	strace $0x80000047;
	s31 =	sshrl.u32 s3, $0x1  }
0x8: {  	s9 =	ssub.s32 s3, s31;
	s7 =	sadd.s32 s6, s4;
	s5 =	sshrl.u32 s5, $0x3  }
0x9: {  	s3 =	sadd.s32 $0xCC00, s7;
	s10 =	sadd.s32 s8, s5;
	s4 =	sadd.s32 $0x2C00, s7  }
0xa: {  	s5 =	sadd.s32 s8, s6;
	s7 =	smax.u32 s9, $0x1;
	s8 =	simm.s32 $0x1  }
0xb: {  	v0 =	vimm.f32 $0.0e+00;
	v1 =	vimm.f32 $1.000000000e+00;
	s9 =	simm.s32 $0x2800;
	s6 =	sadd.s32 $0xA000, s10;
	s10 =	simm.s32 $0x5000  }
.LBB2_1:
0xc: {  	s13 =	simm.s32 $0x0;
	s14 =	simm.s32 $0x200  }
.LBB2_2:
0xd: {  	p0 =	sne.s32 s14, $0x9E00;
	[tilespmem:s13+$0x7870] =	vst v0  }
0xe: {  	[tilespmem:s13+$0x5000] =	vst v0  }
0xf: {  	[tilespmem:s13+$0x7800] =	vst v0  }
0x10: {  	[tilespmem:s13+$0x5010] =	vst v0  }
0x11: {  	[tilespmem:s13+$0x7810] =	vst v0  }
0x12: {  	[tilespmem:s13+$0x5020] =	vst v0  }
0x13: {  	[tilespmem:s13+$0x7820] =	vst v0  }
0x14: {  	[tilespmem:s13+$0x5030] =	vst v0  }
0x15: {  	[tilespmem:s13+$0x7830] =	vst v0  }
0x16: {  	[tilespmem:s13+$0x5040] =	vst v0  }
0x17: {  	[tilespmem:s13+$0x7840] =	vst v0  }
.Ltmp0:
0x18: {  	[tilespmem:s13+$0x5050] =	vst v0;
	(pc) =	sbr.rel @p0 .LBB2_2-.Ltmp0, $4  }
0x19: {  	[tilespmem:s13+$0x7850] =	vst v0  }
0x1a: {  	[tilespmem:s13+$0x5060] =	vst v0  }
0x1b: {  	[tilespmem:s13+$0x7860] =	vst v0  }
0x1c: {  	[tilespmem:s13+$0x5070] =	vst v0;
	s13 =	sshra.s32 s14, $0x2;
	s14 =	sadd.s32 $0x200, s14  }
0x1d: {  	[tilespmem:s13+$0x7870] =	vst v0  }
0x1e: {  	[tilespmem:s13+$0x5000] =	vst v0  }
0x1f: {  	[tilespmem:s13+$0x7800] =	vst v0  }
0x20: {  	[tilespmem:s13+$0x5010] =	vst v0  }
0x21: {  	[tilespmem:s13+$0x7810] =	vst v0  }
0x22: {  	[tilespmem:s13+$0x5020] =	vst v0  }
0x23: {  	[tilespmem:s13+$0x7820] =	vst v0  }
0x24: {  	[tilespmem:s13+$0x5030] =	vst v0  }
0x25: {  	[tilespmem:s13+$0x7830] =	vst v0  }
0x26: {  	[tilespmem:s13+$0x5040] =	vst v0  }
0x27: {  	[tilespmem:s13+$0x7840] =	vst v0  }
0x28: {  	[tilespmem:s13+$0x5050] =	vst v0  }
0x29: {  	[tilespmem:s13+$0x7850] =	vst v0  }
0x2a: {  	[tilespmem:s13+$0x5060] =	vst v0  }
0x2b: {  	[tilespmem:s13+$0x7860] =	vst v0  }
0x2c: {  	[tilespmem:s13+$0x5070] =	vst v0;
	s13 =	simm.s32 $0x0  }
0x2d: {  	[tilespmem:s13], [sflag:$0x1] =	stream.linear.gather [hbm4b:s3+s13], $0x2800, $0x38;
	[tilespmem:$0xA000] =	vst v63  }
0x2e: {  	_ =	swait.ge [sflag:s8], $0x2800  }
0x2f: {  	[sflag:s8] =	ssyncset.done $0x0  }
0x30: {  	[sflag:s8] =	ssyncadd.s32 $0xFFFFD800  }
0x31: {  	[tilespmem:s9], [sflag:$0x1] =	stream.linear.gather [hbm4b:s4+s13], $0x2800, $0x38;
	[tilespmem:$0xA000] =	vst v63  }
0x32: {  	_ =	swait.ge [sflag:s8], $0x2800  }
0x33: {  	[sflag:s8] =	ssyncset.done $0x0  }
0x34: {  	[sflag:s8] =	ssyncadd.s32 $0xFFFFD800  }
.LBB2_4:
0x35: {  	s14 =	sshra.s32 s13, $0x2  }
0x36: {  	v2 =	vld [tilespmem:s14+$0x0];
	_ =	sdelay $0x7  }
0x37: {  	[tilespmem:v2+s10+$0x0] =	vst.idx.add.f32.msk $0xffff, v1  }
0x38: {  	v2 =	vld [tilespmem:s14+$0x2800];
	_ =	sdelay $0x7  }
0x39: {  	[tilespmem:v2+s11+$0x0] =	vst.idx.add.f32.msk $0xffff, v1  }
0x3a: {  	v2 =	vld [tilespmem:s14+$0x10];
	_ =	sdelay $0x7  }
0x3b: {  	[tilespmem:v2+s10+$0x0] =	vst.idx.add.f32.msk $0xffff, v1  }
0x3c: {  	v2 =	vld [tilespmem:s14+$0x2810];
	_ =	sdelay $0x7  }
0x3d: {  	[tilespmem:v2+s11+$0x0] =	vst.idx.add.f32.msk $0xffff, v1  }
0x3e: {  	v2 =	vld [tilespmem:s14+$0x20];
	_ =	sdelay $0x7  }
0x3f: {  	[tilespmem:v2+s10+$0x0] =	vst.idx.add.f32.msk $0xffff, v1  }
0x40: {  	v2 =	vld [tilespmem:s14+$0x2820];
	_ =	sdelay $0x7  }
0x41: {  	[tilespmem:v2+s11+$0x0] =	vst.idx.add.f32.msk $0xffff, v1  }
0x42: {  	v2 =	vld [tilespmem:s14+$0x30];
	_ =	sdelay $0x7  }
0x43: {  	[tilespmem:v2+s10+$0x0] =	vst.idx.add.f32.msk $0xffff, v1  }
0x44: {  	v2 =	vld [tilespmem:s14+$0x2830];
	_ =	sdelay $0x7  }
0x45: {  	[tilespmem:v2+s11+$0x0] =	vst.idx.add.f32.msk $0xffff, v1  }
0x46: {  	v2 =	vld [tilespmem:s14+$0x40];
	_ =	sdelay $0x7  }
0x47: {  	[tilespmem:v2+s10+$0x0] =	vst.idx.add.f32.msk $0xffff, v1  }
0x48: {  	v2 =	vld [tilespmem:s14+$0x2840];
	_ =	sdelay $0x7  }
0x49: {  	[tilespmem:v2+s11+$0x0] =	vst.idx.add.f32.msk $0xffff, v1  }
0x4a: {  	v2 =	vld [tilespmem:s14+$0x50];
	_ =	sdelay $0x7  }
0x4b: {  	[tilespmem:v2+s10+$0x0] =	vst.idx.add.f32.msk $0xffff, v1  }
0x4c: {  	v2 =	vld [tilespmem:s14+$0x2850];
	_ =	sdelay $0x7  }
0x4d: {  	[tilespmem:v2+s11+$0x0] =	vst.idx.add.f32.msk $0xffff, v1  }
0x4e: {  	v2 =	vld [tilespmem:s14+$0x60];
	_ =	sdelay $0x7  }
0x4f: {  	[tilespmem:v2+s10+$0x0] =	vst.idx.add.f32.msk $0xffff, v1  }
0x50: {  	v2 =	vld [tilespmem:s14+$0x2860];
	_ =	sdelay $0x7  }
0x51: {  	[tilespmem:v2+s11+$0x0] =	vst.idx.add.f32.msk $0xffff, v1  }
0x52: {  	v2 =	vld [tilespmem:s14+$0x70];
	_ =	sdelay $0x7  }
0x53: {  	[tilespmem:v2+s10+$0x0] =	vst.idx.add.f32.msk $0xffff, v1  }
0x54: {  	v2 =	vld [tilespmem:s14+$0x2870];
	_ =	sdelay $0x2  }
0x55: {  	p0 =	sne.s32 s13, $0x9E00  }
.Ltmp1:
0x56: {  	_ = 	snop;
	(pc) =	sbr.rel @p0 .LBB2_4-.Ltmp1, $2  }
0x57: {  	_ =	sdelay $0x2  }
0x58: {  	s13 =	sadd.s32 $0x200, s13;
	[tilespmem:v2+s11+$0x0] =	vst.idx.add.f32.msk $0xffff, v1  }
0x59: {  	[hbm4b:s5+s2] =	stream.linear.scatter [tilespmem:s10], [sflag:$0x1], $0x2800, $0x38;
	[tilespmem:$0xA000] =	vst v63  }
0x5a: {  	s12 =	sadd.s32 $0x1, s12;
	_ =	swait.ge [sflag:s8], $0x2800  }
0x5b: {  	p0 =	sne.s32 s12, s7;
	[sflag:s8] =	ssyncset.done $0x0  }
.Ltmp2:
0x5c: {  	[sflag:s8] =	ssyncadd.s32 $0xFFFFD800;
	(pc) =	sbr.rel @p0 .LBB2_1-.Ltmp2, $4  }
0x5d: {  	[hbm4b:s6+s2] =	stream.linear.scatter [tilespmem:s11], [sflag:$0x1], $0x2800, $0x38;
	[tilespmem:$0xA000] =	vst v63  }
0x5e: {  	_ =	swait.ge [sflag:s8], $0x2800  }
0x5f: {  	[sflag:s8] =	ssyncset.done $0x0  }
0x60: {  	[sflag:s8] =	ssyncadd.s32 $0xFFFFD800  }
0x61: {  	_ =	sfence.sel $0x180000  }
0x62: {  	[bflag:$0x0] =	sbarrier.arrive $0xFFFF  }
0x63: {  	p0 =	sne.s32 s0, $0x0;
	_ =	strace $0x90000047  }
0x64: {  	s0 =	sadd.s32 @!p0 $0x100000, s1;
	[bflag:$0x2] =	sbarrier.arrive $0xFFFF  }
0x65: {  	[sflag:s0] =	ssyncadd.tile.s32 @!p0 $0x1;
	_ =	shalt  }
.Lfunc_end2:
_tile_overlayer_lowered:
.L_overlay_start_2:
0x66: {  	(tag) =	ssettag $0x2  }
0x67: {  	s0 =	rddreg [dreg:$0x0];
	s2 =	stileid.u32  }
0x68: {  	s1 =	rddreg [dreg:$0x1];
	p0 =	sne.s32 s2, $0x0  }
0x69: {  	s3 =	rddreg [dreg:$0x2];
	[bflag:$0x3] =	sbarrier.arrive $0xFFFF;
	s2 =	simm.s32 @!p0 $0x1C01  }
0x6a: {  	[timem:s3], [sflag:s2] =	dma.local @!p0 [hbm:s0], s1  }
0x6b: {  	s0 =	simm.s32 @!p0 $0x1  }
0x6c: {  	_ =	swait.ge @!p0 [sflag:s0], s1  }
0x6d: {  	s1 =	ssub.s32 @!p0 $0x0, s1;
	[sflag:s0] =	ssyncset.done @!p0 $0x0  }
0x6e: {  	[sflag:s0] =	ssyncadd.s32 @!p0 s1  }
0x6f: {  	[bflag:$0x3] =	sbarrier.arrive $0xFFFF  }
0x70: {  	_ =	shalt  }

</sc_bundles>
